<compile_context>
chip_gen: v7x
topology: tpu7x:2x2x1
jax: 0.10.2.dev20260603
libtpu: 0.0.44.dev20260713+nightly
codegen_flags: <defaults>
</compile_context>

<pallas_src>
import functools

import jax
import jax.numpy as jnp
from jax import lax
from jax.experimental import pallas as pl
from jax.experimental.pallas import tpu as pltpu
from jax.experimental.pallas import tpu_sc as plsc

PHI = 1.61803398875

NC, NS = 2, 16
NW = NC * NS
CHUNK = 128
K = 5
GROUP = CHUNK * K
TBLK = 8192
NTB = 62
V2 = NTB * TBLK


def _transform_tc(table_t, wt, b1, v, d):
    last_blk = (v - 1) // TBLK

    def body(xl_ref, xh_ref, w_ref, b_ref, o_ref):
        def half(x):
            acc = lax.dot_general(
                x, w_ref[...],
                dimension_numbers=(((0,), (0,)), ((), ())),
                preferred_element_type=jnp.float32,
            )
            return (acc + b_ref[...]) * PHI

        o_ref[:, :d] = half(xl_ref[...])
        o_ref[:, d:] = half(xh_ref[...])

    return pl.pallas_call(
        body,
        grid=(NTB,),
        in_specs=[
            pl.BlockSpec((d, TBLK), lambda i: (0, i)),
            pl.BlockSpec((d, TBLK), lambda i: (0, jnp.minimum(i + NTB, last_blk))),
            pl.BlockSpec((d, d), lambda i: (0, 0)),
            pl.BlockSpec((1, d), lambda i: (0, 0)),
        ],
        out_specs=pl.BlockSpec((TBLK, 2 * d), lambda i: (i, 0)),
        out_shape=jax.ShapeDtypeStruct((V2, 2 * d), jnp.float32),
    )(table_t, table_t, wt, b1)


def _gather_sc(t2, idx3, total_rows, d2):
    nchunks = idx3.shape[1]
    ngroups = nchunks // K
    rows_per_w = nchunks * CHUNK

    mesh = plsc.VectorSubcoreMesh(core_axis_name="c", subcore_axis_name="s")

    @functools.partial(
        pl.kernel,
        out_type=jax.ShapeDtypeStruct((total_rows, d2), jnp.float32),
        mesh=mesh,
        scratch_types=[
            pltpu.VMEM((nchunks, CHUNK), jnp.int32),
            pltpu.VMEM((GROUP, d2), jnp.float32),
            pltpu.SemaphoreType.DMA,
            pltpu.SemaphoreType.DMA,
        ],
        compiler_params=pltpu.CompilerParams(use_tc_tiling_on_sc=True),
    )
    def gather_kernel(t2_hbm, idx_hbm, out_hbm, idx_v, buf, sem, semf):
        wid = lax.axis_index("s") * NC + lax.axis_index("c")
        base = wid * rows_per_w
        h1 = 2 * CHUNK
        h2 = GROUP - h1
        pltpu.sync_copy(idx_hbm.at[wid], idx_v)

        def drain_flushes():
            pltpu.make_async_copy(
                buf.at[pl.ds(0, h1)], out_hbm.at[pl.ds(base, h1)], semf
            ).wait()
            pltpu.make_async_copy(
                buf.at[pl.ds(h1, h2)], out_hbm.at[pl.ds(base, h2)], semf
            ).wait()

        def body(g, carry):
            @pl.when(g > 0)
            def _():
                drain_flushes()

            off = base + g * GROUP
            copies = [
                pltpu.async_copy(
                    t2_hbm.at[idx_v.at[g * K + j]],
                    buf.at[pl.ds(j * CHUNK, CHUNK)],
                    sem,
                )
                for j in range(K)
            ]
            copies[0].wait()
            copies[1].wait()
            pltpu.async_copy(
                buf.at[pl.ds(0, h1)], out_hbm.at[pl.ds(off, h1)], semf
            )
            for c in copies[2:]:
                c.wait()
            pltpu.async_copy(
                buf.at[pl.ds(h1, h2)], out_hbm.at[pl.ds(off + h1, h2)], semf
            )
            return carry

        lax.fori_loop(0, ngroups, body, 0)
        drain_flushes()

    return gather_kernel(t2, idx3)


def _transpose_tc(g2_s, ident, m3, acc, l0, nl, seq, d, bsz):
    blk = 8192
    jgrid = bsz // blk

    def body(*refs):
        x_ref, i_ref, m_ref, o_ref = refs[-4], refs[-3], refs[-2], refs[-1]
        x = x_ref[...]

        def tr(xh):
            return lax.dot_general(
                i_ref[...], xh,
                dimension_numbers=(((1,), (1,)), ((), ())),
                preferred_element_type=jnp.float32,
            )

        zl = tr(x[:, :d])
        zr = tr(x[:, d:])
        m = m_ref[0]
        o_ref[0] = zl + (zr - zl) * m

    in_specs = [
        pl.BlockSpec((blk, 2 * d), lambda l, j: (l * jgrid + j, 0)),
        pl.BlockSpec((d, d), lambda l, j: (0, 0)),
        pl.BlockSpec((1, 1, blk), lambda l, j: (l0 + l, 0, j)),
    ]
    args = (g2_s, ident, m3)
    aliases = {}
    if acc is not None:
        in_specs = [pl.BlockSpec(memory_space=pl.ANY)] + in_specs
        args = (acc,) + args
        aliases = {0: 0}

    return pl.pallas_call(
        body,
        grid=(nl, jgrid),
        in_specs=in_specs,
        out_specs=pl.BlockSpec((1, d, blk), lambda l, j: (l0 + l, 0, j)),
        out_shape=jax.ShapeDtypeStruct((seq, d, bsz), jnp.float32),
        input_output_aliases=aliases,
    )(*args)


def kernel(idx, table, W, b):
    bsz, seq = idx.shape
    v, d = table.shape
    m = bsz * seq
    t2 = _transform_tc(table.T, W.T, b.reshape(1, d), v, d)
    idx_t = idx.T
    hi = idx_t >= V2
    idx_g = (idx_t - V2 * hi.astype(idx_t.dtype)).astype(jnp.int32)
    m3 = hi.astype(jnp.float32).reshape(seq, 1, bsz)
    nsl = 5
    nl = seq // nsl
    rows_s = nl * bsz
    idx4 = idx_g.reshape(nsl, NW, rows_s // (NW * CHUNK), CHUNK)
    ident = jnp.eye(d, dtype=jnp.float32)
    acc = None
    for s in range(nsl):
        g2_s = _gather_sc(t2, idx4[s], rows_s, 2 * d)
        acc = _transpose_tc(g2_s, ident, m3, acc, s * nl, nl, seq, d, bsz)
    return jnp.transpose(acc, (2, 0, 1))

# --- scband reference (transcript-rebuilt; emitter-appended) ---
"""Pipeline reference for scband-infinite-radix-mapping-11819749998770 (READ-ONLY COPY).

The authoritative reference and input builder live on the scoring server;
editing this copy changes nothing except your own understanding.
"""

import jax, jax.numpy as jnp
import numpy as np

VOCAB = 1000000
D_MODEL = 64
PHI = 1.61803398875

def setup_inputs(seed: int = 0) -> dict:
    key = jax.random.key(seed)
    k1, k2, k3, k4 = jax.random.split(key, 4)
    idx = jax.random.randint(k1, (16384, 50), 0, VOCAB, dtype=jnp.int64 if jax.config.jax_enable_x64 else jnp.int32)
    table = jax.random.normal(k2, (VOCAB, D_MODEL), dtype=jnp.float32)
    # nn.Linear(d_model, d_model): weight [out, in], bias [out]
    bound = 1.0 / np.sqrt(D_MODEL)
    W = jax.random.uniform(k3, (D_MODEL, D_MODEL), minval=-bound, maxval=bound, dtype=jnp.float32)
    b = jax.random.uniform(k4, (D_MODEL,), minval=-bound, maxval=bound, dtype=jnp.float32)
    return {"idx": idx, "table": table, "W": W, "b": b}

def reference(idx, table, W, b):
    base = jnp.take(table, idx, axis=0)            # [B, L, d]
    expanded = (base @ W.T + b) * PHI              # fractal_expansion * phi
    return expanded

if __name__ == "__main__":
    import jax
    _d = setup_inputs()
    print(jax.jit(kernel)(*tuple(_d.values())))

</pallas_src>

<mosaic_0001>
#map = affine_map<(d0, d1) -> (0, 0)>
#map1 = affine_map<(d0, d1) -> (0, 0, 0)>
module attributes {stable_mosaic.version = 14 : i64} {
  func.func @gather_kernel(%arg0: i32, %arg1: i32, %arg2: memref<507904x128xf32, #tpu.memory_space<hbm>>, %arg3: memref<32x40x128xi32, #tpu.memory_space<hbm>>, %arg4: memref<163840x128xf32, #tpu.memory_space<hbm>>, %arg5: memref<40x128xi32, #tpu.memory_space<vmem>>, %arg6: memref<640x128xf32, #tpu.memory_space<vmem>>, %arg7: memref<!tpu.dma_semaphore, #tpu.memory_space<semaphore_mem>>, %arg8: memref<!tpu.dma_semaphore, #tpu.memory_space<semaphore_mem>>) attributes {dimension_semantics = [#tpu.dimension_semantics<core_parallel>, #tpu.dimension_semantics<subcore_parallel>], iteration_bounds = array<i64: 2, 16>, scalar_prefetch = 0 : i64, scratch_operands = 4 : i64, tpu.core_type = #tpu.core_type<sc_vector_subcore>, window_params = [{transform_indices = #map}, {transform_indices = #map1}, {transform_indices = #map}]} {
    %mul3A = arith.constant 2 : i32
    %mul3A_0 = arith.muli %arg1, %mul3A : i32
    %add3A = arith.addi %mul3A_0, %arg0 : i32
    %mul3A_1 = arith.constant 5120 : i32
    %mul3A_2 = arith.muli %add3A, %mul3A_1 : i32
    "tpu.region"() ({
      %run_scoped3A = tpu.sem_alloc : memref<!tpu.dma_semaphore, #tpu.memory_space<semaphore_mem>>
      %dma_start3A = arith.constant 0 : i32
      %dma_start3A_27 = arith.constant 0 : i32
      %dma_start3A_28 = tpu.memref_slice %arg3[%add3A, %dma_start3A, %dma_start3A_27] : memref<32x40x128xi32, #tpu.memory_space<hbm>> -> memref<1x40x128xi32, #tpu.memory_space<hbm>>
      %dma_start3A_29 = tpu.memref_squeeze %dma_start3A_28 : memref<1x40x128xi32, #tpu.memory_space<hbm>> -> memref<40x128xi32, #tpu.memory_space<hbm>>
      %dma_start3A_30 = arith.constant 0 : i32
      %dma_start3A_31 = arith.constant 0 : i32
      %dma_start3A_32 = tpu.memref_slice %arg3[%add3A, %dma_start3A_30, %dma_start3A_31] : memref<32x40x128xi32, #tpu.memory_space<hbm>> -> memref<1x40x128xi32, #tpu.memory_space<hbm>>
      %dma_start3A_33 = tpu.memref_squeeze %dma_start3A_32 : memref<1x40x128xi32, #tpu.memory_space<hbm>> -> memref<40x128xi32, #tpu.memory_space<hbm>>
      tpu.enqueue_dma source(%dma_start3A_33 : memref<40x128xi32, #tpu.memory_space<hbm>>) target(%arg5 : memref<40x128xi32, #tpu.memory_space<vmem>>) target_semaphore(%run_scoped3A : memref<!tpu.dma_semaphore, #tpu.memory_space<semaphore_mem>>)
      %dma_wait3A_34 = arith.constant 0 : i32
      %dma_wait3A_35 = arith.constant 0 : i32
      %dma_wait3A_36 = tpu.memref_slice %arg3[%add3A, %dma_wait3A_34, %dma_wait3A_35] : memref<32x40x128xi32, #tpu.memory_space<hbm>> -> memref<1x40x128xi32, #tpu.memory_space<hbm>>
      %dma_wait3A_37 = tpu.memref_squeeze %dma_wait3A_36 : memref<1x40x128xi32, #tpu.memory_space<hbm>> -> memref<40x128xi32, #tpu.memory_space<hbm>>
      %dma_wait3A_38 = arith.constant 0 : i32
      %dma_wait3A_39 = arith.constant 0 : i32
      %dma_wait3A_40 = tpu.memref_slice %arg3[%add3A, %dma_wait3A_38, %dma_wait3A_39] : memref<32x40x128xi32, #tpu.memory_space<hbm>> -> memref<1x40x128xi32, #tpu.memory_space<hbm>>
      %dma_wait3A_41 = tpu.memref_squeeze %dma_wait3A_40 : memref<1x40x128xi32, #tpu.memory_space<hbm>> -> memref<40x128xi32, #tpu.memory_space<hbm>>
      tpu.wait_dma2 semaphore(%run_scoped3A : memref<!tpu.dma_semaphore, #tpu.memory_space<semaphore_mem>>) src(%dma_wait3A_41 : memref<40x128xi32, #tpu.memory_space<hbm>>) dst(%arg5 : memref<40x128xi32, #tpu.memory_space<vmem>>)
      tpu.yield
    }) : () -> ()
    %scan3A = arith.constant 0 : i32
    %scan3A_3 = arith.constant 0 : i32
    %scan3A_4 = arith.constant 8 : i32
    %scan3A_5 = arith.addi %scan3A_3, %scan3A_4 : i32
    %scan3A_6 = arith.constant 1 : i32
    scf.for %scan3A_27 = %scan3A_3 to %scan3A_5 step %scan3A_6  : i32 {
      %gt3A = arith.constant 0 : i32
      %gt3A_28 = arith.cmpi sgt, %scan3A_27, %gt3A : i32
      %convert_element_type3A = arith.extui %gt3A_28 : i1 to i32
      %cond3A = arith.constant 0 : i32
      %cond3A_29 = arith.cmpi ne, %convert_element_type3A, %cond3A : i32
      scf.if %cond3A_29 {
        %dma_wait3A_164 = arith.constant 0 : i32
        %dma_wait3A_165 = arith.constant 0 : i32
        %dma_wait3A_166 = tpu.memref_slice %arg6[%dma_wait3A_164, %dma_wait3A_165] : memref<640x128xf32, #tpu.memory_space<vmem>> -> memref<256x128xf32, #tpu.memory_space<vmem>>
        %dma_wait3A_167 = arith.constant 0 : i32
        %dma_wait3A_168 = tpu.memref_slice %arg4[%mul3A_2, %dma_wait3A_167] : memref<163840x128xf32, #tpu.memory_space<hbm>> -> memref<256x128xf32, #tpu.memory_space<hbm>>
        %dma_wait3A_169 = arith.constant 0 : i32
        %dma_wait3A_170 = tpu.memref_slice %arg4[%mul3A_2, %dma_wait3A_169] : memref<163840x128xf32, #tpu.memory_space<hbm>> -> memref<256x128xf32, #tpu.memory_space<hbm>>
        %dma_wait3A_171 = arith.constant 0 : i32
        %dma_wait3A_172 = arith.constant 0 : i32
        %dma_wait3A_173 = tpu.memref_slice %arg6[%dma_wait3A_171, %dma_wait3A_172] : memref<640x128xf32, #tpu.memory_space<vmem>> -> memref<256x128xf32, #tpu.memory_space<vmem>>
        tpu.wait_dma2 semaphore(%arg8 : memref<!tpu.dma_semaphore, #tpu.memory_space<semaphore_mem>>) src(%dma_wait3A_173 : memref<256x128xf32, #tpu.memory_space<vmem>>) dst(%dma_wait3A_170 : memref<256x128xf32, #tpu.memory_space<hbm>>)
        %dma_wait3A_174 = arith.constant 256 : i32
        %dma_wait3A_175 = arith.constant 0 : i32
        %dma_wait3A_176 = tpu.memref_slice %arg6[%dma_wait3A_174, %dma_wait3A_175] : memref<640x128xf32, #tpu.memory_space<vmem>> -> memref<384x128xf32, #tpu.memory_space<vmem>>
        %dma_wait3A_177 = arith.constant 0 : i32
        %dma_wait3A_178 = tpu.memref_slice %arg4[%mul3A_2, %dma_wait3A_177] : memref<163840x128xf32, #tpu.memory_space<hbm>> -> memref<384x128xf32, #tpu.memory_space<hbm>>
        %dma_wait3A_179 = arith.constant 0 : i32
        %dma_wait3A_180 = tpu.memref_slice %arg4[%mul3A_2, %dma_wait3A_179] : memref<163840x128xf32, #tpu.memory_space<hbm>> -> memref<384x128xf32, #tpu.memory_space<hbm>>
        %dma_wait3A_181 = arith.constant 256 : i32
        %dma_wait3A_182 = arith.constant 0 : i32
        %dma_wait3A_183 = tpu.memref_slice %arg6[%dma_wait3A_181, %dma_wait3A_182] : memref<640x128xf32, #tpu.memory_space<vmem>> -> memref<384x128xf32, #tpu.memory_space<vmem>>
        tpu.wait_dma2 semaphore(%arg8 : memref<!tpu.dma_semaphore, #tpu.memory_space<semaphore_mem>>) src(%dma_wait3A_183 : memref<384x128xf32, #tpu.memory_space<vmem>>) dst(%dma_wait3A_180 : memref<384x128xf32, #tpu.memory_space<hbm>>)
      } else {
      }
      %mul3A_30 = arith.constant 640 : i32
      %mul3A_31 = arith.muli %scan3A_27, %mul3A_30 : i32
      %add3A_32 = arith.addi %mul3A_2, %mul3A_31 : i32
      %mul3A_33 = arith.constant 5 : i32
      %mul3A_34 = arith.muli %scan3A_27, %mul3A_33 : i32
      %add3A_35 = arith.constant 0 : i32
      %add3A_36 = arith.addi %mul3A_34, %add3A_35 : i32
      %dma_start3A = arith.constant 0 : i32
      %dma_start3A_37 = arith.constant 0 : i32
      %dma_start3A_38 = tpu.memref_slice %arg6[%dma_start3A, %dma_start3A_37] : memref<640x128xf32, #tpu.memory_space<vmem>> -> memref<128x128xf32, #tpu.memory_space<vmem>>
      %dma_start3A_39 = arith.constant 0 : i32
      %dma_start3A_40 = tpu.memref_slice %arg5[%add3A_36, %dma_start3A_39] : memref<40x128xi32, #tpu.memory_space<vmem>> -> memref<1x128xi32, #tpu.memory_space<vmem>>
      %dma_start3A_41 = tpu.memref_squeeze %dma_start3A_40 : memref<1x128xi32, #tpu.memory_space<vmem>> -> memref<128xi32, #tpu.memory_space<vmem>>
      %dma_start3A_42 = arith.constant 0 : i32
      %dma_start3A_43 = arith.constant 0 : i32
      %dma_start3A_44 = tpu.memref_slice %arg2[%dma_start3A_42, %dma_start3A_43] : memref<507904x128xf32, #tpu.memory_space<hbm>> -> memref<507904x128xf32, #tpu.memory_space<hbm>>
      tpu.enqueue_indirect_dma source(%dma_start3A_44 : memref<507904x128xf32, #tpu.memory_space<hbm>>) target(%dma_start3A_38 : memref<128x128xf32, #tpu.memory_space<vmem>>) offsets(%dma_start3A_41 : memref<128xi32, #tpu.memory_space<vmem>>) semaphore(%arg7 : memref<!tpu.dma_semaphore, #tpu.memory_space<semaphore_mem>>)
      %mul3A_45 = arith.constant 5 : i32
      %mul3A_46 = arith.muli %scan3A_27, %mul3A_45 : i32
      %add3A_47 = arith.constant 1 : i32
      %add3A_48 = arith.addi %mul3A_46, %add3A_47 : i32
      %dma_start3A_49 = arith.constant 128 : i32
      %dma_start3A_50 = arith.constant 0 : i32
      %dma_start3A_51 = tpu.memref_slice %arg6[%dma_start3A_49, %dma_start3A_50] : memref<640x128xf32, #tpu.memory_space<vmem>> -> memref<128x128xf32, #tpu.memory_space<vmem>>
      %dma_start3A_52 = arith.constant 0 : i32
      %dma_start3A_53 = tpu.memref_slice %arg5[%add3A_48, %dma_start3A_52] : memref<40x128xi32, #tpu.memory_space<vmem>> -> memref<1x128xi32, #tpu.memory_space<vmem>>
      %dma_start3A_54 = tpu.memref_squeeze %dma_start3A_53 : memref<1x128xi32, #tpu.memory_space<vmem>> -> memref<128xi32, #tpu.memory_space<vmem>>
      %dma_start3A_55 = arith.constant 0 : i32
      %dma_start3A_56 = arith.constant 0 : i32
      %dma_start3A_57 = tpu.memref_slice %arg2[%dma_start3A_55, %dma_start3A_56] : memref<507904x128xf32, #tpu.memory_space<hbm>> -> memref<507904x128xf32, #tpu.memory_space<hbm>>
      tpu.enqueue_indirect_dma source(%dma_start3A_57 : memref<507904x128xf32, #tpu.memory_space<hbm>>) target(%dma_start3A_51 : memref<128x128xf32, #tpu.memory_space<vmem>>) offsets(%dma_start3A_54 : memref<128xi32, #tpu.memory_space<vmem>>) semaphore(%arg7 : memref<!tpu.dma_semaphore, #tpu.memory_space<semaphore_mem>>)
      %mul3A_58 = arith.constant 5 : i32
      %mul3A_59 = arith.muli %scan3A_27, %mul3A_58 : i32
      %add3A_60 = arith.constant 2 : i32
      %add3A_61 = arith.addi %mul3A_59, %add3A_60 : i32
      %dma_start3A_62 = arith.constant 256 : i32
      %dma_start3A_63 = arith.constant 0 : i32
      %dma_start3A_64 = tpu.memref_slice %arg6[%dma_start3A_62, %dma_start3A_63] : memref<640x128xf32, #tpu.memory_space<vmem>> -> memref<128x128xf32, #tpu.memory_space<vmem>>
      %dma_start3A_65 = arith.constant 0 : i32
      %dma_start3A_66 = tpu.memref_slice %arg5[%add3A_61, %dma_start3A_65] : memref<40x128xi32, #tpu.memory_space<vmem>> -> memref<1x128xi32, #tpu.memory_space<vmem>>
      %dma_start3A_67 = tpu.memref_squeeze %dma_start3A_66 : memref<1x128xi32, #tpu.memory_space<vmem>> -> memref<128xi32, #tpu.memory_space<vmem>>
      %dma_start3A_68 = arith.constant 0 : i32
      %dma_start3A_69 = arith.constant 0 : i32
      %dma_start3A_70 = tpu.memref_slice %arg2[%dma_start3A_68, %dma_start3A_69] : memref<507904x128xf32, #tpu.memory_space<hbm>> -> memref<507904x128xf32, #tpu.memory_space<hbm>>
      tpu.enqueue_indirect_dma source(%dma_start3A_70 : memref<507904x128xf32, #tpu.memory_space<hbm>>) target(%dma_start3A_64 : memref<128x128xf32, #tpu.memory_space<vmem>>) offsets(%dma_start3A_67 : memref<128xi32, #tpu.memory_space<vmem>>) semaphore(%arg7 : memref<!tpu.dma_semaphore, #tpu.memory_space<semaphore_mem>>)
      %mul3A_71 = arith.constant 5 : i32
      %mul3A_72 = arith.muli %scan3A_27, %mul3A_71 : i32
      %add3A_73 = arith.constant 3 : i32
      %add3A_74 = arith.addi %mul3A_72, %add3A_73 : i32
      %dma_start3A_75 = arith.constant 384 : i32
      %dma_start3A_76 = arith.constant 0 : i32
      %dma_start3A_77 = tpu.memref_slice %arg6[%dma_start3A_75, %dma_start3A_76] : memref<640x128xf32, #tpu.memory_space<vmem>> -> memref<128x128xf32, #tpu.memory_space<vmem>>
      %dma_start3A_78 = arith.constant 0 : i32
      %dma_start3A_79 = tpu.memref_slice %arg5[%add3A_74, %dma_start3A_78] : memref<40x128xi32, #tpu.memory_space<vmem>> -> memref<1x128xi32, #tpu.memory_space<vmem>>
      %dma_start3A_80 = tpu.memref_squeeze %dma_start3A_79 : memref<1x128xi32, #tpu.memory_space<vmem>> -> memref<128xi32, #tpu.memory_space<vmem>>
      %dma_start3A_81 = arith.constant 0 : i32
      %dma_start3A_82 = arith.constant 0 : i32
      %dma_start3A_83 = tpu.memref_slice %arg2[%dma_start3A_81, %dma_start3A_82] : memref<507904x128xf32, #tpu.memory_space<hbm>> -> memref<507904x128xf32, #tpu.memory_space<hbm>>
      tpu.enqueue_indirect_dma source(%dma_start3A_83 : memref<507904x128xf32, #tpu.memory_space<hbm>>) target(%dma_start3A_77 : memref<128x128xf32, #tpu.memory_space<vmem>>) offsets(%dma_start3A_80 : memref<128xi32, #tpu.memory_space<vmem>>) semaphore(%arg7 : memref<!tpu.dma_semaphore, #tpu.memory_space<semaphore_mem>>)
      %mul3A_84 = arith.constant 5 : i32
      %mul3A_85 = arith.muli %scan3A_27, %mul3A_84 : i32
      %add3A_86 = arith.constant 4 : i32
      %add3A_87 = arith.addi %mul3A_85, %add3A_86 : i32
      %dma_start3A_88 = arith.constant 512 : i32
      %dma_start3A_89 = arith.constant 0 : i32
      %dma_start3A_90 = tpu.memref_slice %arg6[%dma_start3A_88, %dma_start3A_89] : memref<640x128xf32, #tpu.memory_space<vmem>> -> memref<128x128xf32, #tpu.memory_space<vmem>>
      %dma_start3A_91 = arith.constant 0 : i32
      %dma_start3A_92 = tpu.memref_slice %arg5[%add3A_87, %dma_start3A_91] : memref<40x128xi32, #tpu.memory_space<vmem>> -> memref<1x128xi32, #tpu.memory_space<vmem>>
      %dma_start3A_93 = tpu.memref_squeeze %dma_start3A_92 : memref<1x128xi32, #tpu.memory_space<vmem>> -> memref<128xi32, #tpu.memory_space<vmem>>
      %dma_start3A_94 = arith.constant 0 : i32
      %dma_start3A_95 = arith.constant 0 : i32
      %dma_start3A_96 = tpu.memref_slice %arg2[%dma_start3A_94, %dma_start3A_95] : memref<507904x128xf32, #tpu.memory_space<hbm>> -> memref<507904x128xf32, #tpu.memory_space<hbm>>
      tpu.enqueue_indirect_dma source(%dma_start3A_96 : memref<507904x128xf32, #tpu.memory_space<hbm>>) target(%dma_start3A_90 : memref<128x128xf32, #tpu.memory_space<vmem>>) offsets(%dma_start3A_93 : memref<128xi32, #tpu.memory_space<vmem>>) semaphore(%arg7 : memref<!tpu.dma_semaphore, #tpu.memory_space<semaphore_mem>>)
      %dma_wait3A_97 = arith.constant 0 : i32
      %dma_wait3A_98 = arith.constant 0 : i32
      %dma_wait3A_99 = tpu.memref_slice %arg6[%dma_wait3A_97, %dma_wait3A_98] : memref<640x128xf32, #tpu.memory_space<vmem>> -> memref<128x128xf32, #tpu.memory_space<vmem>>
      %dma_wait3A_100 = arith.constant 0 : i32
      %dma_wait3A_101 = tpu.memref_slice %arg5[%add3A_36, %dma_wait3A_100] : memref<40x128xi32, #tpu.memory_space<vmem>> -> memref<1x128xi32, #tpu.memory_space<vmem>>
      %dma_wait3A_102 = tpu.memref_squeeze %dma_wait3A_101 : memref<1x128xi32, #tpu.memory_space<vmem>> -> memref<128xi32, #tpu.memory_space<vmem>>
      %dma_wait3A_103 = arith.constant 0 : i32
      %dma_wait3A_104 = arith.constant 0 : i32
      %dma_wait3A_105 = tpu.memref_slice %arg2[%dma_wait3A_103, %dma_wait3A_104] : memref<507904x128xf32, #tpu.memory_space<hbm>> -> memref<507904x128xf32, #tpu.memory_space<hbm>>
      tpu.wait_indirect_dma semaphore(%arg7 : memref<!tpu.dma_semaphore, #tpu.memory_space<semaphore_mem>>) src(%dma_wait3A_105 : memref<507904x128xf32, #tpu.memory_space<hbm>>) dst(%dma_wait3A_99 : memref<128x128xf32, #tpu.memory_space<vmem>>)
      %dma_wait3A_106 = arith.constant 128 : i32
      %dma_wait3A_107 = arith.constant 0 : i32
      %dma_wait3A_108 = tpu.memref_slice %arg6[%dma_wait3A_106, %dma_wait3A_107] : memref<640x128xf32, #tpu.memory_space<vmem>> -> memref<128x128xf32, #tpu.memory_space<vmem>>
      %dma_wait3A_109 = arith.constant 0 : i32
      %dma_wait3A_110 = tpu.memref_slice %arg5[%add3A_48, %dma_wait3A_109] : memref<40x128xi32, #tpu.memory_space<vmem>> -> memref<1x128xi32, #tpu.memory_space<vmem>>
      %dma_wait3A_111 = tpu.memref_squeeze %dma_wait3A_110 : memref<1x128xi32, #tpu.memory_space<vmem>> -> memref<128xi32, #tpu.memory_space<vmem>>
      %dma_wait3A_112 = arith.constant 0 : i32
      %dma_wait3A_113 = arith.constant 0 : i32
      %dma_wait3A_114 = tpu.memref_slice %arg2[%dma_wait3A_112, %dma_wait3A_113] : memref<507904x128xf32, #tpu.memory_space<hbm>> -> memref<507904x128xf32, #tpu.memory_space<hbm>>
      tpu.wait_indirect_dma semaphore(%arg7 : memref<!tpu.dma_semaphore, #tpu.memory_space<semaphore_mem>>) src(%dma_wait3A_114 : memref<507904x128xf32, #tpu.memory_space<hbm>>) dst(%dma_wait3A_108 : memref<128x128xf32, #tpu.memory_space<vmem>>)
      %dma_start3A_115 = arith.constant 0 : i32
      %dma_start3A_116 = arith.constant 0 : i32
      %dma_start3A_117 = tpu.memref_slice %arg6[%dma_start3A_115, %dma_start3A_116] : memref<640x128xf32, #tpu.memory_space<vmem>> -> memref<256x128xf32, #tpu.memory_space<vmem>>
      %dma_start3A_118 = arith.constant 0 : i32
      %dma_start3A_119 = tpu.memref_slice %arg4[%add3A_32, %dma_start3A_118] : memref<163840x128xf32, #tpu.memory_space<hbm>> -> memref<256x128xf32, #tpu.memory_space<hbm>>
      %dma_start3A_120 = arith.constant 0 : i32
      %dma_start3A_121 = tpu.memref_slice %arg4[%add3A_32, %dma_start3A_120] : memref<163840x128xf32, #tpu.memory_space<hbm>> -> memref<256x128xf32, #tpu.memory_space<hbm>>
      %dma_start3A_122 = arith.constant 0 : i32
      %dma_start3A_123 = arith.constant 0 : i32
      %dma_start3A_124 = tpu.memref_slice %arg6[%dma_start3A_122, %dma_start3A_123] : memref<640x128xf32, #tpu.memory_space<vmem>> -> memref<256x128xf32, #tpu.memory_space<vmem>>
      tpu.enqueue_dma source(%dma_start3A_124 : memref<256x128xf32, #tpu.memory_space<vmem>>) target(%dma_start3A_121 : memref<256x128xf32, #tpu.memory_space<hbm>>) target_semaphore(%arg8 : memref<!tpu.dma_semaphore, #tpu.memory_space<semaphore_mem>>)
      %dma_wait3A_125 = arith.constant 256 : i32
      %dma_wait3A_126 = arith.constant 0 : i32
      %dma_wait3A_127 = tpu.memref_slice %arg6[%dma_wait3A_125, %dma_wait3A_126] : memref<640x128xf32, #tpu.memory_space<vmem>> -> memref<128x128xf32, #tpu.memory_space<vmem>>
      %dma_wait3A_128 = arith.constant 0 : i32
      %dma_wait3A_129 = tpu.memref_slice %arg5[%add3A_61, %dma_wait3A_128] : memref<40x128xi32, #tpu.memory_space<vmem>> -> memref<1x128xi32, #tpu.memory_space<vmem>>
      %dma_wait3A_130 = tpu.memref_squeeze %dma_wait3A_129 : memref<1x128xi32, #tpu.memory_space<vmem>> -> memref<128xi32, #tpu.memory_space<vmem>>
      %dma_wait3A_131 = arith.constant 0 : i32
      %dma_wait3A_132 = arith.constant 0 : i32
      %dma_wait3A_133 = tpu.memref_slice %arg2[%dma_wait3A_131, %dma_wait3A_132] : memref<507904x128xf32, #tpu.memory_space<hbm>> -> memref<507904x128xf32, #tpu.memory_space<hbm>>
      tpu.wait_indirect_dma semaphore(%arg7 : memref<!tpu.dma_semaphore, #tpu.memory_space<semaphore_mem>>) src(%dma_wait3A_133 : memref<507904x128xf32, #tpu.memory_space<hbm>>) dst(%dma_wait3A_127 : memref<128x128xf32, #tpu.memory_space<vmem>>)
      %dma_wait3A_134 = arith.constant 384 : i32
      %dma_wait3A_135 = arith.constant 0 : i32
      %dma_wait3A_136 = tpu.memref_slice %arg6[%dma_wait3A_134, %dma_wait3A_135] : memref<640x128xf32, #tpu.memory_space<vmem>> -> memref<128x128xf32, #tpu.memory_space<vmem>>
      %dma_wait3A_137 = arith.constant 0 : i32
      %dma_wait3A_138 = tpu.memref_slice %arg5[%add3A_74, %dma_wait3A_137] : memref<40x128xi32, #tpu.memory_space<vmem>> -> memref<1x128xi32, #tpu.memory_space<vmem>>
      %dma_wait3A_139 = tpu.memref_squeeze %dma_wait3A_138 : memref<1x128xi32, #tpu.memory_space<vmem>> -> memref<128xi32, #tpu.memory_space<vmem>>
      %dma_wait3A_140 = arith.constant 0 : i32
      %dma_wait3A_141 = arith.constant 0 : i32
      %dma_wait3A_142 = tpu.memref_slice %arg2[%dma_wait3A_140, %dma_wait3A_141] : memref<507904x128xf32, #tpu.memory_space<hbm>> -> memref<507904x128xf32, #tpu.memory_space<hbm>>
      tpu.wait_indirect_dma semaphore(%arg7 : memref<!tpu.dma_semaphore, #tpu.memory_space<semaphore_mem>>) src(%dma_wait3A_142 : memref<507904x128xf32, #tpu.memory_space<hbm>>) dst(%dma_wait3A_136 : memref<128x128xf32, #tpu.memory_space<vmem>>)
      %dma_wait3A_143 = arith.constant 512 : i32
      %dma_wait3A_144 = arith.constant 0 : i32
      %dma_wait3A_145 = tpu.memref_slice %arg6[%dma_wait3A_143, %dma_wait3A_144] : memref<640x128xf32, #tpu.memory_space<vmem>> -> memref<128x128xf32, #tpu.memory_space<vmem>>
      %dma_wait3A_146 = arith.constant 0 : i32
      %dma_wait3A_147 = tpu.memref_slice %arg5[%add3A_87, %dma_wait3A_146] : memref<40x128xi32, #tpu.memory_space<vmem>> -> memref<1x128xi32, #tpu.memory_space<vmem>>
      %dma_wait3A_148 = tpu.memref_squeeze %dma_wait3A_147 : memref<1x128xi32, #tpu.memory_space<vmem>> -> memref<128xi32, #tpu.memory_space<vmem>>
      %dma_wait3A_149 = arith.constant 0 : i32
      %dma_wait3A_150 = arith.constant 0 : i32
      %dma_wait3A_151 = tpu.memref_slice %arg2[%dma_wait3A_149, %dma_wait3A_150] : memref<507904x128xf32, #tpu.memory_space<hbm>> -> memref<507904x128xf32, #tpu.memory_space<hbm>>
      tpu.wait_indirect_dma semaphore(%arg7 : memref<!tpu.dma_semaphore, #tpu.memory_space<semaphore_mem>>) src(%dma_wait3A_151 : memref<507904x128xf32, #tpu.memory_space<hbm>>) dst(%dma_wait3A_145 : memref<128x128xf32, #tpu.memory_space<vmem>>)
      %add3A_152 = arith.constant 256 : i32
      %add3A_153 = arith.addi %add3A_32, %add3A_152 : i32
      %dma_start3A_154 = arith.constant 256 : i32
      %dma_start3A_155 = arith.constant 0 : i32
      %dma_start3A_156 = tpu.memref_slice %arg6[%dma_start3A_154, %dma_start3A_155] : memref<640x128xf32, #tpu.memory_space<vmem>> -> memref<384x128xf32, #tpu.memory_space<vmem>>
      %dma_start3A_157 = arith.constant 0 : i32
      %dma_start3A_158 = tpu.memref_slice %arg4[%add3A_153, %dma_start3A_157] : memref<163840x128xf32, #tpu.memory_space<hbm>> -> memref<384x128xf32, #tpu.memory_space<hbm>>
      %dma_start3A_159 = arith.constant 0 : i32
      %dma_start3A_160 = tpu.memref_slice %arg4[%add3A_153, %dma_start3A_159] : memref<163840x128xf32, #tpu.memory_space<hbm>> -> memref<384x128xf32, #tpu.memory_space<hbm>>
      %dma_start3A_161 = arith.constant 256 : i32
      %dma_start3A_162 = arith.constant 0 : i32
      %dma_start3A_163 = tpu.memref_slice %arg6[%dma_start3A_161, %dma_start3A_162] : memref<640x128xf32, #tpu.memory_space<vmem>> -> memref<384x128xf32, #tpu.memory_space<vmem>>
      tpu.enqueue_dma source(%dma_start3A_163 : memref<384x128xf32, #tpu.memory_space<vmem>>) target(%dma_start3A_160 : memref<384x128xf32, #tpu.memory_space<hbm>>) target_semaphore(%arg8 : memref<!tpu.dma_semaphore, #tpu.memory_space<semaphore_mem>>)
    }
    %scan3A_7 = arith.constant 8 : i32
    %dma_wait3A = arith.constant 0 : i32
    %dma_wait3A_8 = arith.constant 0 : i32
    %dma_wait3A_9 = tpu.memref_slice %arg6[%dma_wait3A, %dma_wait3A_8] : memref<640x128xf32, #tpu.memory_space<vmem>> -> memref<256x128xf32, #tpu.memory_space<vmem>>
    %dma_wait3A_10 = arith.constant 0 : i32
    %dma_wait3A_11 = tpu.memref_slice %arg4[%mul3A_2, %dma_wait3A_10] : memref<163840x128xf32, #tpu.memory_space<hbm>> -> memref<256x128xf32, #tpu.memory_space<hbm>>
    %dma_wait3A_12 = arith.constant 0 : i32
    %dma_wait3A_13 = tpu.memref_slice %arg4[%mul3A_2, %dma_wait3A_12] : memref<163840x128xf32, #tpu.memory_space<hbm>> -> memref<256x128xf32, #tpu.memory_space<hbm>>
    %dma_wait3A_14 = arith.constant 0 : i32
    %dma_wait3A_15 = arith.constant 0 : i32
    %dma_wait3A_16 = tpu.memref_slice %arg6[%dma_wait3A_14, %dma_wait3A_15] : memref<640x128xf32, #tpu.memory_space<vmem>> -> memref<256x128xf32, #tpu.memory_space<vmem>>
    tpu.wait_dma2 semaphore(%arg8 : memref<!tpu.dma_semaphore, #tpu.memory_space<semaphore_mem>>) src(%dma_wait3A_16 : memref<256x128xf32, #tpu.memory_space<vmem>>) dst(%dma_wait3A_13 : memref<256x128xf32, #tpu.memory_space<hbm>>)
    %dma_wait3A_17 = arith.constant 256 : i32
    %dma_wait3A_18 = arith.constant 0 : i32
    %dma_wait3A_19 = tpu.memref_slice %arg6[%dma_wait3A_17, %dma_wait3A_18] : memref<640x128xf32, #tpu.memory_space<vmem>> -> memref<384x128xf32, #tpu.memory_space<vmem>>
    %dma_wait3A_20 = arith.constant 0 : i32
    %dma_wait3A_21 = tpu.memref_slice %arg4[%mul3A_2, %dma_wait3A_20] : memref<163840x128xf32, #tpu.memory_space<hbm>> -> memref<384x128xf32, #tpu.memory_space<hbm>>
    %dma_wait3A_22 = arith.constant 0 : i32
    %dma_wait3A_23 = tpu.memref_slice %arg4[%mul3A_2, %dma_wait3A_22] : memref<163840x128xf32, #tpu.memory_space<hbm>> -> memref<384x128xf32, #tpu.memory_space<hbm>>
    %dma_wait3A_24 = arith.constant 256 : i32
    %dma_wait3A_25 = arith.constant 0 : i32
    %dma_wait3A_26 = tpu.memref_slice %arg6[%dma_wait3A_24, %dma_wait3A_25] : memref<640x128xf32, #tpu.memory_space<vmem>> -> memref<384x128xf32, #tpu.memory_space<vmem>>
    tpu.wait_dma2 semaphore(%arg8 : memref<!tpu.dma_semaphore, #tpu.memory_space<semaphore_mem>>) src(%dma_wait3A_26 : memref<384x128xf32, #tpu.memory_space<vmem>>) dst(%dma_wait3A_23 : memref<384x128xf32, #tpu.memory_space<hbm>>)
    return
  }
}

#map = affine_map<(d0, d1) -> (0, 0)>
#map1 = affine_map<(d0, d1) -> (0, 0, 0)>
module attributes {stable_mosaic.version = 14 : i64} {
  func.func @gather_kernel(%arg0: i32, %arg1: i32, %arg2: memref<507904x128xf32, #tpu.memory_space<hbm>>, %arg3: memref<32x40x128xi32, #tpu.memory_space<hbm>>, %arg4: memref<163840x128xf32, #tpu.memory_space<hbm>>, %arg5: memref<40x128xi32, #tpu.memory_space<vmem>>, %arg6: memref<640x128xf32, #tpu.memory_space<vmem>>, %arg7: memref<!tpu.dma_semaphore, #tpu.memory_space<semaphore_mem>>, %arg8: memref<!tpu.dma_semaphore, #tpu.memory_space<semaphore_mem>>) attributes {dimension_semantics = [#tpu.dimension_semantics<core_parallel>, #tpu.dimension_semantics<subcore_parallel>], iteration_bounds = array<i64: 2, 16>, scalar_prefetch = 0 : i64, scratch_operands = 4 : i64, tpu.core_type = #tpu.core_type<sc_vector_subcore>, window_params = [{transform_indices = #map}, {transform_indices = #map1}, {transform_indices = #map}]} {
    %mul3A = arith.constant 2 : i32
    %mul3A_0 = arith.muli %arg1, %mul3A : i32
    %add3A = arith.addi %mul3A_0, %arg0 : i32
    %mul3A_1 = arith.constant 5120 : i32
    %mul3A_2 = arith.muli %add3A, %mul3A_1 : i32
    "tpu.region"() ({
      %run_scoped3A = tpu.sem_alloc : memref<!tpu.dma_semaphore, #tpu.memory_space<semaphore_mem>>
      %dma_start3A = arith.constant 0 : i32
      %dma_start3A_27 = arith.constant 0 : i32
      %dma_start3A_28 = tpu.memref_slice %arg3[%add3A, %dma_start3A, %dma_start3A_27] : memref<32x40x128xi32, #tpu.memory_space<hbm>> -> memref<1x40x128xi32, #tpu.memory_space<hbm>>
      %dma_start3A_29 = tpu.memref_squeeze %dma_start3A_28 : memref<1x40x128xi32, #tpu.memory_space<hbm>> -> memref<40x128xi32, #tpu.memory_space<hbm>>
      %dma_start3A_30 = arith.constant 0 : i32
      %dma_start3A_31 = arith.constant 0 : i32
      %dma_start3A_32 = tpu.memref_slice %arg3[%add3A, %dma_start3A_30, %dma_start3A_31] : memref<32x40x128xi32, #tpu.memory_space<hbm>> -> memref<1x40x128xi32, #tpu.memory_space<hbm>>
      %dma_start3A_33 = tpu.memref_squeeze %dma_start3A_32 : memref<1x40x128xi32, #tpu.memory_space<hbm>> -> memref<40x128xi32, #tpu.memory_space<hbm>>
      tpu.enqueue_dma source(%dma_start3A_33 : memref<40x128xi32, #tpu.memory_space<hbm>>) target(%arg5 : memref<40x128xi32, #tpu.memory_space<vmem>>) target_semaphore(%run_scoped3A : memref<!tpu.dma_semaphore, #tpu.memory_space<semaphore_mem>>)
      %dma_wait3A_34 = arith.constant 0 : i32
      %dma_wait3A_35 = arith.constant 0 : i32
      %dma_wait3A_36 = tpu.memref_slice %arg3[%add3A, %dma_wait3A_34, %dma_wait3A_35] : memref<32x40x128xi32, #tpu.memory_space<hbm>> -> memref<1x40x128xi32, #tpu.memory_space<hbm>>
      %dma_wait3A_37 = tpu.memref_squeeze %dma_wait3A_36 : memref<1x40x128xi32, #tpu.memory_space<hbm>> -> memref<40x128xi32, #tpu.memory_space<hbm>>
      %dma_wait3A_38 = arith.constant 0 : i32
      %dma_wait3A_39 = arith.constant 0 : i32
      %dma_wait3A_40 = tpu.memref_slice %arg3[%add3A, %dma_wait3A_38, %dma_wait3A_39] : memref<32x40x128xi32, #tpu.memory_space<hbm>> -> memref<1x40x128xi32, #tpu.memory_space<hbm>>
      %dma_wait3A_41 = tpu.memref_squeeze %dma_wait3A_40 : memref<1x40x128xi32, #tpu.memory_space<hbm>> -> memref<40x128xi32, #tpu.memory_space<hbm>>
      tpu.wait_dma2 semaphore(%run_scoped3A : memref<!tpu.dma_semaphore, #tpu.memory_space<semaphore_mem>>) src(%dma_wait3A_41 : memref<40x128xi32, #tpu.memory_space<hbm>>) dst(%arg5 : memref<40x128xi32, #tpu.memory_space<vmem>>)
      tpu.yield
    }) : () -> ()
    %scan3A = arith.constant 0 : i32
    %scan3A_3 = arith.constant 0 : i32
    %scan3A_4 = arith.constant 8 : i32
    %scan3A_5 = arith.addi %scan3A_3, %scan3A_4 : i32
    %scan3A_6 = arith.constant 1 : i32
    scf.for %scan3A_27 = %scan3A_3 to %scan3A_5 step %scan3A_6  : i32 {
      %gt3A = arith.constant 0 : i32
      %gt3A_28 = arith.cmpi sgt, %scan3A_27, %gt3A : i32
      %convert_element_type3A = arith.extui %gt3A_28 : i1 to i32
      %cond3A = arith.constant 0 : i32
      %cond3A_29 = arith.cmpi ne, %convert_element_type3A, %cond3A : i32
      scf.if %cond3A_29 {
        %dma_wait3A_164 = arith.constant 0 : i32
        %dma_wait3A_165 = arith.constant 0 : i32
        %dma_wait3A_166 = tpu.memref_slice %arg6[%dma_wait3A_164, %dma_wait3A_165] : memref<640x128xf32, #tpu.memory_space<vmem>> -> memref<256x128xf32, #tpu.memory_space<vmem>>
        %dma_wait3A_167 = arith.constant 0 : i32
        %dma_wait3A_168 = tpu.memref_slice %arg4[%mul3A_2, %dma_wait3A_167] : memref<163840x128xf32, #tpu.memory_space<hbm>> -> memref<256x128xf32, #tpu.memory_space<hbm>>
        %dma_wait3A_169 = arith.constant 0 : i32
        %dma_wait3A_170 = tpu.memref_slice %arg4[%mul3A_2, %dma_wait3A_169] : memref<163840x128xf32, #tpu.memory_space<hbm>> -> memref<256x128xf32, #tpu.memory_space<hbm>>
        %dma_wait3A_171 = arith.constant 0 : i32
        %dma_wait3A_172 = arith.constant 0 : i32
        %dma_wait3A_173 = tpu.memref_slice %arg6[%dma_wait3A_171, %dma_wait3A_172] : memref<640x128xf32, #tpu.memory_space<vmem>> -> memref<256x128xf32, #tpu.memory_space<vmem>>
        tpu.wait_dma2 semaphore(%arg8 : memref<!tpu.dma_semaphore, #tpu.memory_space<semaphore_mem>>) src(%dma_wait3A_173 : memref<256x128xf32, #tpu.memory_space<vmem>>) dst(%dma_wait3A_170 : memref<256x128xf32, #tpu.memory_space<hbm>>)
        %dma_wait3A_174 = arith.constant 256 : i32
        %dma_wait3A_175 = arith.constant 0 : i32
        %dma_wait3A_176 = tpu.memref_slice %arg6[%dma_wait3A_174, %dma_wait3A_175] : memref<640x128xf32, #tpu.memory_space<vmem>> -> memref<384x128xf32, #tpu.memory_space<vmem>>
        %dma_wait3A_177 = arith.constant 0 : i32
        %dma_wait3A_178 = tpu.memref_slice %arg4[%mul3A_2, %dma_wait3A_177] : memref<163840x128xf32, #tpu.memory_space<hbm>> -> memref<384x128xf32, #tpu.memory_space<hbm>>
        %dma_wait3A_179 = arith.constant 0 : i32
        %dma_wait3A_180 = tpu.memref_slice %arg4[%mul3A_2, %dma_wait3A_179] : memref<163840x128xf32, #tpu.memory_space<hbm>> -> memref<384x128xf32, #tpu.memory_space<hbm>>
        %dma_wait3A_181 = arith.constant 256 : i32
        %dma_wait3A_182 = arith.constant 0 : i32
        %dma_wait3A_183 = tpu.memref_slice %arg6[%dma_wait3A_181, %dma_wait3A_182] : memref<640x128xf32, #tpu.memory_space<vmem>> -> memref<384x128xf32, #tpu.memory_space<vmem>>
        tpu.wait_dma2 semaphore(%arg8 : memref<!tpu.dma_semaphore, #tpu.memory_space<semaphore_mem>>) src(%dma_wait3A_183 : memref<384x128xf32, #tpu.memory_space<vmem>>) dst(%dma_wait3A_180 : memref<384x128xf32, #tpu.memory_space<hbm>>)
      } else {
      }
      %mul3A_30 = arith.constant 640 : i32
      %mul3A_31 = arith.muli %scan3A_27, %mul3A_30 : i32
      %add3A_32 = arith.addi %mul3A_2, %mul3A_31 : i32
      %mul3A_33 = arith.constant 5 : i32
      %mul3A_34 = arith.muli %scan3A_27, %mul3A_33 : i32
      %add3A_35 = arith.constant 0 : i32
      %add3A_36 = arith.addi %mul3A_34, %add3A_35 : i32
      %dma_start3A = arith.constant 0 : i32
      %dma_start3A_37 = arith.constant 0 : i32
      %dma_start3A_38 = tpu.memref_slice %arg6[%dma_start3A, %dma_start3A_37] : memref<640x128xf32, #tpu.memory_space<vmem>> -> memref<128x128xf32, #tpu.memory_space<vmem>>
      %dma_start3A_39 = arith.constant 0 : i32
      %dma_start3A_40 = tpu.memref_slice %arg5[%add3A_36, %dma_start3A_39] : memref<40x128xi32, #tpu.memory_space<vmem>> -> memref<1x128xi32, #tpu.memory_space<vmem>>
      %dma_start3A_41 = tpu.memref_squeeze %dma_start3A_40 : memref<1x128xi32, #tpu.memory_space<vmem>> -> memref<128xi32, #tpu.memory_space<vmem>>
      %dma_start3A_42 = arith.constant 0 : i32
      %dma_start3A_43 = arith.constant 0 : i32
      %dma_start3A_44 = tpu.memref_slice %arg2[%dma_start3A_42, %dma_start3A_43] : memref<507904x128xf32, #tpu.memory_space<hbm>> -> memref<507904x128xf32, #tpu.memory_space<hbm>>
      tpu.enqueue_indirect_dma source(%dma_start3A_44 : memref<507904x128xf32, #tpu.memory_space<hbm>>) target(%dma_start3A_38 : memref<128x128xf32, #tpu.memory_space<vmem>>) offsets(%dma_start3A_41 : memref<128xi32, #tpu.memory_space<vmem>>) semaphore(%arg7 : memref<!tpu.dma_semaphore, #tpu.memory_space<semaphore_mem>>)
      %mul3A_45 = arith.constant 5 : i32
      %mul3A_46 = arith.muli %scan3A_27, %mul3A_45 : i32
      %add3A_47 = arith.constant 1 : i32
      %add3A_48 = arith.addi %mul3A_46, %add3A_47 : i32
      %dma_start3A_49 = arith.constant 128 : i32
      %dma_start3A_50 = arith.constant 0 : i32
      %dma_start3A_51 = tpu.memref_slice %arg6[%dma_start3A_49, %dma_start3A_50] : memref<640x128xf32, #tpu.memory_space<vmem>> -> memref<128x128xf32, #tpu.memory_space<vmem>>
      %dma_start3A_52 = arith.constant 0 : i32
      %dma_start3A_53 = tpu.memref_slice %arg5[%add3A_48, %dma_start3A_52] : memref<40x128xi32, #tpu.memory_space<vmem>> -> memref<1x128xi32, #tpu.memory_space<vmem>>
      %dma_start3A_54 = tpu.memref_squeeze %dma_start3A_53 : memref<1x128xi32, #tpu.memory_space<vmem>> -> memref<128xi32, #tpu.memory_space<vmem>>
      %dma_start3A_55 = arith.constant 0 : i32
      %dma_start3A_56 = arith.constant 0 : i32
      %dma_start3A_57 = tpu.memref_slice %arg2[%dma_start3A_55, %dma_start3A_56] : memref<507904x128xf32, #tpu.memory_space<hbm>> -> memref<507904x128xf32, #tpu.memory_space<hbm>>
      tpu.enqueue_indirect_dma source(%dma_start3A_57 : memref<507904x128xf32, #tpu.memory_space<hbm>>) target(%dma_start3A_51 : memref<128x128xf32, #tpu.memory_space<vmem>>) offsets(%dma_start3A_54 : memref<128xi32, #tpu.memory_space<vmem>>) semaphore(%arg7 : memref<!tpu.dma_semaphore, #tpu.memory_space<semaphore_mem>>)
      %mul3A_58 = arith.constant 5 : i32
      %mul3A_59 = arith.muli %scan3A_27, %mul3A_58 : i32
      %add3A_60 = arith.constant 2 : i32
      %add3A_61 = arith.addi %mul3A_59, %add3A_60 : i32
      %dma_start3A_62 = arith.constant 256 : i32
      %dma_start3A_63 = arith.constant 0 : i32
      %dma_start3A_64 = tpu.memref_slice %arg6[%dma_start3A_62, %dma_start3A_63] : memref<640x128xf32, #tpu.memory_space<vmem>> -> memref<128x128xf32, #tpu.memory_space<vmem>>
      %dma_start3A_65 = arith.constant 0 : i32
      %dma_start3A_66 = tpu.memref_slice %arg5[%add3A_61, %dma_start3A_65] : memref<40x128xi32, #tpu.memory_space<vmem>> -> memref<1x128xi32, #tpu.memory_space<vmem>>
      %dma_start3A_67 = tpu.memref_squeeze %dma_start3A_66 : memref<1x128xi32, #tpu.memory_space<vmem>> -> memref<128xi32, #tpu.memory_space<vmem>>
      %dma_start3A_68 = arith.constant 0 : i32
      %dma_start3A_69 = arith.constant 0 : i32
      %dma_start3A_70 = tpu.memref_slice %arg2[%dma_start3A_68, %dma_start3A_69] : memref<507904x128xf32, #tpu.memory_space<hbm>> -> memref<507904x128xf32, #tpu.memory_space<hbm>>
      tpu.enqueue_indirect_dma source(%dma_start3A_70 : memref<507904x128xf32, #tpu.memory_space<hbm>>) target(%dma_start3A_64 : memref<128x128xf32, #tpu.memory_space<vmem>>) offsets(%dma_start3A_67 : memref<128xi32, #tpu.memory_space<vmem>>) semaphore(%arg7 : memref<!tpu.dma_semaphore, #tpu.memory_space<semaphore_mem>>)
      %mul3A_71 = arith.constant 5 : i32
      %mul3A_72 = arith.muli %scan3A_27, %mul3A_71 : i32
      %add3A_73 = arith.constant 3 : i32
      %add3A_74 = arith.addi %mul3A_72, %add3A_73 : i32
      %dma_start3A_75 = arith.constant 384 : i32
      %dma_start3A_76 = arith.constant 0 : i32
      %dma_start3A_77 = tpu.memref_slice %arg6[%dma_start3A_75, %dma_start3A_76] : memref<640x128xf32, #tpu.memory_space<vmem>> -> memref<128x128xf32, #tpu.memory_space<vmem>>
      %dma_start3A_78 = arith.constant 0 : i32
      %dma_start3A_79 = tpu.memref_slice %arg5[%add3A_74, %dma_start3A_78] : memref<40x128xi32, #tpu.memory_space<vmem>> -> memref<1x128xi32, #tpu.memory_space<vmem>>
      %dma_start3A_80 = tpu.memref_squeeze %dma_start3A_79 : memref<1x128xi32, #tpu.memory_space<vmem>> -> memref<128xi32, #tpu.memory_space<vmem>>
      %dma_start3A_81 = arith.constant 0 : i32
      %dma_start3A_82 = arith.constant 0 : i32
      %dma_start3A_83 = tpu.memref_slice %arg2[%dma_start3A_81, %dma_start3A_82] : memref<507904x128xf32, #tpu.memory_space<hbm>> -> memref<507904x128xf32, #tpu.memory_space<hbm>>
      tpu.enqueue_indirect_dma source(%dma_start3A_83 : memref<507904x128xf32, #tpu.memory_space<hbm>>) target(%dma_start3A_77 : memref<128x128xf32, #tpu.memory_space<vmem>>) offsets(%dma_start3A_80 : memref<128xi32, #tpu.memory_space<vmem>>) semaphore(%arg7 : memref<!tpu.dma_semaphore, #tpu.memory_space<semaphore_mem>>)
      %mul3A_84 = arith.constant 5 : i32
      %mul3A_85 = arith.muli %scan3A_27, %mul3A_84 : i32
      %add3A_86 = arith.constant 4 : i32
      %add3A_87 = arith.addi %mul3A_85, %add3A_86 : i32
      %dma_start3A_88 = arith.constant 512 : i32
      %dma_start3A_89 = arith.constant 0 : i32
      %dma_start3A_90 = tpu.memref_slice %arg6[%dma_start3A_88, %dma_start3A_89] : memref<640x128xf32, #tpu.memory_space<vmem>> -> memref<128x128xf32, #tpu.memory_space<vmem>>
      %dma_start3A_91 = arith.constant 0 : i32
      %dma_start3A_92 = tpu.memref_slice %arg5[%add3A_87, %dma_start3A_91] : memref<40x128xi32, #tpu.memory_space<vmem>> -> memref<1x128xi32, #tpu.memory_space<vmem>>
      %dma_start3A_93 = tpu.memref_squeeze %dma_start3A_92 : memref<1x128xi32, #tpu.memory_space<vmem>> -> memref<128xi32, #tpu.memory_space<vmem>>
      %dma_start3A_94 = arith.constant 0 : i32
      %dma_start3A_95 = arith.constant 0 : i32
      %dma_start3A_96 = tpu.memref_slice %arg2[%dma_start3A_94, %dma_start3A_95] : memref<507904x128xf32, #tpu.memory_space<hbm>> -> memref<507904x128xf32, #tpu.memory_space<hbm>>
      tpu.enqueue_indirect_dma source(%dma_start3A_96 : memref<507904x128xf32, #tpu.memory_space<hbm>>) target(%dma_start3A_90 : memref<128x128xf32, #tpu.memory_space<vmem>>) offsets(%dma_start3A_93 : memref<128xi32, #tpu.memory_space<vmem>>) semaphore(%arg7 : memref<!tpu.dma_semaphore, #tpu.memory_space<semaphore_mem>>)
      %dma_wait3A_97 = arith.constant 0 : i32
      %dma_wait3A_98 = arith.constant 0 : i32
      %dma_wait3A_99 = tpu.memref_slice %arg6[%dma_wait3A_97, %dma_wait3A_98] : memref<640x128xf32, #tpu.memory_space<vmem>> -> memref<128x128xf32, #tpu.memory_space<vmem>>
      %dma_wait3A_100 = arith.constant 0 : i32
      %dma_wait3A_101 = tpu.memref_slice %arg5[%add3A_36, %dma_wait3A_100] : memref<40x128xi32, #tpu.memory_space<vmem>> -> memref<1x128xi32, #tpu.memory_space<vmem>>
      %dma_wait3A_102 = tpu.memref_squeeze %dma_wait3A_101 : memref<1x128xi32, #tpu.memory_space<vmem>> -> memref<128xi32, #tpu.memory_space<vmem>>
      %dma_wait3A_103 = arith.constant 0 : i32
      %dma_wait3A_104 = arith.constant 0 : i32
      %dma_wait3A_105 = tpu.memref_slice %arg2[%dma_wait3A_103, %dma_wait3A_104] : memref<507904x128xf32, #tpu.memory_space<hbm>> -> memref<507904x128xf32, #tpu.memory_space<hbm>>
      tpu.wait_indirect_dma semaphore(%arg7 : memref<!tpu.dma_semaphore, #tpu.memory_space<semaphore_mem>>) src(%dma_wait3A_105 : memref<507904x128xf32, #tpu.memory_space<hbm>>) dst(%dma_wait3A_99 : memref<128x128xf32, #tpu.memory_space<vmem>>)
      %dma_wait3A_106 = arith.constant 128 : i32
      %dma_wait3A_107 = arith.constant 0 : i32
      %dma_wait3A_108 = tpu.memref_slice %arg6[%dma_wait3A_106, %dma_wait3A_107] : memref<640x128xf32, #tpu.memory_space<vmem>> -> memref<128x128xf32, #tpu.memory_space<vmem>>
      %dma_wait3A_109 = arith.constant 0 : i32
      %dma_wait3A_110 = tpu.memref_slice %arg5[%add3A_48, %dma_wait3A_109] : memref<40x128xi32, #tpu.memory_space<vmem>> -> memref<1x128xi32, #tpu.memory_space<vmem>>
      %dma_wait3A_111 = tpu.memref_squeeze %dma_wait3A_110 : memref<1x128xi32, #tpu.memory_space<vmem>> -> memref<128xi32, #tpu.memory_space<vmem>>
      %dma_wait3A_112 = arith.constant 0 : i32
      %dma_wait3A_113 = arith.constant 0 : i32
      %dma_wait3A_114 = tpu.memref_slice %arg2[%dma_wait3A_112, %dma_wait3A_113] : memref<507904x128xf32, #tpu.memory_space<hbm>> -> memref<507904x128xf32, #tpu.memory_space<hbm>>
      tpu.wait_indirect_dma semaphore(%arg7 : memref<!tpu.dma_semaphore, #tpu.memory_space<semaphore_mem>>) src(%dma_wait3A_114 : memref<507904x128xf32, #tpu.memory_space<hbm>>) dst(%dma_wait3A_108 : memref<128x128xf32, #tpu.memory_space<vmem>>)
      %dma_start3A_115 = arith.constant 0 : i32
      %dma_start3A_116 = arith.constant 0 : i32
      %dma_start3A_117 = tpu.memref_slice %arg6[%dma_start3A_115, %dma_start3A_116] : memref<640x128xf32, #tpu.memory_space<vmem>> -> memref<256x128xf32, #tpu.memory_space<vmem>>
      %dma_start3A_118 = arith.constant 0 : i32
      %dma_start3A_119 = tpu.memref_slice %arg4[%add3A_32, %dma_start3A_118] : memref<163840x128xf32, #tpu.memory_space<hbm>> -> memref<256x128xf32, #tpu.memory_space<hbm>>
      %dma_start3A_120 = arith.constant 0 : i32
      %dma_start3A_121 = tpu.memref_slice %arg4[%add3A_32, %dma_start3A_120] : memref<163840x128xf32, #tpu.memory_space<hbm>> -> memref<256x128xf32, #tpu.memory_space<hbm>>
      %dma_start3A_122 = arith.constant 0 : i32
      %dma_start3A_123 = arith.constant 0 : i32
      %dma_start3A_124 = tpu.memref_slice %arg6[%dma_start3A_122, %dma_start3A_123] : memref<640x128xf32, #tpu.memory_space<vmem>> -> memref<256x128xf32, #tpu.memory_space<vmem>>
      tpu.enqueue_dma source(%dma_start3A_124 : memref<256x128xf32, #tpu.memory_space<vmem>>) target(%dma_start3A_121 : memref<256x128xf32, #tpu.memory_space<hbm>>) target_semaphore(%arg8 : memref<!tpu.dma_semaphore, #tpu.memory_space<semaphore_mem>>)
      %dma_wait3A_125 = arith.constant 256 : i32
      %dma_wait3A_126 = arith.constant 0 : i32
      %dma_wait3A_127 = tpu.memref_slice %arg6[%dma_wait3A_125, %dma_wait3A_126] : memref<640x128xf32, #tpu.memory_space<vmem>> -> memref<128x128xf32, #tpu.memory_space<vmem>>
      %dma_wait3A_128 = arith.constant 0 : i32
      %dma_wait3A_129 = tpu.memref_slice %arg5[%add3A_61, %dma_wait3A_128] : memref<40x128xi32, #tpu.memory_space<vmem>> -> memref<1x128xi32, #tpu.memory_space<vmem>>
      %dma_wait3A_130 = tpu.memref_squeeze %dma_wait3A_129 : memref<1x128xi32, #tpu.memory_space<vmem>> -> memref<128xi32, #tpu.memory_space<vmem>>
      %dma_wait3A_131 = arith.constant 0 : i32
      %dma_wait3A_132 = arith.constant 0 : i32
      %dma_wait3A_133 = tpu.memref_slice %arg2[%dma_wait3A_131, %dma_wait3A_132] : memref<507904x128xf32, #tpu.memory_space<hbm>> -> memref<507904x128xf32, #tpu.memory_space<hbm>>
      tpu.wait_indirect_dma semaphore(%arg7 : memref<!tpu.dma_semaphore, #tpu.memory_space<semaphore_mem>>) src(%dma_wait3A_133 : memref<507904x128xf32, #tpu.memory_space<hbm>>) dst(%dma_wait3A_127 : memref<128x128xf32, #tpu.memory_space<vmem>>)
      %dma_wait3A_134 = arith.constant 384 : i32
      %dma_wait3A_135 = arith.constant 0 : i32
      %dma_wait3A_136 = tpu.memref_slice %arg6[%dma_wait3A_134, %dma_wait3A_135] : memref<640x128xf32, #tpu.memory_space<vmem>> -> memref<128x128xf32, #tpu.memory_space<vmem>>
      %dma_wait3A_137 = arith.constant 0 : i32
      %dma_wait3A_138 = tpu.memref_slice %arg5[%add3A_74, %dma_wait3A_137] : memref<40x128xi32, #tpu.memory_space<vmem>> -> memref<1x128xi32, #tpu.memory_space<vmem>>
      %dma_wait3A_139 = tpu.memref_squeeze %dma_wait3A_138 : memref<1x128xi32, #tpu.memory_space<vmem>> -> memref<128xi32, #tpu.memory_space<vmem>>
      %dma_wait3A_140 = arith.constant 0 : i32
      %dma_wait3A_141 = arith.constant 0 : i32
      %dma_wait3A_142 = tpu.memref_slice %arg2[%dma_wait3A_140, %dma_wait3A_141] : memref<507904x128xf32, #tpu.memory_space<hbm>> -> memref<507904x128xf32, #tpu.memory_space<hbm>>
      tpu.wait_indirect_dma semaphore(%arg7 : memref<!tpu.dma_semaphore, #tpu.memory_space<semaphore_mem>>) src(%dma_wait3A_142 : memref<507904x128xf32, #tpu.memory_space<hbm>>) dst(%dma_wait3A_136 : memref<128x128xf32, #tpu.memory_space<vmem>>)
      %dma_wait3A_143 = arith.constant 512 : i32
      %dma_wait3A_144 = arith.constant 0 : i32
      %dma_wait3A_145 = tpu.memref_slice %arg6[%dma_wait3A_143, %dma_wait3A_144] : memref<640x128xf32, #tpu.memory_space<vmem>> -> memref<128x128xf32, #tpu.memory_space<vmem>>
      %dma_wait3A_146 = arith.constant 0 : i32
      %dma_wait3A_147 = tpu.memref_slice %arg5[%add3A_87, %dma_wait3A_146] : memref<40x128xi32, #tpu.memory_space<vmem>> -> memref<1x128xi32, #tpu.memory_space<vmem>>
      %dma_wait3A_148 = tpu.memref_squeeze %dma_wait3A_147 : memref<1x128xi32, #tpu.memory_space<vmem>> -> memref<128xi32, #tpu.memory_space<vmem>>
      %dma_wait3A_149 = arith.constant 0 : i32
      %dma_wait3A_150 = arith.constant 0 : i32
      %dma_wait3A_151 = tpu.memref_slice %arg2[%dma_wait3A_149, %dma_wait3A_150] : memref<507904x128xf32, #tpu.memory_space<hbm>> -> memref<507904x128xf32, #tpu.memory_space<hbm>>
      tpu.wait_indirect_dma semaphore(%arg7 : memref<!tpu.dma_semaphore, #tpu.memory_space<semaphore_mem>>) src(%dma_wait3A_151 : memref<507904x128xf32, #tpu.memory_space<hbm>>) dst(%dma_wait3A_145 : memref<128x128xf32, #tpu.memory_space<vmem>>)
      %add3A_152 = arith.constant 256 : i32
      %add3A_153 = arith.addi %add3A_32, %add3A_152 : i32
      %dma_start3A_154 = arith.constant 256 : i32
      %dma_start3A_155 = arith.constant 0 : i32
      %dma_start3A_156 = tpu.memref_slice %arg6[%dma_start3A_154, %dma_start3A_155] : memref<640x128xf32, #tpu.memory_space<vmem>> -> memref<384x128xf32, #tpu.memory_space<vmem>>
      %dma_start3A_157 = arith.constant 0 : i32
      %dma_start3A_158 = tpu.memref_slice %arg4[%add3A_153, %dma_start3A_157] : memref<163840x128xf32, #tpu.memory_space<hbm>> -> memref<384x128xf32, #tpu.memory_space<hbm>>
      %dma_start3A_159 = arith.constant 0 : i32
      %dma_start3A_160 = tpu.memref_slice %arg4[%add3A_153, %dma_start3A_159] : memref<163840x128xf32, #tpu.memory_space<hbm>> -> memref<384x128xf32, #tpu.memory_space<hbm>>
      %dma_start3A_161 = arith.constant 256 : i32
      %dma_start3A_162 = arith.constant 0 : i32
      %dma_start3A_163 = tpu.memref_slice %arg6[%dma_start3A_161, %dma_start3A_162] : memref<640x128xf32, #tpu.memory_space<vmem>> -> memref<384x128xf32, #tpu.memory_space<vmem>>
      tpu.enqueue_dma source(%dma_start3A_163 : memref<384x128xf32, #tpu.memory_space<vmem>>) target(%dma_start3A_160 : memref<384x128xf32, #tpu.memory_space<hbm>>) target_semaphore(%arg8 : memref<!tpu.dma_semaphore, #tpu.memory_space<semaphore_mem>>)
    }
    %scan3A_7 = arith.constant 8 : i32
    %dma_wait3A = arith.constant 0 : i32
    %dma_wait3A_8 = arith.constant 0 : i32
    %dma_wait3A_9 = tpu.memref_slice %arg6[%dma_wait3A, %dma_wait3A_8] : memref<640x128xf32, #tpu.memory_space<vmem>> -> memref<256x128xf32, #tpu.memory_space<vmem>>
    %dma_wait3A_10 = arith.constant 0 : i32
    %dma_wait3A_11 = tpu.memref_slice %arg4[%mul3A_2, %dma_wait3A_10] : memref<163840x128xf32, #tpu.memory_space<hbm>> -> memref<256x128xf32, #tpu.memory_space<hbm>>
    %dma_wait3A_12 = arith.constant 0 : i32
    %dma_wait3A_13 = tpu.memref_slice %arg4[%mul3A_2, %dma_wait3A_12] : memref<163840x128xf32, #tpu.memory_space<hbm>> -> memref<256x128xf32, #tpu.memory_space<hbm>>
    %dma_wait3A_14 = arith.constant 0 : i32
    %dma_wait3A_15 = arith.constant 0 : i32
    %dma_wait3A_16 = tpu.memref_slice %arg6[%dma_wait3A_14, %dma_wait3A_15] : memref<640x128xf32, #tpu.memory_space<vmem>> -> memref<256x128xf32, #tpu.memory_space<vmem>>
    tpu.wait_dma2 semaphore(%arg8 : memref<!tpu.dma_semaphore, #tpu.memory_space<semaphore_mem>>) src(%dma_wait3A_16 : memref<256x128xf32, #tpu.memory_space<vmem>>) dst(%dma_wait3A_13 : memref<256x128xf32, #tpu.memory_space<hbm>>)
    %dma_wait3A_17 = arith.constant 256 : i32
    %dma_wait3A_18 = arith.constant 0 : i32
    %dma_wait3A_19 = tpu.memref_slice %arg6[%dma_wait3A_17, %dma_wait3A_18] : memref<640x128xf32, #tpu.memory_space<vmem>> -> memref<384x128xf32, #tpu.memory_space<vmem>>
    %dma_wait3A_20 = arith.constant 0 : i32
    %dma_wait3A_21 = tpu.memref_slice %arg4[%mul3A_2, %dma_wait3A_20] : memref<163840x128xf32, #tpu.memory_space<hbm>> -> memref<384x128xf32, #tpu.memory_space<hbm>>
    %dma_wait3A_22 = arith.constant 0 : i32
    %dma_wait3A_23 = tpu.memref_slice %arg4[%mul3A_2, %dma_wait3A_22] : memref<163840x128xf32, #tpu.memory_space<hbm>> -> memref<384x128xf32, #tpu.memory_space<hbm>>
    %dma_wait3A_24 = arith.constant 256 : i32
    %dma_wait3A_25 = arith.constant 0 : i32
    %dma_wait3A_26 = tpu.memref_slice %arg6[%dma_wait3A_24, %dma_wait3A_25] : memref<640x128xf32, #tpu.memory_space<vmem>> -> memref<384x128xf32, #tpu.memory_space<vmem>>
    tpu.wait_dma2 semaphore(%arg8 : memref<!tpu.dma_semaphore, #tpu.memory_space<semaphore_mem>>) src(%dma_wait3A_26 : memref<384x128xf32, #tpu.memory_space<vmem>>) dst(%dma_wait3A_23 : memref<384x128xf32, #tpu.memory_space<hbm>>)
    return
  }
}

#map = affine_map<(d0, d1) -> (0, 0)>
#map1 = affine_map<(d0, d1) -> (0, 0, 0)>
module attributes {stable_mosaic.version = 14 : i64} {
  func.func @gather_kernel(%arg0: i32, %arg1: i32, %arg2: memref<507904x128xf32, #tpu.memory_space<hbm>>, %arg3: memref<32x40x128xi32, #tpu.memory_space<hbm>>, %arg4: memref<163840x128xf32, #tpu.memory_space<hbm>>, %arg5: memref<40x128xi32, #tpu.memory_space<vmem>>, %arg6: memref<640x128xf32, #tpu.memory_space<vmem>>, %arg7: memref<!tpu.dma_semaphore, #tpu.memory_space<semaphore_mem>>, %arg8: memref<!tpu.dma_semaphore, #tpu.memory_space<semaphore_mem>>) attributes {dimension_semantics = [#tpu.dimension_semantics<core_parallel>, #tpu.dimension_semantics<subcore_parallel>], iteration_bounds = array<i64: 2, 16>, scalar_prefetch = 0 : i64, scratch_operands = 4 : i64, tpu.core_type = #tpu.core_type<sc_vector_subcore>, window_params = [{transform_indices = #map}, {transform_indices = #map1}, {transform_indices = #map}]} {
    %mul3A = arith.constant 2 : i32
    %mul3A_0 = arith.muli %arg1, %mul3A : i32
    %add3A = arith.addi %mul3A_0, %arg0 : i32
    %mul3A_1 = arith.constant 5120 : i32
    %mul3A_2 = arith.muli %add3A, %mul3A_1 : i32
    "tpu.region"() ({
      %run_scoped3A = tpu.sem_alloc : memref<!tpu.dma_semaphore, #tpu.memory_space<semaphore_mem>>
      %dma_start3A = arith.constant 0 : i32
      %dma_start3A_27 = arith.constant 0 : i32
      %dma_start3A_28 = tpu.memref_slice %arg3[%add3A, %dma_start3A, %dma_start3A_27] : memref<32x40x128xi32, #tpu.memory_space<hbm>> -> memref<1x40x128xi32, #tpu.memory_space<hbm>>
      %dma_start3A_29 = tpu.memref_squeeze %dma_start3A_28 : memref<1x40x128xi32, #tpu.memory_space<hbm>> -> memref<40x128xi32, #tpu.memory_space<hbm>>
      %dma_start3A_30 = arith.constant 0 : i32
      %dma_start3A_31 = arith.constant 0 : i32
      %dma_start3A_32 = tpu.memref_slice %arg3[%add3A, %dma_start3A_30, %dma_start3A_31] : memref<32x40x128xi32, #tpu.memory_space<hbm>> -> memref<1x40x128xi32, #tpu.memory_space<hbm>>
      %dma_start3A_33 = tpu.memref_squeeze %dma_start3A_32 : memref<1x40x128xi32, #tpu.memory_space<hbm>> -> memref<40x128xi32, #tpu.memory_space<hbm>>
      tpu.enqueue_dma source(%dma_start3A_33 : memref<40x128xi32, #tpu.memory_space<hbm>>) target(%arg5 : memref<40x128xi32, #tpu.memory_space<vmem>>) target_semaphore(%run_scoped3A : memref<!tpu.dma_semaphore, #tpu.memory_space<semaphore_mem>>)
      %dma_wait3A_34 = arith.constant 0 : i32
      %dma_wait3A_35 = arith.constant 0 : i32
      %dma_wait3A_36 = tpu.memref_slice %arg3[%add3A, %dma_wait3A_34, %dma_wait3A_35] : memref<32x40x128xi32, #tpu.memory_space<hbm>> -> memref<1x40x128xi32, #tpu.memory_space<hbm>>
      %dma_wait3A_37 = tpu.memref_squeeze %dma_wait3A_36 : memref<1x40x128xi32, #tpu.memory_space<hbm>> -> memref<40x128xi32, #tpu.memory_space<hbm>>
      %dma_wait3A_38 = arith.constant 0 : i32
      %dma_wait3A_39 = arith.constant 0 : i32
      %dma_wait3A_40 = tpu.memref_slice %arg3[%add3A, %dma_wait3A_38, %dma_wait3A_39] : memref<32x40x128xi32, #tpu.memory_space<hbm>> -> memref<1x40x128xi32, #tpu.memory_space<hbm>>
      %dma_wait3A_41 = tpu.memref_squeeze %dma_wait3A_40 : memref<1x40x128xi32, #tpu.memory_space<hbm>> -> memref<40x128xi32, #tpu.memory_space<hbm>>
      tpu.wait_dma2 semaphore(%run_scoped3A : memref<!tpu.dma_semaphore, #tpu.memory_space<semaphore_mem>>) src(%dma_wait3A_41 : memref<40x128xi32, #tpu.memory_space<hbm>>) dst(%arg5 : memref<40x128xi32, #tpu.memory_space<vmem>>)
      tpu.yield
    }) : () -> ()
    %scan3A = arith.constant 0 : i32
    %scan3A_3 = arith.constant 0 : i32
    %scan3A_4 = arith.constant 8 : i32
    %scan3A_5 = arith.addi %scan3A_3, %scan3A_4 : i32
    %scan3A_6 = arith.constant 1 : i32
    scf.for %scan3A_27 = %scan3A_3 to %scan3A_5 step %scan3A_6  : i32 {
      %gt3A = arith.constant 0 : i32
      %gt3A_28 = arith.cmpi sgt, %scan3A_27, %gt3A : i32
      %convert_element_type3A = arith.extui %gt3A_28 : i1 to i32
      %cond3A = arith.constant 0 : i32
      %cond3A_29 = arith.cmpi ne, %convert_element_type3A, %cond3A : i32
      scf.if %cond3A_29 {
        %dma_wait3A_164 = arith.constant 0 : i32
        %dma_wait3A_165 = arith.constant 0 : i32
        %dma_wait3A_166 = tpu.memref_slice %arg6[%dma_wait3A_164, %dma_wait3A_165] : memref<640x128xf32, #tpu.memory_space<vmem>> -> memref<256x128xf32, #tpu.memory_space<vmem>>
        %dma_wait3A_167 = arith.constant 0 : i32
        %dma_wait3A_168 = tpu.memref_slice %arg4[%mul3A_2, %dma_wait3A_167] : memref<163840x128xf32, #tpu.memory_space<hbm>> -> memref<256x128xf32, #tpu.memory_space<hbm>>
        %dma_wait3A_169 = arith.constant 0 : i32
        %dma_wait3A_170 = tpu.memref_slice %arg4[%mul3A_2, %dma_wait3A_169] : memref<163840x128xf32, #tpu.memory_space<hbm>> -> memref<256x128xf32, #tpu.memory_space<hbm>>
        %dma_wait3A_171 = arith.constant 0 : i32
        %dma_wait3A_172 = arith.constant 0 : i32
        %dma_wait3A_173 = tpu.memref_slice %arg6[%dma_wait3A_171, %dma_wait3A_172] : memref<640x128xf32, #tpu.memory_space<vmem>> -> memref<256x128xf32, #tpu.memory_space<vmem>>
        tpu.wait_dma2 semaphore(%arg8 : memref<!tpu.dma_semaphore, #tpu.memory_space<semaphore_mem>>) src(%dma_wait3A_173 : memref<256x128xf32, #tpu.memory_space<vmem>>) dst(%dma_wait3A_170 : memref<256x128xf32, #tpu.memory_space<hbm>>)
        %dma_wait3A_174 = arith.constant 256 : i32
        %dma_wait3A_175 = arith.constant 0 : i32
        %dma_wait3A_176 = tpu.memref_slice %arg6[%dma_wait3A_174, %dma_wait3A_175] : memref<640x128xf32, #tpu.memory_space<vmem>> -> memref<384x128xf32, #tpu.memory_space<vmem>>
        %dma_wait3A_177 = arith.constant 0 : i32
        %dma_wait3A_178 = tpu.memref_slice %arg4[%mul3A_2, %dma_wait3A_177] : memref<163840x128xf32, #tpu.memory_space<hbm>> -> memref<384x128xf32, #tpu.memory_space<hbm>>
        %dma_wait3A_179 = arith.constant 0 : i32
        %dma_wait3A_180 = tpu.memref_slice %arg4[%mul3A_2, %dma_wait3A_179] : memref<163840x128xf32, #tpu.memory_space<hbm>> -> memref<384x128xf32, #tpu.memory_space<hbm>>
        %dma_wait3A_181 = arith.constant 256 : i32
        %dma_wait3A_182 = arith.constant 0 : i32
        %dma_wait3A_183 = tpu.memref_slice %arg6[%dma_wait3A_181, %dma_wait3A_182] : memref<640x128xf32, #tpu.memory_space<vmem>> -> memref<384x128xf32, #tpu.memory_space<vmem>>
        tpu.wait_dma2 semaphore(%arg8 : memref<!tpu.dma_semaphore, #tpu.memory_space<semaphore_mem>>) src(%dma_wait3A_183 : memref<384x128xf32, #tpu.memory_space<vmem>>) dst(%dma_wait3A_180 : memref<384x128xf32, #tpu.memory_space<hbm>>)
      } else {
      }
      %mul3A_30 = arith.constant 640 : i32
      %mul3A_31 = arith.muli %scan3A_27, %mul3A_30 : i32
      %add3A_32 = arith.addi %mul3A_2, %mul3A_31 : i32
      %mul3A_33 = arith.constant 5 : i32
      %mul3A_34 = arith.muli %scan3A_27, %mul3A_33 : i32
      %add3A_35 = arith.constant 0 : i32
      %add3A_36 = arith.addi %mul3A_34, %add3A_35 : i32
      %dma_start3A = arith.constant 0 : i32
      %dma_start3A_37 = arith.constant 0 : i32
      %dma_start3A_38 = tpu.memref_slice %arg6[%dma_start3A, %dma_start3A_37] : memref<640x128xf32, #tpu.memory_space<vmem>> -> memref<128x128xf32, #tpu.memory_space<vmem>>
      %dma_start3A_39 = arith.constant 0 : i32
      %dma_start3A_40 = tpu.memref_slice %arg5[%add3A_36, %dma_start3A_39] : memref<40x128xi32, #tpu.memory_space<vmem>> -> memref<1x128xi32, #tpu.memory_space<vmem>>
      %dma_start3A_41 = tpu.memref_squeeze %dma_start3A_40 : memref<1x128xi32, #tpu.memory_space<vmem>> -> memref<128xi32, #tpu.memory_space<vmem>>
      %dma_start3A_42 = arith.constant 0 : i32
      %dma_start3A_43 = arith.constant 0 : i32
      %dma_start3A_44 = tpu.memref_slice %arg2[%dma_start3A_42, %dma_start3A_43] : memref<507904x128xf32, #tpu.memory_space<hbm>> -> memref<507904x128xf32, #tpu.memory_space<hbm>>
      tpu.enqueue_indirect_dma source(%dma_start3A_44 : memref<507904x128xf32, #tpu.memory_space<hbm>>) target(%dma_start3A_38 : memref<128x128xf32, #tpu.memory_space<vmem>>) offsets(%dma_start3A_41 : memref<128xi32, #tpu.memory_space<vmem>>) semaphore(%arg7 : memref<!tpu.dma_semaphore, #tpu.memory_space<semaphore_mem>>)
      %mul3A_45 = arith.constant 5 : i32
      %mul3A_46 = arith.muli %scan3A_27, %mul3A_45 : i32
      %add3A_47 = arith.constant 1 : i32
      %add3A_48 = arith.addi %mul3A_46, %add3A_47 : i32
      %dma_start3A_49 = arith.constant 128 : i32
      %dma_start3A_50 = arith.constant 0 : i32
      %dma_start3A_51 = tpu.memref_slice %arg6[%dma_start3A_49, %dma_start3A_50] : memref<640x128xf32, #tpu.memory_space<vmem>> -> memref<128x128xf32, #tpu.memory_space<vmem>>
      %dma_start3A_52 = arith.constant 0 : i32
      %dma_start3A_53 = tpu.memref_slice %arg5[%add3A_48, %dma_start3A_52] : memref<40x128xi32, #tpu.memory_space<vmem>> -> memref<1x128xi32, #tpu.memory_space<vmem>>
      %dma_start3A_54 = tpu.memref_squeeze %dma_start3A_53 : memref<1x128xi32, #tpu.memory_space<vmem>> -> memref<128xi32, #tpu.memory_space<vmem>>
      %dma_start3A_55 = arith.constant 0 : i32
      %dma_start3A_56 = arith.constant 0 : i32
      %dma_start3A_57 = tpu.memref_slice %arg2[%dma_start3A_55, %dma_start3A_56] : memref<507904x128xf32, #tpu.memory_space<hbm>> -> memref<507904x128xf32, #tpu.memory_space<hbm>>
      tpu.enqueue_indirect_dma source(%dma_start3A_57 : memref<507904x128xf32, #tpu.memory_space<hbm>>) target(%dma_start3A_51 : memref<128x128xf32, #tpu.memory_space<vmem>>) offsets(%dma_start3A_54 : memref<128xi32, #tpu.memory_space<vmem>>) semaphore(%arg7 : memref<!tpu.dma_semaphore, #tpu.memory_space<semaphore_mem>>)
      %mul3A_58 = arith.constant 5 : i32
      %mul3A_59 = arith.muli %scan3A_27, %mul3A_58 : i32
      %add3A_60 = arith.constant 2 : i32
      %add3A_61 = arith.addi %mul3A_59, %add3A_60 : i32
      %dma_start3A_62 = arith.constant 256 : i32
      %dma_start3A_63 = arith.constant 0 : i32
      %dma_start3A_64 = tpu.memref_slice %arg6[%dma_start3A_62, %dma_start3A_63] : memref<640x128xf32, #tpu.memory_space<vmem>> -> memref<128x128xf32, #tpu.memory_space<vmem>>
      %dma_start3A_65 = arith.constant 0 : i32
      %dma_start3A_66 = tpu.memref_slice %arg5[%add3A_61, %dma_start3A_65] : memref<40x128xi32, #tpu.memory_space<vmem>> -> memref<1x128xi32, #tpu.memory_space<vmem>>
      %dma_start3A_67 = tpu.memref_squeeze %dma_start3A_66 : memref<1x128xi32, #tpu.memory_space<vmem>> -> memref<128xi32, #tpu.memory_space<vmem>>
      %dma_start3A_68 = arith.constant 0 : i32
      %dma_start3A_69 = arith.constant 0 : i32
      %dma_start3A_70 = tpu.memref_slice %arg2[%dma_start3A_68, %dma_start3A_69] : memref<507904x128xf32, #tpu.memory_space<hbm>> -> memref<507904x128xf32, #tpu.memory_space<hbm>>
      tpu.enqueue_indirect_dma source(%dma_start3A_70 : memref<507904x128xf32, #tpu.memory_space<hbm>>) target(%dma_start3A_64 : memref<128x128xf32, #tpu.memory_space<vmem>>) offsets(%dma_start3A_67 : memref<128xi32, #tpu.memory_space<vmem>>) semaphore(%arg7 : memref<!tpu.dma_semaphore, #tpu.memory_space<semaphore_mem>>)
      %mul3A_71 = arith.constant 5 : i32
      %mul3A_72 = arith.muli %scan3A_27, %mul3A_71 : i32
      %add3A_73 = arith.constant 3 : i32
      %add3A_74 = arith.addi %mul3A_72, %add3A_73 : i32
      %dma_start3A_75 = arith.constant 384 : i32
      %dma_start3A_76 = arith.constant 0 : i32
      %dma_start3A_77 = tpu.memref_slice %arg6[%dma_start3A_75, %dma_start3A_76] : memref<640x128xf32, #tpu.memory_space<vmem>> -> memref<128x128xf32, #tpu.memory_space<vmem>>
      %dma_start3A_78 = arith.constant 0 : i32
      %dma_start3A_79 = tpu.memref_slice %arg5[%add3A_74, %dma_start3A_78] : memref<40x128xi32, #tpu.memory_space<vmem>> -> memref<1x128xi32, #tpu.memory_space<vmem>>
      %dma_start3A_80 = tpu.memref_squeeze %dma_start3A_79 : memref<1x128xi32, #tpu.memory_space<vmem>> -> memref<128xi32, #tpu.memory_space<vmem>>
      %dma_start3A_81 = arith.constant 0 : i32
      %dma_start3A_82 = arith.constant 0 : i32
      %dma_start3A_83 = tpu.memref_slice %arg2[%dma_start3A_81, %dma_start3A_82] : memref<507904x128xf32, #tpu.memory_space<hbm>> -> memref<507904x128xf32, #tpu.memory_space<hbm>>
      tpu.enqueue_indirect_dma source(%dma_start3A_83 : memref<507904x128xf32, #tpu.memory_space<hbm>>) target(%dma_start3A_77 : memref<128x128xf32, #tpu.memory_space<vmem>>) offsets(%dma_start3A_80 : memref<128xi32, #tpu.memory_space<vmem>>) semaphore(%arg7 : memref<!tpu.dma_semaphore, #tpu.memory_space<semaphore_mem>>)
      %mul3A_84 = arith.constant 5 : i32
      %mul3A_85 = arith.muli %scan3A_27, %mul3A_84 : i32
      %add3A_86 = arith.constant 4 : i32
      %add3A_87 = arith.addi %mul3A_85, %add3A_86 : i32
      %dma_start3A_88 = arith.constant 512 : i32
      %dma_start3A_89 = arith.constant 0 : i32
      %dma_start3A_90 = tpu.memref_slice %arg6[%dma_start3A_88, %dma_start3A_89] : memref<640x128xf32, #tpu.memory_space<vmem>> -> memref<128x128xf32, #tpu.memory_space<vmem>>
      %dma_start3A_91 = arith.constant 0 : i32
      %dma_start3A_92 = tpu.memref_slice %arg5[%add3A_87, %dma_start3A_91] : memref<40x128xi32, #tpu.memory_space<vmem>> -> memref<1x128xi32, #tpu.memory_space<vmem>>
      %dma_start3A_93 = tpu.memref_squeeze %dma_start3A_92 : memref<1x128xi32, #tpu.memory_space<vmem>> -> memref<128xi32, #tpu.memory_space<vmem>>
      %dma_start3A_94 = arith.constant 0 : i32
      %dma_start3A_95 = arith.constant 0 : i32
      %dma_start3A_96 = tpu.memref_slice %arg2[%dma_start3A_94, %dma_start3A_95] : memref<507904x128xf32, #tpu.memory_space<hbm>> -> memref<507904x128xf32, #tpu.memory_space<hbm>>
      tpu.enqueue_indirect_dma source(%dma_start3A_96 : memref<507904x128xf32, #tpu.memory_space<hbm>>) target(%dma_start3A_90 : memref<128x128xf32, #tpu.memory_space<vmem>>) offsets(%dma_start3A_93 : memref<128xi32, #tpu.memory_space<vmem>>) semaphore(%arg7 : memref<!tpu.dma_semaphore, #tpu.memory_space<semaphore_mem>>)
      %dma_wait3A_97 = arith.constant 0 : i32
      %dma_wait3A_98 = arith.constant 0 : i32
      %dma_wait3A_99 = tpu.memref_slice %arg6[%dma_wait3A_97, %dma_wait3A_98] : memref<640x128xf32, #tpu.memory_space<vmem>> -> memref<128x128xf32, #tpu.memory_space<vmem>>
      %dma_wait3A_100 = arith.constant 0 : i32
      %dma_wait3A_101 = tpu.memref_slice %arg5[%add3A_36, %dma_wait3A_100] : memref<40x128xi32, #tpu.memory_space<vmem>> -> memref<1x128xi32, #tpu.memory_space<vmem>>
      %dma_wait3A_102 = tpu.memref_squeeze %dma_wait3A_101 : memref<1x128xi32, #tpu.memory_space<vmem>> -> memref<128xi32, #tpu.memory_space<vmem>>
      %dma_wait3A_103 = arith.constant 0 : i32
      %dma_wait3A_104 = arith.constant 0 : i32
      %dma_wait3A_105 = tpu.memref_slice %arg2[%dma_wait3A_103, %dma_wait3A_104] : memref<507904x128xf32, #tpu.memory_space<hbm>> -> memref<507904x128xf32, #tpu.memory_space<hbm>>
      tpu.wait_indirect_dma semaphore(%arg7 : memref<!tpu.dma_semaphore, #tpu.memory_space<semaphore_mem>>) src(%dma_wait3A_105 : memref<507904x128xf32, #tpu.memory_space<hbm>>) dst(%dma_wait3A_99 : memref<128x128xf32, #tpu.memory_space<vmem>>)
      %dma_wait3A_106 = arith.constant 128 : i32
      %dma_wait3A_107 = arith.constant 0 : i32
      %dma_wait3A_108 = tpu.memref_slice %arg6[%dma_wait3A_106, %dma_wait3A_107] : memref<640x128xf32, #tpu.memory_space<vmem>> -> memref<128x128xf32, #tpu.memory_space<vmem>>
      %dma_wait3A_109 = arith.constant 0 : i32
      %dma_wait3A_110 = tpu.memref_slice %arg5[%add3A_48, %dma_wait3A_109] : memref<40x128xi32, #tpu.memory_space<vmem>> -> memref<1x128xi32, #tpu.memory_space<vmem>>
      %dma_wait3A_111 = tpu.memref_squeeze %dma_wait3A_110 : memref<1x128xi32, #tpu.memory_space<vmem>> -> memref<128xi32, #tpu.memory_space<vmem>>
      %dma_wait3A_112 = arith.constant 0 : i32
      %dma_wait3A_113 = arith.constant 0 : i32
      %dma_wait3A_114 = tpu.memref_slice %arg2[%dma_wait3A_112, %dma_wait3A_113] : memref<507904x128xf32, #tpu.memory_space<hbm>> -> memref<507904x128xf32, #tpu.memory_space<hbm>>
      tpu.wait_indirect_dma semaphore(%arg7 : memref<!tpu.dma_semaphore, #tpu.memory_space<semaphore_mem>>) src(%dma_wait3A_114 : memref<507904x128xf32, #tpu.memory_space<hbm>>) dst(%dma_wait3A_108 : memref<128x128xf32, #tpu.memory_space<vmem>>)
      %dma_start3A_115 = arith.constant 0 : i32
      %dma_start3A_116 = arith.constant 0 : i32
      %dma_start3A_117 = tpu.memref_slice %arg6[%dma_start3A_115, %dma_start3A_116] : memref<640x128xf32, #tpu.memory_space<vmem>> -> memref<256x128xf32, #tpu.memory_space<vmem>>
      %dma_start3A_118 = arith.constant 0 : i32
      %dma_start3A_119 = tpu.memref_slice %arg4[%add3A_32, %dma_start3A_118] : memref<163840x128xf32, #tpu.memory_space<hbm>> -> memref<256x128xf32, #tpu.memory_space<hbm>>
      %dma_start3A_120 = arith.constant 0 : i32
      %dma_start3A_121 = tpu.memref_slice %arg4[%add3A_32, %dma_start3A_120] : memref<163840x128xf32, #tpu.memory_space<hbm>> -> memref<256x128xf32, #tpu.memory_space<hbm>>
      %dma_start3A_122 = arith.constant 0 : i32
      %dma_start3A_123 = arith.constant 0 : i32
      %dma_start3A_124 = tpu.memref_slice %arg6[%dma_start3A_122, %dma_start3A_123] : memref<640x128xf32, #tpu.memory_space<vmem>> -> memref<256x128xf32, #tpu.memory_space<vmem>>
      tpu.enqueue_dma source(%dma_start3A_124 : memref<256x128xf32, #tpu.memory_space<vmem>>) target(%dma_start3A_121 : memref<256x128xf32, #tpu.memory_space<hbm>>) target_semaphore(%arg8 : memref<!tpu.dma_semaphore, #tpu.memory_space<semaphore_mem>>)
      %dma_wait3A_125 = arith.constant 256 : i32
      %dma_wait3A_126 = arith.constant 0 : i32
      %dma_wait3A_127 = tpu.memref_slice %arg6[%dma_wait3A_125, %dma_wait3A_126] : memref<640x128xf32, #tpu.memory_space<vmem>> -> memref<128x128xf32, #tpu.memory_space<vmem>>
      %dma_wait3A_128 = arith.constant 0 : i32
      %dma_wait3A_129 = tpu.memref_slice %arg5[%add3A_61, %dma_wait3A_128] : memref<40x128xi32, #tpu.memory_space<vmem>> -> memref<1x128xi32, #tpu.memory_space<vmem>>
      %dma_wait3A_130 = tpu.memref_squeeze %dma_wait3A_129 : memref<1x128xi32, #tpu.memory_space<vmem>> -> memref<128xi32, #tpu.memory_space<vmem>>
      %dma_wait3A_131 = arith.constant 0 : i32
      %dma_wait3A_132 = arith.constant 0 : i32
      %dma_wait3A_133 = tpu.memref_slice %arg2[%dma_wait3A_131, %dma_wait3A_132] : memref<507904x128xf32, #tpu.memory_space<hbm>> -> memref<507904x128xf32, #tpu.memory_space<hbm>>
      tpu.wait_indirect_dma semaphore(%arg7 : memref<!tpu.dma_semaphore, #tpu.memory_space<semaphore_mem>>) src(%dma_wait3A_133 : memref<507904x128xf32, #tpu.memory_space<hbm>>) dst(%dma_wait3A_127 : memref<128x128xf32, #tpu.memory_space<vmem>>)
      %dma_wait3A_134 = arith.constant 384 : i32
      %dma_wait3A_135 = arith.constant 0 : i32
      %dma_wait3A_136 = tpu.memref_slice %arg6[%dma_wait3A_134, %dma_wait3A_135] : memref<640x128xf32, #tpu.memory_space<vmem>> -> memref<128x128xf32, #tpu.memory_space<vmem>>
      %dma_wait3A_137 = arith.constant 0 : i32
      %dma_wait3A_138 = tpu.memref_slice %arg5[%add3A_74, %dma_wait3A_137] : memref<40x128xi32, #tpu.memory_space<vmem>> -> memref<1x128xi32, #tpu.memory_space<vmem>>
      %dma_wait3A_139 = tpu.memref_squeeze %dma_wait3A_138 : memref<1x128xi32, #tpu.memory_space<vmem>> -> memref<128xi32, #tpu.memory_space<vmem>>
      %dma_wait3A_140 = arith.constant 0 : i32
      %dma_wait3A_141 = arith.constant 0 : i32
      %dma_wait3A_142 = tpu.memref_slice %arg2[%dma_wait3A_140, %dma_wait3A_141] : memref<507904x128xf32, #tpu.memory_space<hbm>> -> memref<507904x128xf32, #tpu.memory_space<hbm>>
      tpu.wait_indirect_dma semaphore(%arg7 : memref<!tpu.dma_semaphore, #tpu.memory_space<semaphore_mem>>) src(%dma_wait3A_142 : memref<507904x128xf32, #tpu.memory_space<hbm>>) dst(%dma_wait3A_136 : memref<128x128xf32, #tpu.memory_space<vmem>>)
      %dma_wait3A_143 = arith.constant 512 : i32
      %dma_wait3A_144 = arith.constant 0 : i32
      %dma_wait3A_145 = tpu.memref_slice %arg6[%dma_wait3A_143, %dma_wait3A_144] : memref<640x128xf32, #tpu.memory_space<vmem>> -> memref<128x128xf32, #tpu.memory_space<vmem>>
      %dma_wait3A_146 = arith.constant 0 : i32
      %dma_wait3A_147 = tpu.memref_slice %arg5[%add3A_87, %dma_wait3A_146] : memref<40x128xi32, #tpu.memory_space<vmem>> -> memref<1x128xi32, #tpu.memory_space<vmem>>
      %dma_wait3A_148 = tpu.memref_squeeze %dma_wait3A_147 : memref<1x128xi32, #tpu.memory_space<vmem>> -> memref<128xi32, #tpu.memory_space<vmem>>
      %dma_wait3A_149 = arith.constant 0 : i32
      %dma_wait3A_150 = arith.constant 0 : i32
      %dma_wait3A_151 = tpu.memref_slice %arg2[%dma_wait3A_149, %dma_wait3A_150] : memref<507904x128xf32, #tpu.memory_space<hbm>> -> memref<507904x128xf32, #tpu.memory_space<hbm>>
      tpu.wait_indirect_dma semaphore(%arg7 : memref<!tpu.dma_semaphore, #tpu.memory_space<semaphore_mem>>) src(%dma_wait3A_151 : memref<507904x128xf32, #tpu.memory_space<hbm>>) dst(%dma_wait3A_145 : memref<128x128xf32, #tpu.memory_space<vmem>>)
      %add3A_152 = arith.constant 256 : i32
      %add3A_153 = arith.addi %add3A_32, %add3A_152 : i32
      %dma_start3A_154 = arith.constant 256 : i32
      %dma_start3A_155 = arith.constant 0 : i32
      %dma_start3A_156 = tpu.memref_slice %arg6[%dma_start3A_154, %dma_start3A_155] : memref<640x128xf32, #tpu.memory_space<vmem>> -> memref<384x128xf32, #tpu.memory_space<vmem>>
      %dma_start3A_157 = arith.constant 0 : i32
      %dma_start3A_158 = tpu.memref_slice %arg4[%add3A_153, %dma_start3A_157] : memref<163840x128xf32, #tpu.memory_space<hbm>> -> memref<384x128xf32, #tpu.memory_space<hbm>>
      %dma_start3A_159 = arith.constant 0 : i32
      %dma_start3A_160 = tpu.memref_slice %arg4[%add3A_153, %dma_start3A_159] : memref<163840x128xf32, #tpu.memory_space<hbm>> -> memref<384x128xf32, #tpu.memory_space<hbm>>
      %dma_start3A_161 = arith.constant 256 : i32
      %dma_start3A_162 = arith.constant 0 : i32
      %dma_start3A_163 = tpu.memref_slice %arg6[%dma_start3A_161, %dma_start3A_162] : memref<640x128xf32, #tpu.memory_space<vmem>> -> memref<384x128xf32, #tpu.memory_space<vmem>>
      tpu.enqueue_dma source(%dma_start3A_163 : memref<384x128xf32, #tpu.memory_space<vmem>>) target(%dma_start3A_160 : memref<384x128xf32, #tpu.memory_space<hbm>>) target_semaphore(%arg8 : memref<!tpu.dma_semaphore, #tpu.memory_space<semaphore_mem>>)
    }
    %scan3A_7 = arith.constant 8 : i32
    %dma_wait3A = arith.constant 0 : i32
    %dma_wait3A_8 = arith.constant 0 : i32
    %dma_wait3A_9 = tpu.memref_slice %arg6[%dma_wait3A, %dma_wait3A_8] : memref<640x128xf32, #tpu.memory_space<vmem>> -> memref<256x128xf32, #tpu.memory_space<vmem>>
    %dma_wait3A_10 = arith.constant 0 : i32
    %dma_wait3A_11 = tpu.memref_slice %arg4[%mul3A_2, %dma_wait3A_10] : memref<163840x128xf32, #tpu.memory_space<hbm>> -> memref<256x128xf32, #tpu.memory_space<hbm>>
    %dma_wait3A_12 = arith.constant 0 : i32
    %dma_wait3A_13 = tpu.memref_slice %arg4[%mul3A_2, %dma_wait3A_12] : memref<163840x128xf32, #tpu.memory_space<hbm>> -> memref<256x128xf32, #tpu.memory_space<hbm>>
    %dma_wait3A_14 = arith.constant 0 : i32
    %dma_wait3A_15 = arith.constant 0 : i32
    %dma_wait3A_16 = tpu.memref_slice %arg6[%dma_wait3A_14, %dma_wait3A_15] : memref<640x128xf32, #tpu.memory_space<vmem>> -> memref<256x128xf32, #tpu.memory_space<vmem>>
    tpu.wait_dma2 semaphore(%arg8 : memref<!tpu.dma_semaphore, #tpu.memory_space<semaphore_mem>>) src(%dma_wait3A_16 : memref<256x128xf32, #tpu.memory_space<vmem>>) dst(%dma_wait3A_13 : memref<256x128xf32, #tpu.memory_space<hbm>>)
    %dma_wait3A_17 = arith.constant 256 : i32
    %dma_wait3A_18 = arith.constant 0 : i32
    %dma_wait3A_19 = tpu.memref_slice %arg6[%dma_wait3A_17, %dma_wait3A_18] : memref<640x128xf32, #tpu.memory_space<vmem>> -> memref<384x128xf32, #tpu.memory_space<vmem>>
    %dma_wait3A_20 = arith.constant 0 : i32
    %dma_wait3A_21 = tpu.memref_slice %arg4[%mul3A_2, %dma_wait3A_20] : memref<163840x128xf32, #tpu.memory_space<hbm>> -> memref<384x128xf32, #tpu.memory_space<hbm>>
    %dma_wait3A_22 = arith.constant 0 : i32
    %dma_wait3A_23 = tpu.memref_slice %arg4[%mul3A_2, %dma_wait3A_22] : memref<163840x128xf32, #tpu.memory_space<hbm>> -> memref<384x128xf32, #tpu.memory_space<hbm>>
    %dma_wait3A_24 = arith.constant 256 : i32
    %dma_wait3A_25 = arith.constant 0 : i32
    %dma_wait3A_26 = tpu.memref_slice %arg6[%dma_wait3A_24, %dma_wait3A_25] : memref<640x128xf32, #tpu.memory_space<vmem>> -> memref<384x128xf32, #tpu.memory_space<vmem>>
    tpu.wait_dma2 semaphore(%arg8 : memref<!tpu.dma_semaphore, #tpu.memory_space<semaphore_mem>>) src(%dma_wait3A_26 : memref<384x128xf32, #tpu.memory_space<vmem>>) dst(%dma_wait3A_23 : memref<384x128xf32, #tpu.memory_space<hbm>>)
    return
  }
}

#map = affine_map<(d0, d1) -> (0, 0)>
#map1 = affine_map<(d0, d1) -> (0, 0, 0)>
module attributes {stable_mosaic.version = 14 : i64} {
  func.func @gather_kernel(%arg0: i32, %arg1: i32, %arg2: memref<507904x128xf32, #tpu.memory_space<hbm>>, %arg3: memref<32x40x128xi32, #tpu.memory_space<hbm>>, %arg4: memref<163840x128xf32, #tpu.memory_space<hbm>>, %arg5: memref<40x128xi32, #tpu.memory_space<vmem>>, %arg6: memref<640x128xf32, #tpu.memory_space<vmem>>, %arg7: memref<!tpu.dma_semaphore, #tpu.memory_space<semaphore_mem>>, %arg8: memref<!tpu.dma_semaphore, #tpu.memory_space<semaphore_mem>>) attributes {dimension_semantics = [#tpu.dimension_semantics<core_parallel>, #tpu.dimension_semantics<subcore_parallel>], iteration_bounds = array<i64: 2, 16>, scalar_prefetch = 0 : i64, scratch_operands = 4 : i64, tpu.core_type = #tpu.core_type<sc_vector_subcore>, window_params = [{transform_indices = #map}, {transform_indices = #map1}, {transform_indices = #map}]} {
    %mul3A = arith.constant 2 : i32
    %mul3A_0 = arith.muli %arg1, %mul3A : i32
    %add3A = arith.addi %mul3A_0, %arg0 : i32
    %mul3A_1 = arith.constant 5120 : i32
    %mul3A_2 = arith.muli %add3A, %mul3A_1 : i32
    "tpu.region"() ({
      %run_scoped3A = tpu.sem_alloc : memref<!tpu.dma_semaphore, #tpu.memory_space<semaphore_mem>>
      %dma_start3A = arith.constant 0 : i32
      %dma_start3A_27 = arith.constant 0 : i32
      %dma_start3A_28 = tpu.memref_slice %arg3[%add3A, %dma_start3A, %dma_start3A_27] : memref<32x40x128xi32, #tpu.memory_space<hbm>> -> memref<1x40x128xi32, #tpu.memory_space<hbm>>
      %dma_start3A_29 = tpu.memref_squeeze %dma_start3A_28 : memref<1x40x128xi32, #tpu.memory_space<hbm>> -> memref<40x128xi32, #tpu.memory_space<hbm>>
      %dma_start3A_30 = arith.constant 0 : i32
      %dma_start3A_31 = arith.constant 0 : i32
      %dma_start3A_32 = tpu.memref_slice %arg3[%add3A, %dma_start3A_30, %dma_start3A_31] : memref<32x40x128xi32, #tpu.memory_space<hbm>> -> memref<1x40x128xi32, #tpu.memory_space<hbm>>
      %dma_start3A_33 = tpu.memref_squeeze %dma_start3A_32 : memref<1x40x128xi32, #tpu.memory_space<hbm>> -> memref<40x128xi32, #tpu.memory_space<hbm>>
      tpu.enqueue_dma source(%dma_start3A_33 : memref<40x128xi32, #tpu.memory_space<hbm>>) target(%arg5 : memref<40x128xi32, #tpu.memory_space<vmem>>) target_semaphore(%run_scoped3A : memref<!tpu.dma_semaphore, #tpu.memory_space<semaphore_mem>>)
      %dma_wait3A_34 = arith.constant 0 : i32
      %dma_wait3A_35 = arith.constant 0 : i32
      %dma_wait3A_36 = tpu.memref_slice %arg3[%add3A, %dma_wait3A_34, %dma_wait3A_35] : memref<32x40x128xi32, #tpu.memory_space<hbm>> -> memref<1x40x128xi32, #tpu.memory_space<hbm>>
      %dma_wait3A_37 = tpu.memref_squeeze %dma_wait3A_36 : memref<1x40x128xi32, #tpu.memory_space<hbm>> -> memref<40x128xi32, #tpu.memory_space<hbm>>
      %dma_wait3A_38 = arith.constant 0 : i32
      %dma_wait3A_39 = arith.constant 0 : i32
      %dma_wait3A_40 = tpu.memref_slice %arg3[%add3A, %dma_wait3A_38, %dma_wait3A_39] : memref<32x40x128xi32, #tpu.memory_space<hbm>> -> memref<1x40x128xi32, #tpu.memory_space<hbm>>
      %dma_wait3A_41 = tpu.memref_squeeze %dma_wait3A_40 : memref<1x40x128xi32, #tpu.memory_space<hbm>> -> memref<40x128xi32, #tpu.memory_space<hbm>>
      tpu.wait_dma2 semaphore(%run_scoped3A : memref<!tpu.dma_semaphore, #tpu.memory_space<semaphore_mem>>) src(%dma_wait3A_41 : memref<40x128xi32, #tpu.memory_space<hbm>>) dst(%arg5 : memref<40x128xi32, #tpu.memory_space<vmem>>)
      tpu.yield
    }) : () -> ()
    %scan3A = arith.constant 0 : i32
    %scan3A_3 = arith.constant 0 : i32
    %scan3A_4 = arith.constant 8 : i32
    %scan3A_5 = arith.addi %scan3A_3, %scan3A_4 : i32
    %scan3A_6 = arith.constant 1 : i32
    scf.for %scan3A_27 = %scan3A_3 to %scan3A_5 step %scan3A_6  : i32 {
      %gt3A = arith.constant 0 : i32
      %gt3A_28 = arith.cmpi sgt, %scan3A_27, %gt3A : i32
      %convert_element_type3A = arith.extui %gt3A_28 : i1 to i32
      %cond3A = arith.constant 0 : i32
      %cond3A_29 = arith.cmpi ne, %convert_element_type3A, %cond3A : i32
      scf.if %cond3A_29 {
        %dma_wait3A_164 = arith.constant 0 : i32
        %dma_wait3A_165 = arith.constant 0 : i32
        %dma_wait3A_166 = tpu.memref_slice %arg6[%dma_wait3A_164, %dma_wait3A_165] : memref<640x128xf32, #tpu.memory_space<vmem>> -> memref<256x128xf32, #tpu.memory_space<vmem>>
        %dma_wait3A_167 = arith.constant 0 : i32
        %dma_wait3A_168 = tpu.memref_slice %arg4[%mul3A_2, %dma_wait3A_167] : memref<163840x128xf32, #tpu.memory_space<hbm>> -> memref<256x128xf32, #tpu.memory_space<hbm>>
        %dma_wait3A_169 = arith.constant 0 : i32
        %dma_wait3A_170 = tpu.memref_slice %arg4[%mul3A_2, %dma_wait3A_169] : memref<163840x128xf32, #tpu.memory_space<hbm>> -> memref<256x128xf32, #tpu.memory_space<hbm>>
        %dma_wait3A_171 = arith.constant 0 : i32
        %dma_wait3A_172 = arith.constant 0 : i32
        %dma_wait3A_173 = tpu.memref_slice %arg6[%dma_wait3A_171, %dma_wait3A_172] : memref<640x128xf32, #tpu.memory_space<vmem>> -> memref<256x128xf32, #tpu.memory_space<vmem>>
        tpu.wait_dma2 semaphore(%arg8 : memref<!tpu.dma_semaphore, #tpu.memory_space<semaphore_mem>>) src(%dma_wait3A_173 : memref<256x128xf32, #tpu.memory_space<vmem>>) dst(%dma_wait3A_170 : memref<256x128xf32, #tpu.memory_space<hbm>>)
        %dma_wait3A_174 = arith.constant 256 : i32
        %dma_wait3A_175 = arith.constant 0 : i32
        %dma_wait3A_176 = tpu.memref_slice %arg6[%dma_wait3A_174, %dma_wait3A_175] : memref<640x128xf32, #tpu.memory_space<vmem>> -> memref<384x128xf32, #tpu.memory_space<vmem>>
        %dma_wait3A_177 = arith.constant 0 : i32
        %dma_wait3A_178 = tpu.memref_slice %arg4[%mul3A_2, %dma_wait3A_177] : memref<163840x128xf32, #tpu.memory_space<hbm>> -> memref<384x128xf32, #tpu.memory_space<hbm>>
        %dma_wait3A_179 = arith.constant 0 : i32
        %dma_wait3A_180 = tpu.memref_slice %arg4[%mul3A_2, %dma_wait3A_179] : memref<163840x128xf32, #tpu.memory_space<hbm>> -> memref<384x128xf32, #tpu.memory_space<hbm>>
        %dma_wait3A_181 = arith.constant 256 : i32
        %dma_wait3A_182 = arith.constant 0 : i32
        %dma_wait3A_183 = tpu.memref_slice %arg6[%dma_wait3A_181, %dma_wait3A_182] : memref<640x128xf32, #tpu.memory_space<vmem>> -> memref<384x128xf32, #tpu.memory_space<vmem>>
        tpu.wait_dma2 semaphore(%arg8 : memref<!tpu.dma_semaphore, #tpu.memory_space<semaphore_mem>>) src(%dma_wait3A_183 : memref<384x128xf32, #tpu.memory_space<vmem>>) dst(%dma_wait3A_180 : memref<384x128xf32, #tpu.memory_space<hbm>>)
      } else {
      }
      %mul3A_30 = arith.constant 640 : i32
      %mul3A_31 = arith.muli %scan3A_27, %mul3A_30 : i32
      %add3A_32 = arith.addi %mul3A_2, %mul3A_31 : i32
      %mul3A_33 = arith.constant 5 : i32
      %mul3A_34 = arith.muli %scan3A_27, %mul3A_33 : i32
      %add3A_35 = arith.constant 0 : i32
      %add3A_36 = arith.addi %mul3A_34, %add3A_35 : i32
      %dma_start3A = arith.constant 0 : i32
      %dma_start3A_37 = arith.constant 0 : i32
      %dma_start3A_38 = tpu.memref_slice %arg6[%dma_start3A, %dma_start3A_37] : memref<640x128xf32, #tpu.memory_space<vmem>> -> memref<128x128xf32, #tpu.memory_space<vmem>>
      %dma_start3A_39 = arith.constant 0 : i32
      %dma_start3A_40 = tpu.memref_slice %arg5[%add3A_36, %dma_start3A_39] : memref<40x128xi32, #tpu.memory_space<vmem>> -> memref<1x128xi32, #tpu.memory_space<vmem>>
      %dma_start3A_41 = tpu.memref_squeeze %dma_start3A_40 : memref<1x128xi32, #tpu.memory_space<vmem>> -> memref<128xi32, #tpu.memory_space<vmem>>
      %dma_start3A_42 = arith.constant 0 : i32
      %dma_start3A_43 = arith.constant 0 : i32
      %dma_start3A_44 = tpu.memref_slice %arg2[%dma_start3A_42, %dma_start3A_43] : memref<507904x128xf32, #tpu.memory_space<hbm>> -> memref<507904x128xf32, #tpu.memory_space<hbm>>
      tpu.enqueue_indirect_dma source(%dma_start3A_44 : memref<507904x128xf32, #tpu.memory_space<hbm>>) target(%dma_start3A_38 : memref<128x128xf32, #tpu.memory_space<vmem>>) offsets(%dma_start3A_41 : memref<128xi32, #tpu.memory_space<vmem>>) semaphore(%arg7 : memref<!tpu.dma_semaphore, #tpu.memory_space<semaphore_mem>>)
      %mul3A_45 = arith.constant 5 : i32
      %mul3A_46 = arith.muli %scan3A_27, %mul3A_45 : i32
      %add3A_47 = arith.constant 1 : i32
      %add3A_48 = arith.addi %mul3A_46, %add3A_47 : i32
      %dma_start3A_49 = arith.constant 128 : i32
      %dma_start3A_50 = arith.constant 0 : i32
      %dma_start3A_51 = tpu.memref_slice %arg6[%dma_start3A_49, %dma_start3A_50] : memref<640x128xf32, #tpu.memory_space<vmem>> -> memref<128x128xf32, #tpu.memory_space<vmem>>
      %dma_start3A_52 = arith.constant 0 : i32
      %dma_start3A_53 = tpu.memref_slice %arg5[%add3A_48, %dma_start3A_52] : memref<40x128xi32, #tpu.memory_space<vmem>> -> memref<1x128xi32, #tpu.memory_space<vmem>>
      %dma_start3A_54 = tpu.memref_squeeze %dma_start3A_53 : memref<1x128xi32, #tpu.memory_space<vmem>> -> memref<128xi32, #tpu.memory_space<vmem>>
      %dma_start3A_55 = arith.constant 0 : i32
      %dma_start3A_56 = arith.constant 0 : i32
      %dma_start3A_57 = tpu.memref_slice %arg2[%dma_start3A_55, %dma_start3A_56] : memref<507904x128xf32, #tpu.memory_space<hbm>> -> memref<507904x128xf32, #tpu.memory_space<hbm>>
      tpu.enqueue_indirect_dma source(%dma_start3A_57 : memref<507904x128xf32, #tpu.memory_space<hbm>>) target(%dma_start3A_51 : memref<128x128xf32, #tpu.memory_space<vmem>>) offsets(%dma_start3A_54 : memref<128xi32, #tpu.memory_space<vmem>>) semaphore(%arg7 : memref<!tpu.dma_semaphore, #tpu.memory_space<semaphore_mem>>)
      %mul3A_58 = arith.constant 5 : i32
      %mul3A_59 = arith.muli %scan3A_27, %mul3A_58 : i32
      %add3A_60 = arith.constant 2 : i32
      %add3A_61 = arith.addi %mul3A_59, %add3A_60 : i32
      %dma_start3A_62 = arith.constant 256 : i32
      %dma_start3A_63 = arith.constant 0 : i32
      %dma_start3A_64 = tpu.memref_slice %arg6[%dma_start3A_62, %dma_start3A_63] : memref<640x128xf32, #tpu.memory_space<vmem>> -> memref<128x128xf32, #tpu.memory_space<vmem>>
      %dma_start3A_65 = arith.constant 0 : i32
      %dma_start3A_66 = tpu.memref_slice %arg5[%add3A_61, %dma_start3A_65] : memref<40x128xi32, #tpu.memory_space<vmem>> -> memref<1x128xi32, #tpu.memory_space<vmem>>
      %dma_start3A_67 = tpu.memref_squeeze %dma_start3A_66 : memref<1x128xi32, #tpu.memory_space<vmem>> -> memref<128xi32, #tpu.memory_space<vmem>>
      %dma_start3A_68 = arith.constant 0 : i32
      %dma_start3A_69 = arith.constant 0 : i32
      %dma_start3A_70 = tpu.memref_slice %arg2[%dma_start3A_68, %dma_start3A_69] : memref<507904x128xf32, #tpu.memory_space<hbm>> -> memref<507904x128xf32, #tpu.memory_space<hbm>>
      tpu.enqueue_indirect_dma source(%dma_start3A_70 : memref<507904x128xf32, #tpu.memory_space<hbm>>) target(%dma_start3A_64 : memref<128x128xf32, #tpu.memory_space<vmem>>) offsets(%dma_start3A_67 : memref<128xi32, #tpu.memory_space<vmem>>) semaphore(%arg7 : memref<!tpu.dma_semaphore, #tpu.memory_space<semaphore_mem>>)
      %mul3A_71 = arith.constant 5 : i32
      %mul3A_72 = arith.muli %scan3A_27, %mul3A_71 : i32
      %add3A_73 = arith.constant 3 : i32
      %add3A_74 = arith.addi %mul3A_72, %add3A_73 : i32
      %dma_start3A_75 = arith.constant 384 : i32
      %dma_start3A_76 = arith.constant 0 : i32
      %dma_start3A_77 = tpu.memref_slice %arg6[%dma_start3A_75, %dma_start3A_76] : memref<640x128xf32, #tpu.memory_space<vmem>> -> memref<128x128xf32, #tpu.memory_space<vmem>>
      %dma_start3A_78 = arith.constant 0 : i32
      %dma_start3A_79 = tpu.memref_slice %arg5[%add3A_74, %dma_start3A_78] : memref<40x128xi32, #tpu.memory_space<vmem>> -> memref<1x128xi32, #tpu.memory_space<vmem>>
      %dma_start3A_80 = tpu.memref_squeeze %dma_start3A_79 : memref<1x128xi32, #tpu.memory_space<vmem>> -> memref<128xi32, #tpu.memory_space<vmem>>
      %dma_start3A_81 = arith.constant 0 : i32
      %dma_start3A_82 = arith.constant 0 : i32
      %dma_start3A_83 = tpu.memref_slice %arg2[%dma_start3A_81, %dma_start3A_82] : memref<507904x128xf32, #tpu.memory_space<hbm>> -> memref<507904x128xf32, #tpu.memory_space<hbm>>
      tpu.enqueue_indirect_dma source(%dma_start3A_83 : memref<507904x128xf32, #tpu.memory_space<hbm>>) target(%dma_start3A_77 : memref<128x128xf32, #tpu.memory_space<vmem>>) offsets(%dma_start3A_80 : memref<128xi32, #tpu.memory_space<vmem>>) semaphore(%arg7 : memref<!tpu.dma_semaphore, #tpu.memory_space<semaphore_mem>>)
      %mul3A_84 = arith.constant 5 : i32
      %mul3A_85 = arith.muli %scan3A_27, %mul3A_84 : i32
      %add3A_86 = arith.constant 4 : i32
      %add3A_87 = arith.addi %mul3A_85, %add3A_86 : i32
      %dma_start3A_88 = arith.constant 512 : i32
      %dma_start3A_89 = arith.constant 0 : i32
      %dma_start3A_90 = tpu.memref_slice %arg6[%dma_start3A_88, %dma_start3A_89] : memref<640x128xf32, #tpu.memory_space<vmem>> -> memref<128x128xf32, #tpu.memory_space<vmem>>
      %dma_start3A_91 = arith.constant 0 : i32
      %dma_start3A_92 = tpu.memref_slice %arg5[%add3A_87, %dma_start3A_91] : memref<40x128xi32, #tpu.memory_space<vmem>> -> memref<1x128xi32, #tpu.memory_space<vmem>>
      %dma_start3A_93 = tpu.memref_squeeze %dma_start3A_92 : memref<1x128xi32, #tpu.memory_space<vmem>> -> memref<128xi32, #tpu.memory_space<vmem>>
      %dma_start3A_94 = arith.constant 0 : i32
      %dma_start3A_95 = arith.constant 0 : i32
      %dma_start3A_96 = tpu.memref_slice %arg2[%dma_start3A_94, %dma_start3A_95] : memref<507904x128xf32, #tpu.memory_space<hbm>> -> memref<507904x128xf32, #tpu.memory_space<hbm>>
      tpu.enqueue_indirect_dma source(%dma_start3A_96 : memref<507904x128xf32, #tpu.memory_space<hbm>>) target(%dma_start3A_90 : memref<128x128xf32, #tpu.memory_space<vmem>>) offsets(%dma_start3A_93 : memref<128xi32, #tpu.memory_space<vmem>>) semaphore(%arg7 : memref<!tpu.dma_semaphore, #tpu.memory_space<semaphore_mem>>)
      %dma_wait3A_97 = arith.constant 0 : i32
      %dma_wait3A_98 = arith.constant 0 : i32
      %dma_wait3A_99 = tpu.memref_slice %arg6[%dma_wait3A_97, %dma_wait3A_98] : memref<640x128xf32, #tpu.memory_space<vmem>> -> memref<128x128xf32, #tpu.memory_space<vmem>>
      %dma_wait3A_100 = arith.constant 0 : i32
      %dma_wait3A_101 = tpu.memref_slice %arg5[%add3A_36, %dma_wait3A_100] : memref<40x128xi32, #tpu.memory_space<vmem>> -> memref<1x128xi32, #tpu.memory_space<vmem>>
      %dma_wait3A_102 = tpu.memref_squeeze %dma_wait3A_101 : memref<1x128xi32, #tpu.memory_space<vmem>> -> memref<128xi32, #tpu.memory_space<vmem>>
      %dma_wait3A_103 = arith.constant 0 : i32
      %dma_wait3A_104 = arith.constant 0 : i32
      %dma_wait3A_105 = tpu.memref_slice %arg2[%dma_wait3A_103, %dma_wait3A_104] : memref<507904x128xf32, #tpu.memory_space<hbm>> -> memref<507904x128xf32, #tpu.memory_space<hbm>>
      tpu.wait_indirect_dma semaphore(%arg7 : memref<!tpu.dma_semaphore, #tpu.memory_space<semaphore_mem>>) src(%dma_wait3A_105 : memref<507904x128xf32, #tpu.memory_space<hbm>>) dst(%dma_wait3A_99 : memref<128x128xf32, #tpu.memory_space<vmem>>)
      %dma_wait3A_106 = arith.constant 128 : i32
      %dma_wait3A_107 = arith.constant 0 : i32
      %dma_wait3A_108 = tpu.memref_slice %arg6[%dma_wait3A_106, %dma_wait3A_107] : memref<640x128xf32, #tpu.memory_space<vmem>> -> memref<128x128xf32, #tpu.memory_space<vmem>>
      %dma_wait3A_109 = arith.constant 0 : i32
      %dma_wait3A_110 = tpu.memref_slice %arg5[%add3A_48, %dma_wait3A_109] : memref<40x128xi32, #tpu.memory_space<vmem>> -> memref<1x128xi32, #tpu.memory_space<vmem>>
      %dma_wait3A_111 = tpu.memref_squeeze %dma_wait3A_110 : memref<1x128xi32, #tpu.memory_space<vmem>> -> memref<128xi32, #tpu.memory_space<vmem>>
      %dma_wait3A_112 = arith.constant 0 : i32
      %dma_wait3A_113 = arith.constant 0 : i32
      %dma_wait3A_114 = tpu.memref_slice %arg2[%dma_wait3A_112, %dma_wait3A_113] : memref<507904x128xf32, #tpu.memory_space<hbm>> -> memref<507904x128xf32, #tpu.memory_space<hbm>>
      tpu.wait_indirect_dma semaphore(%arg7 : memref<!tpu.dma_semaphore, #tpu.memory_space<semaphore_mem>>) src(%dma_wait3A_114 : memref<507904x128xf32, #tpu.memory_space<hbm>>) dst(%dma_wait3A_108 : memref<128x128xf32, #tpu.memory_space<vmem>>)
      %dma_start3A_115 = arith.constant 0 : i32
      %dma_start3A_116 = arith.constant 0 : i32
      %dma_start3A_117 = tpu.memref_slice %arg6[%dma_start3A_115, %dma_start3A_116] : memref<640x128xf32, #tpu.memory_space<vmem>> -> memref<256x128xf32, #tpu.memory_space<vmem>>
      %dma_start3A_118 = arith.constant 0 : i32
      %dma_start3A_119 = tpu.memref_slice %arg4[%add3A_32, %dma_start3A_118] : memref<163840x128xf32, #tpu.memory_space<hbm>> -> memref<256x128xf32, #tpu.memory_space<hbm>>
      %dma_start3A_120 = arith.constant 0 : i32
      %dma_start3A_121 = tpu.memref_slice %arg4[%add3A_32, %dma_start3A_120] : memref<163840x128xf32, #tpu.memory_space<hbm>> -> memref<256x128xf32, #tpu.memory_space<hbm>>
      %dma_start3A_122 = arith.constant 0 : i32
      %dma_start3A_123 = arith.constant 0 : i32
      %dma_start3A_124 = tpu.memref_slice %arg6[%dma_start3A_122, %dma_start3A_123] : memref<640x128xf32, #tpu.memory_space<vmem>> -> memref<256x128xf32, #tpu.memory_space<vmem>>
      tpu.enqueue_dma source(%dma_start3A_124 : memref<256x128xf32, #tpu.memory_space<vmem>>) target(%dma_start3A_121 : memref<256x128xf32, #tpu.memory_space<hbm>>) target_semaphore(%arg8 : memref<!tpu.dma_semaphore, #tpu.memory_space<semaphore_mem>>)
      %dma_wait3A_125 = arith.constant 256 : i32
      %dma_wait3A_126 = arith.constant 0 : i32
      %dma_wait3A_127 = tpu.memref_slice %arg6[%dma_wait3A_125, %dma_wait3A_126] : memref<640x128xf32, #tpu.memory_space<vmem>> -> memref<128x128xf32, #tpu.memory_space<vmem>>
      %dma_wait3A_128 = arith.constant 0 : i32
      %dma_wait3A_129 = tpu.memref_slice %arg5[%add3A_61, %dma_wait3A_128] : memref<40x128xi32, #tpu.memory_space<vmem>> -> memref<1x128xi32, #tpu.memory_space<vmem>>
      %dma_wait3A_130 = tpu.memref_squeeze %dma_wait3A_129 : memref<1x128xi32, #tpu.memory_space<vmem>> -> memref<128xi32, #tpu.memory_space<vmem>>
      %dma_wait3A_131 = arith.constant 0 : i32
      %dma_wait3A_132 = arith.constant 0 : i32
      %dma_wait3A_133 = tpu.memref_slice %arg2[%dma_wait3A_131, %dma_wait3A_132] : memref<507904x128xf32, #tpu.memory_space<hbm>> -> memref<507904x128xf32, #tpu.memory_space<hbm>>
      tpu.wait_indirect_dma semaphore(%arg7 : memref<!tpu.dma_semaphore, #tpu.memory_space<semaphore_mem>>) src(%dma_wait3A_133 : memref<507904x128xf32, #tpu.memory_space<hbm>>) dst(%dma_wait3A_127 : memref<128x128xf32, #tpu.memory_space<vmem>>)
      %dma_wait3A_134 = arith.constant 384 : i32
      %dma_wait3A_135 = arith.constant 0 : i32
      %dma_wait3A_136 = tpu.memref_slice %arg6[%dma_wait3A_134, %dma_wait3A_135] : memref<640x128xf32, #tpu.memory_space<vmem>> -> memref<128x128xf32, #tpu.memory_space<vmem>>
      %dma_wait3A_137 = arith.constant 0 : i32
      %dma_wait3A_138 = tpu.memref_slice %arg5[%add3A_74, %dma_wait3A_137] : memref<40x128xi32, #tpu.memory_space<vmem>> -> memref<1x128xi32, #tpu.memory_space<vmem>>
      %dma_wait3A_139 = tpu.memref_squeeze %dma_wait3A_138 : memref<1x128xi32, #tpu.memory_space<vmem>> -> memref<128xi32, #tpu.memory_space<vmem>>
      %dma_wait3A_140 = arith.constant 0 : i32
      %dma_wait3A_141 = arith.constant 0 : i32
      %dma_wait3A_142 = tpu.memref_slice %arg2[%dma_wait3A_140, %dma_wait3A_141] : memref<507904x128xf32, #tpu.memory_space<hbm>> -> memref<507904x128xf32, #tpu.memory_space<hbm>>
      tpu.wait_indirect_dma semaphore(%arg7 : memref<!tpu.dma_semaphore, #tpu.memory_space<semaphore_mem>>) src(%dma_wait3A_142 : memref<507904x128xf32, #tpu.memory_space<hbm>>) dst(%dma_wait3A_136 : memref<128x128xf32, #tpu.memory_space<vmem>>)
      %dma_wait3A_143 = arith.constant 512 : i32
      %dma_wait3A_144 = arith.constant 0 : i32
      %dma_wait3A_145 = tpu.memref_slice %arg6[%dma_wait3A_143, %dma_wait3A_144] : memref<640x128xf32, #tpu.memory_space<vmem>> -> memref<128x128xf32, #tpu.memory_space<vmem>>
      %dma_wait3A_146 = arith.constant 0 : i32
      %dma_wait3A_147 = tpu.memref_slice %arg5[%add3A_87, %dma_wait3A_146] : memref<40x128xi32, #tpu.memory_space<vmem>> -> memref<1x128xi32, #tpu.memory_space<vmem>>
      %dma_wait3A_148 = tpu.memref_squeeze %dma_wait3A_147 : memref<1x128xi32, #tpu.memory_space<vmem>> -> memref<128xi32, #tpu.memory_space<vmem>>
      %dma_wait3A_149 = arith.constant 0 : i32
      %dma_wait3A_150 = arith.constant 0 : i32
      %dma_wait3A_151 = tpu.memref_slice %arg2[%dma_wait3A_149, %dma_wait3A_150] : memref<507904x128xf32, #tpu.memory_space<hbm>> -> memref<507904x128xf32, #tpu.memory_space<hbm>>
      tpu.wait_indirect_dma semaphore(%arg7 : memref<!tpu.dma_semaphore, #tpu.memory_space<semaphore_mem>>) src(%dma_wait3A_151 : memref<507904x128xf32, #tpu.memory_space<hbm>>) dst(%dma_wait3A_145 : memref<128x128xf32, #tpu.memory_space<vmem>>)
      %add3A_152 = arith.constant 256 : i32
      %add3A_153 = arith.addi %add3A_32, %add3A_152 : i32
      %dma_start3A_154 = arith.constant 256 : i32
      %dma_start3A_155 = arith.constant 0 : i32
      %dma_start3A_156 = tpu.memref_slice %arg6[%dma_start3A_154, %dma_start3A_155] : memref<640x128xf32, #tpu.memory_space<vmem>> -> memref<384x128xf32, #tpu.memory_space<vmem>>
      %dma_start3A_157 = arith.constant 0 : i32
      %dma_start3A_158 = tpu.memref_slice %arg4[%add3A_153, %dma_start3A_157] : memref<163840x128xf32, #tpu.memory_space<hbm>> -> memref<384x128xf32, #tpu.memory_space<hbm>>
      %dma_start3A_159 = arith.constant 0 : i32
      %dma_start3A_160 = tpu.memref_slice %arg4[%add3A_153, %dma_start3A_159] : memref<163840x128xf32, #tpu.memory_space<hbm>> -> memref<384x128xf32, #tpu.memory_space<hbm>>
      %dma_start3A_161 = arith.constant 256 : i32
      %dma_start3A_162 = arith.constant 0 : i32
      %dma_start3A_163 = tpu.memref_slice %arg6[%dma_start3A_161, %dma_start3A_162] : memref<640x128xf32, #tpu.memory_space<vmem>> -> memref<384x128xf32, #tpu.memory_space<vmem>>
      tpu.enqueue_dma source(%dma_start3A_163 : memref<384x128xf32, #tpu.memory_space<vmem>>) target(%dma_start3A_160 : memref<384x128xf32, #tpu.memory_space<hbm>>) target_semaphore(%arg8 : memref<!tpu.dma_semaphore, #tpu.memory_space<semaphore_mem>>)
    }
    %scan3A_7 = arith.constant 8 : i32
    %dma_wait3A = arith.constant 0 : i32
    %dma_wait3A_8 = arith.constant 0 : i32
    %dma_wait3A_9 = tpu.memref_slice %arg6[%dma_wait3A, %dma_wait3A_8] : memref<640x128xf32, #tpu.memory_space<vmem>> -> memref<256x128xf32, #tpu.memory_space<vmem>>
    %dma_wait3A_10 = arith.constant 0 : i32
    %dma_wait3A_11 = tpu.memref_slice %arg4[%mul3A_2, %dma_wait3A_10] : memref<163840x128xf32, #tpu.memory_space<hbm>> -> memref<256x128xf32, #tpu.memory_space<hbm>>
    %dma_wait3A_12 = arith.constant 0 : i32
    %dma_wait3A_13 = tpu.memref_slice %arg4[%mul3A_2, %dma_wait3A_12] : memref<163840x128xf32, #tpu.memory_space<hbm>> -> memref<256x128xf32, #tpu.memory_space<hbm>>
    %dma_wait3A_14 = arith.constant 0 : i32
    %dma_wait3A_15 = arith.constant 0 : i32
    %dma_wait3A_16 = tpu.memref_slice %arg6[%dma_wait3A_14, %dma_wait3A_15] : memref<640x128xf32, #tpu.memory_space<vmem>> -> memref<256x128xf32, #tpu.memory_space<vmem>>
    tpu.wait_dma2 semaphore(%arg8 : memref<!tpu.dma_semaphore, #tpu.memory_space<semaphore_mem>>) src(%dma_wait3A_16 : memref<256x128xf32, #tpu.memory_space<vmem>>) dst(%dma_wait3A_13 : memref<256x128xf32, #tpu.memory_space<hbm>>)
    %dma_wait3A_17 = arith.constant 256 : i32
    %dma_wait3A_18 = arith.constant 0 : i32
    %dma_wait3A_19 = tpu.memref_slice %arg6[%dma_wait3A_17, %dma_wait3A_18] : memref<640x128xf32, #tpu.memory_space<vmem>> -> memref<384x128xf32, #tpu.memory_space<vmem>>
    %dma_wait3A_20 = arith.constant 0 : i32
    %dma_wait3A_21 = tpu.memref_slice %arg4[%mul3A_2, %dma_wait3A_20] : memref<163840x128xf32, #tpu.memory_space<hbm>> -> memref<384x128xf32, #tpu.memory_space<hbm>>
    %dma_wait3A_22 = arith.constant 0 : i32
    %dma_wait3A_23 = tpu.memref_slice %arg4[%mul3A_2, %dma_wait3A_22] : memref<163840x128xf32, #tpu.memory_space<hbm>> -> memref<384x128xf32, #tpu.memory_space<hbm>>
    %dma_wait3A_24 = arith.constant 256 : i32
    %dma_wait3A_25 = arith.constant 0 : i32
    %dma_wait3A_26 = tpu.memref_slice %arg6[%dma_wait3A_24, %dma_wait3A_25] : memref<640x128xf32, #tpu.memory_space<vmem>> -> memref<384x128xf32, #tpu.memory_space<vmem>>
    tpu.wait_dma2 semaphore(%arg8 : memref<!tpu.dma_semaphore, #tpu.memory_space<semaphore_mem>>) src(%dma_wait3A_26 : memref<384x128xf32, #tpu.memory_space<vmem>>) dst(%dma_wait3A_23 : memref<384x128xf32, #tpu.memory_space<hbm>>)
    return
  }
}

#map = affine_map<(d0, d1) -> (0, 0)>
#map1 = affine_map<(d0, d1) -> (0, 0, 0)>
module attributes {stable_mosaic.version = 14 : i64} {
  func.func @gather_kernel(%arg0: i32, %arg1: i32, %arg2: memref<507904x128xf32, #tpu.memory_space<hbm>>, %arg3: memref<32x40x128xi32, #tpu.memory_space<hbm>>, %arg4: memref<163840x128xf32, #tpu.memory_space<hbm>>, %arg5: memref<40x128xi32, #tpu.memory_space<vmem>>, %arg6: memref<640x128xf32, #tpu.memory_space<vmem>>, %arg7: memref<!tpu.dma_semaphore, #tpu.memory_space<semaphore_mem>>, %arg8: memref<!tpu.dma_semaphore, #tpu.memory_space<semaphore_mem>>) attributes {dimension_semantics = [#tpu.dimension_semantics<core_parallel>, #tpu.dimension_semantics<subcore_parallel>], iteration_bounds = array<i64: 2, 16>, scalar_prefetch = 0 : i64, scratch_operands = 4 : i64, tpu.core_type = #tpu.core_type<sc_vector_subcore>, window_params = [{transform_indices = #map}, {transform_indices = #map1}, {transform_indices = #map}]} {
    %mul3A = arith.constant 2 : i32
    %mul3A_0 = arith.muli %arg1, %mul3A : i32
    %add3A = arith.addi %mul3A_0, %arg0 : i32
    %mul3A_1 = arith.constant 5120 : i32
    %mul3A_2 = arith.muli %add3A, %mul3A_1 : i32
    "tpu.region"() ({
      %run_scoped3A = tpu.sem_alloc : memref<!tpu.dma_semaphore, #tpu.memory_space<semaphore_mem>>
      %dma_start3A = arith.constant 0 : i32
      %dma_start3A_27 = arith.constant 0 : i32
      %dma_start3A_28 = tpu.memref_slice %arg3[%add3A, %dma_start3A, %dma_start3A_27] : memref<32x40x128xi32, #tpu.memory_space<hbm>> -> memref<1x40x128xi32, #tpu.memory_space<hbm>>
      %dma_start3A_29 = tpu.memref_squeeze %dma_start3A_28 : memref<1x40x128xi32, #tpu.memory_space<hbm>> -> memref<40x128xi32, #tpu.memory_space<hbm>>
      %dma_start3A_30 = arith.constant 0 : i32
      %dma_start3A_31 = arith.constant 0 : i32
      %dma_start3A_32 = tpu.memref_slice %arg3[%add3A, %dma_start3A_30, %dma_start3A_31] : memref<32x40x128xi32, #tpu.memory_space<hbm>> -> memref<1x40x128xi32, #tpu.memory_space<hbm>>
      %dma_start3A_33 = tpu.memref_squeeze %dma_start3A_32 : memref<1x40x128xi32, #tpu.memory_space<hbm>> -> memref<40x128xi32, #tpu.memory_space<hbm>>
      tpu.enqueue_dma source(%dma_start3A_33 : memref<40x128xi32, #tpu.memory_space<hbm>>) target(%arg5 : memref<40x128xi32, #tpu.memory_space<vmem>>) target_semaphore(%run_scoped3A : memref<!tpu.dma_semaphore, #tpu.memory_space<semaphore_mem>>)
      %dma_wait3A_34 = arith.constant 0 : i32
      %dma_wait3A_35 = arith.constant 0 : i32
      %dma_wait3A_36 = tpu.memref_slice %arg3[%add3A, %dma_wait3A_34, %dma_wait3A_35] : memref<32x40x128xi32, #tpu.memory_space<hbm>> -> memref<1x40x128xi32, #tpu.memory_space<hbm>>
      %dma_wait3A_37 = tpu.memref_squeeze %dma_wait3A_36 : memref<1x40x128xi32, #tpu.memory_space<hbm>> -> memref<40x128xi32, #tpu.memory_space<hbm>>
      %dma_wait3A_38 = arith.constant 0 : i32
      %dma_wait3A_39 = arith.constant 0 : i32
      %dma_wait3A_40 = tpu.memref_slice %arg3[%add3A, %dma_wait3A_38, %dma_wait3A_39] : memref<32x40x128xi32, #tpu.memory_space<hbm>> -> memref<1x40x128xi32, #tpu.memory_space<hbm>>
      %dma_wait3A_41 = tpu.memref_squeeze %dma_wait3A_40 : memref<1x40x128xi32, #tpu.memory_space<hbm>> -> memref<40x128xi32, #tpu.memory_space<hbm>>
      tpu.wait_dma2 semaphore(%run_scoped3A : memref<!tpu.dma_semaphore, #tpu.memory_space<semaphore_mem>>) src(%dma_wait3A_41 : memref<40x128xi32, #tpu.memory_space<hbm>>) dst(%arg5 : memref<40x128xi32, #tpu.memory_space<vmem>>)
      tpu.yield
    }) : () -> ()
    %scan3A = arith.constant 0 : i32
    %scan3A_3 = arith.constant 0 : i32
    %scan3A_4 = arith.constant 8 : i32
    %scan3A_5 = arith.addi %scan3A_3, %scan3A_4 : i32
    %scan3A_6 = arith.constant 1 : i32
    scf.for %scan3A_27 = %scan3A_3 to %scan3A_5 step %scan3A_6  : i32 {
      %gt3A = arith.constant 0 : i32
      %gt3A_28 = arith.cmpi sgt, %scan3A_27, %gt3A : i32
      %convert_element_type3A = arith.extui %gt3A_28 : i1 to i32
      %cond3A = arith.constant 0 : i32
      %cond3A_29 = arith.cmpi ne, %convert_element_type3A, %cond3A : i32
      scf.if %cond3A_29 {
        %dma_wait3A_164 = arith.constant 0 : i32
        %dma_wait3A_165 = arith.constant 0 : i32
        %dma_wait3A_166 = tpu.memref_slice %arg6[%dma_wait3A_164, %dma_wait3A_165] : memref<640x128xf32, #tpu.memory_space<vmem>> -> memref<256x128xf32, #tpu.memory_space<vmem>>
        %dma_wait3A_167 = arith.constant 0 : i32
        %dma_wait3A_168 = tpu.memref_slice %arg4[%mul3A_2, %dma_wait3A_167] : memref<163840x128xf32, #tpu.memory_space<hbm>> -> memref<256x128xf32, #tpu.memory_space<hbm>>
        %dma_wait3A_169 = arith.constant 0 : i32
        %dma_wait3A_170 = tpu.memref_slice %arg4[%mul3A_2, %dma_wait3A_169] : memref<163840x128xf32, #tpu.memory_space<hbm>> -> memref<256x128xf32, #tpu.memory_space<hbm>>
        %dma_wait3A_171 = arith.constant 0 : i32
        %dma_wait3A_172 = arith.constant 0 : i32
        %dma_wait3A_173 = tpu.memref_slice %arg6[%dma_wait3A_171, %dma_wait3A_172] : memref<640x128xf32, #tpu.memory_space<vmem>> -> memref<256x128xf32, #tpu.memory_space<vmem>>
        tpu.wait_dma2 semaphore(%arg8 : memref<!tpu.dma_semaphore, #tpu.memory_space<semaphore_mem>>) src(%dma_wait3A_173 : memref<256x128xf32, #tpu.memory_space<vmem>>) dst(%dma_wait3A_170 : memref<256x128xf32, #tpu.memory_space<hbm>>)
        %dma_wait3A_174 = arith.constant 256 : i32
        %dma_wait3A_175 = arith.constant 0 : i32
        %dma_wait3A_176 = tpu.memref_slice %arg6[%dma_wait3A_174, %dma_wait3A_175] : memref<640x128xf32, #tpu.memory_space<vmem>> -> memref<384x128xf32, #tpu.memory_space<vmem>>
        %dma_wait3A_177 = arith.constant 0 : i32
        %dma_wait3A_178 = tpu.memref_slice %arg4[%mul3A_2, %dma_wait3A_177] : memref<163840x128xf32, #tpu.memory_space<hbm>> -> memref<384x128xf32, #tpu.memory_space<hbm>>
        %dma_wait3A_179 = arith.constant 0 : i32
        %dma_wait3A_180 = tpu.memref_slice %arg4[%mul3A_2, %dma_wait3A_179] : memref<163840x128xf32, #tpu.memory_space<hbm>> -> memref<384x128xf32, #tpu.memory_space<hbm>>
        %dma_wait3A_181 = arith.constant 256 : i32
        %dma_wait3A_182 = arith.constant 0 : i32
        %dma_wait3A_183 = tpu.memref_slice %arg6[%dma_wait3A_181, %dma_wait3A_182] : memref<640x128xf32, #tpu.memory_space<vmem>> -> memref<384x128xf32, #tpu.memory_space<vmem>>
        tpu.wait_dma2 semaphore(%arg8 : memref<!tpu.dma_semaphore, #tpu.memory_space<semaphore_mem>>) src(%dma_wait3A_183 : memref<384x128xf32, #tpu.memory_space<vmem>>) dst(%dma_wait3A_180 : memref<384x128xf32, #tpu.memory_space<hbm>>)
      } else {
      }
      %mul3A_30 = arith.constant 640 : i32
      %mul3A_31 = arith.muli %scan3A_27, %mul3A_30 : i32
      %add3A_32 = arith.addi %mul3A_2, %mul3A_31 : i32
      %mul3A_33 = arith.constant 5 : i32
      %mul3A_34 = arith.muli %scan3A_27, %mul3A_33 : i32
      %add3A_35 = arith.constant 0 : i32
      %add3A_36 = arith.addi %mul3A_34, %add3A_35 : i32
      %dma_start3A = arith.constant 0 : i32
      %dma_start3A_37 = arith.constant 0 : i32
      %dma_start3A_38 = tpu.memref_slice %arg6[%dma_start3A, %dma_start3A_37] : memref<640x128xf32, #tpu.memory_space<vmem>> -> memref<128x128xf32, #tpu.memory_space<vmem>>
      %dma_start3A_39 = arith.constant 0 : i32
      %dma_start3A_40 = tpu.memref_slice %arg5[%add3A_36, %dma_start3A_39] : memref<40x128xi32, #tpu.memory_space<vmem>> -> memref<1x128xi32, #tpu.memory_space<vmem>>
      %dma_start3A_41 = tpu.memref_squeeze %dma_start3A_40 : memref<1x128xi32, #tpu.memory_space<vmem>> -> memref<128xi32, #tpu.memory_space<vmem>>
      %dma_start3A_42 = arith.constant 0 : i32
      %dma_start3A_43 = arith.constant 0 : i32
      %dma_start3A_44 = tpu.memref_slice %arg2[%dma_start3A_42, %dma_start3A_43] : memref<507904x128xf32, #tpu.memory_space<hbm>> -> memref<507904x128xf32, #tpu.memory_space<hbm>>
      tpu.enqueue_indirect_dma source(%dma_start3A_44 : memref<507904x128xf32, #tpu.memory_space<hbm>>) target(%dma_start3A_38 : memref<128x128xf32, #tpu.memory_space<vmem>>) offsets(%dma_start3A_41 : memref<128xi32, #tpu.memory_space<vmem>>) semaphore(%arg7 : memref<!tpu.dma_semaphore, #tpu.memory_space<semaphore_mem>>)
      %mul3A_45 = arith.constant 5 : i32
      %mul3A_46 = arith.muli %scan3A_27, %mul3A_45 : i32
      %add3A_47 = arith.constant 1 : i32
      %add3A_48 = arith.addi %mul3A_46, %add3A_47 : i32
      %dma_start3A_49 = arith.constant 128 : i32
      %dma_start3A_50 = arith.constant 0 : i32
      %dma_start3A_51 = tpu.memref_slice %arg6[%dma_start3A_49, %dma_start3A_50] : memref<640x128xf32, #tpu.memory_space<vmem>> -> memref<128x128xf32, #tpu.memory_space<vmem>>
      %dma_start3A_52 = arith.constant 0 : i32
      %dma_start3A_53 = tpu.memref_slice %arg5[%add3A_48, %dma_start3A_52] : memref<40x128xi32, #tpu.memory_space<vmem>> -> memref<1x128xi32, #tpu.memory_space<vmem>>
      %dma_start3A_54 = tpu.memref_squeeze %dma_start3A_53 : memref<1x128xi32, #tpu.memory_space<vmem>> -> memref<128xi32, #tpu.memory_space<vmem>>
      %dma_start3A_55 = arith.constant 0 : i32
      %dma_start3A_56 = arith.constant 0 : i32
      %dma_start3A_57 = tpu.memref_slice %arg2[%dma_start3A_55, %dma_start3A_56] : memref<507904x128xf32, #tpu.memory_space<hbm>> -> memref<507904x128xf32, #tpu.memory_space<hbm>>
      tpu.enqueue_indirect_dma source(%dma_start3A_57 : memref<507904x128xf32, #tpu.memory_space<hbm>>) target(%dma_start3A_51 : memref<128x128xf32, #tpu.memory_space<vmem>>) offsets(%dma_start3A_54 : memref<128xi32, #tpu.memory_space<vmem>>) semaphore(%arg7 : memref<!tpu.dma_semaphore, #tpu.memory_space<semaphore_mem>>)
      %mul3A_58 = arith.constant 5 : i32
      %mul3A_59 = arith.muli %scan3A_27, %mul3A_58 : i32
      %add3A_60 = arith.constant 2 : i32
      %add3A_61 = arith.addi %mul3A_59, %add3A_60 : i32
      %dma_start3A_62 = arith.constant 256 : i32
      %dma_start3A_63 = arith.constant 0 : i32
      %dma_start3A_64 = tpu.memref_slice %arg6[%dma_start3A_62, %dma_start3A_63] : memref<640x128xf32, #tpu.memory_space<vmem>> -> memref<128x128xf32, #tpu.memory_space<vmem>>
      %dma_start3A_65 = arith.constant 0 : i32
      %dma_start3A_66 = tpu.memref_slice %arg5[%add3A_61, %dma_start3A_65] : memref<40x128xi32, #tpu.memory_space<vmem>> -> memref<1x128xi32, #tpu.memory_space<vmem>>
      %dma_start3A_67 = tpu.memref_squeeze %dma_start3A_66 : memref<1x128xi32, #tpu.memory_space<vmem>> -> memref<128xi32, #tpu.memory_space<vmem>>
      %dma_start3A_68 = arith.constant 0 : i32
      %dma_start3A_69 = arith.constant 0 : i32
      %dma_start3A_70 = tpu.memref_slice %arg2[%dma_start3A_68, %dma_start3A_69] : memref<507904x128xf32, #tpu.memory_space<hbm>> -> memref<507904x128xf32, #tpu.memory_space<hbm>>
      tpu.enqueue_indirect_dma source(%dma_start3A_70 : memref<507904x128xf32, #tpu.memory_space<hbm>>) target(%dma_start3A_64 : memref<128x128xf32, #tpu.memory_space<vmem>>) offsets(%dma_start3A_67 : memref<128xi32, #tpu.memory_space<vmem>>) semaphore(%arg7 : memref<!tpu.dma_semaphore, #tpu.memory_space<semaphore_mem>>)
      %mul3A_71 = arith.constant 5 : i32
      %mul3A_72 = arith.muli %scan3A_27, %mul3A_71 : i32
      %add3A_73 = arith.constant 3 : i32
      %add3A_74 = arith.addi %mul3A_72, %add3A_73 : i32
      %dma_start3A_75 = arith.constant 384 : i32
      %dma_start3A_76 = arith.constant 0 : i32
      %dma_start3A_77 = tpu.memref_slice %arg6[%dma_start3A_75, %dma_start3A_76] : memref<640x128xf32, #tpu.memory_space<vmem>> -> memref<128x128xf32, #tpu.memory_space<vmem>>
      %dma_start3A_78 = arith.constant 0 : i32
      %dma_start3A_79 = tpu.memref_slice %arg5[%add3A_74, %dma_start3A_78] : memref<40x128xi32, #tpu.memory_space<vmem>> -> memref<1x128xi32, #tpu.memory_space<vmem>>
      %dma_start3A_80 = tpu.memref_squeeze %dma_start3A_79 : memref<1x128xi32, #tpu.memory_space<vmem>> -> memref<128xi32, #tpu.memory_space<vmem>>
      %dma_start3A_81 = arith.constant 0 : i32
      %dma_start3A_82 = arith.constant 0 : i32
      %dma_start3A_83 = tpu.memref_slice %arg2[%dma_start3A_81, %dma_start3A_82] : memref<507904x128xf32, #tpu.memory_space<hbm>> -> memref<507904x128xf32, #tpu.memory_space<hbm>>
      tpu.enqueue_indirect_dma source(%dma_start3A_83 : memref<507904x128xf32, #tpu.memory_space<hbm>>) target(%dma_start3A_77 : memref<128x128xf32, #tpu.memory_space<vmem>>) offsets(%dma_start3A_80 : memref<128xi32, #tpu.memory_space<vmem>>) semaphore(%arg7 : memref<!tpu.dma_semaphore, #tpu.memory_space<semaphore_mem>>)
      %mul3A_84 = arith.constant 5 : i32
      %mul3A_85 = arith.muli %scan3A_27, %mul3A_84 : i32
      %add3A_86 = arith.constant 4 : i32
      %add3A_87 = arith.addi %mul3A_85, %add3A_86 : i32
      %dma_start3A_88 = arith.constant 512 : i32
      %dma_start3A_89 = arith.constant 0 : i32
      %dma_start3A_90 = tpu.memref_slice %arg6[%dma_start3A_88, %dma_start3A_89] : memref<640x128xf32, #tpu.memory_space<vmem>> -> memref<128x128xf32, #tpu.memory_space<vmem>>
      %dma_start3A_91 = arith.constant 0 : i32
      %dma_start3A_92 = tpu.memref_slice %arg5[%add3A_87, %dma_start3A_91] : memref<40x128xi32, #tpu.memory_space<vmem>> -> memref<1x128xi32, #tpu.memory_space<vmem>>
      %dma_start3A_93 = tpu.memref_squeeze %dma_start3A_92 : memref<1x128xi32, #tpu.memory_space<vmem>> -> memref<128xi32, #tpu.memory_space<vmem>>
      %dma_start3A_94 = arith.constant 0 : i32
      %dma_start3A_95 = arith.constant 0 : i32
      %dma_start3A_96 = tpu.memref_slice %arg2[%dma_start3A_94, %dma_start3A_95] : memref<507904x128xf32, #tpu.memory_space<hbm>> -> memref<507904x128xf32, #tpu.memory_space<hbm>>
      tpu.enqueue_indirect_dma source(%dma_start3A_96 : memref<507904x128xf32, #tpu.memory_space<hbm>>) target(%dma_start3A_90 : memref<128x128xf32, #tpu.memory_space<vmem>>) offsets(%dma_start3A_93 : memref<128xi32, #tpu.memory_space<vmem>>) semaphore(%arg7 : memref<!tpu.dma_semaphore, #tpu.memory_space<semaphore_mem>>)
      %dma_wait3A_97 = arith.constant 0 : i32
      %dma_wait3A_98 = arith.constant 0 : i32
      %dma_wait3A_99 = tpu.memref_slice %arg6[%dma_wait3A_97, %dma_wait3A_98] : memref<640x128xf32, #tpu.memory_space<vmem>> -> memref<128x128xf32, #tpu.memory_space<vmem>>
      %dma_wait3A_100 = arith.constant 0 : i32
      %dma_wait3A_101 = tpu.memref_slice %arg5[%add3A_36, %dma_wait3A_100] : memref<40x128xi32, #tpu.memory_space<vmem>> -> memref<1x128xi32, #tpu.memory_space<vmem>>
      %dma_wait3A_102 = tpu.memref_squeeze %dma_wait3A_101 : memref<1x128xi32, #tpu.memory_space<vmem>> -> memref<128xi32, #tpu.memory_space<vmem>>
      %dma_wait3A_103 = arith.constant 0 : i32
      %dma_wait3A_104 = arith.constant 0 : i32
      %dma_wait3A_105 = tpu.memref_slice %arg2[%dma_wait3A_103, %dma_wait3A_104] : memref<507904x128xf32, #tpu.memory_space<hbm>> -> memref<507904x128xf32, #tpu.memory_space<hbm>>
      tpu.wait_indirect_dma semaphore(%arg7 : memref<!tpu.dma_semaphore, #tpu.memory_space<semaphore_mem>>) src(%dma_wait3A_105 : memref<507904x128xf32, #tpu.memory_space<hbm>>) dst(%dma_wait3A_99 : memref<128x128xf32, #tpu.memory_space<vmem>>)
      %dma_wait3A_106 = arith.constant 128 : i32
      %dma_wait3A_107 = arith.constant 0 : i32
      %dma_wait3A_108 = tpu.memref_slice %arg6[%dma_wait3A_106, %dma_wait3A_107] : memref<640x128xf32, #tpu.memory_space<vmem>> -> memref<128x128xf32, #tpu.memory_space<vmem>>
      %dma_wait3A_109 = arith.constant 0 : i32
      %dma_wait3A_110 = tpu.memref_slice %arg5[%add3A_48, %dma_wait3A_109] : memref<40x128xi32, #tpu.memory_space<vmem>> -> memref<1x128xi32, #tpu.memory_space<vmem>>
      %dma_wait3A_111 = tpu.memref_squeeze %dma_wait3A_110 : memref<1x128xi32, #tpu.memory_space<vmem>> -> memref<128xi32, #tpu.memory_space<vmem>>
      %dma_wait3A_112 = arith.constant 0 : i32
      %dma_wait3A_113 = arith.constant 0 : i32
      %dma_wait3A_114 = tpu.memref_slice %arg2[%dma_wait3A_112, %dma_wait3A_113] : memref<507904x128xf32, #tpu.memory_space<hbm>> -> memref<507904x128xf32, #tpu.memory_space<hbm>>
      tpu.wait_indirect_dma semaphore(%arg7 : memref<!tpu.dma_semaphore, #tpu.memory_space<semaphore_mem>>) src(%dma_wait3A_114 : memref<507904x128xf32, #tpu.memory_space<hbm>>) dst(%dma_wait3A_108 : memref<128x128xf32, #tpu.memory_space<vmem>>)
      %dma_start3A_115 = arith.constant 0 : i32
      %dma_start3A_116 = arith.constant 0 : i32
      %dma_start3A_117 = tpu.memref_slice %arg6[%dma_start3A_115, %dma_start3A_116] : memref<640x128xf32, #tpu.memory_space<vmem>> -> memref<256x128xf32, #tpu.memory_space<vmem>>
      %dma_start3A_118 = arith.constant 0 : i32
      %dma_start3A_119 = tpu.memref_slice %arg4[%add3A_32, %dma_start3A_118] : memref<163840x128xf32, #tpu.memory_space<hbm>> -> memref<256x128xf32, #tpu.memory_space<hbm>>
      %dma_start3A_120 = arith.constant 0 : i32
      %dma_start3A_121 = tpu.memref_slice %arg4[%add3A_32, %dma_start3A_120] : memref<163840x128xf32, #tpu.memory_space<hbm>> -> memref<256x128xf32, #tpu.memory_space<hbm>>
      %dma_start3A_122 = arith.constant 0 : i32
      %dma_start3A_123 = arith.constant 0 : i32
      %dma_start3A_124 = tpu.memref_slice %arg6[%dma_start3A_122, %dma_start3A_123] : memref<640x128xf32, #tpu.memory_space<vmem>> -> memref<256x128xf32, #tpu.memory_space<vmem>>
      tpu.enqueue_dma source(%dma_start3A_124 : memref<256x128xf32, #tpu.memory_space<vmem>>) target(%dma_start3A_121 : memref<256x128xf32, #tpu.memory_space<hbm>>) target_semaphore(%arg8 : memref<!tpu.dma_semaphore, #tpu.memory_space<semaphore_mem>>)
      %dma_wait3A_125 = arith.constant 256 : i32
      %dma_wait3A_126 = arith.constant 0 : i32
      %dma_wait3A_127 = tpu.memref_slice %arg6[%dma_wait3A_125, %dma_wait3A_126] : memref<640x128xf32, #tpu.memory_space<vmem>> -> memref<128x128xf32, #tpu.memory_space<vmem>>
      %dma_wait3A_128 = arith.constant 0 : i32
      %dma_wait3A_129 = tpu.memref_slice %arg5[%add3A_61, %dma_wait3A_128] : memref<40x128xi32, #tpu.memory_space<vmem>> -> memref<1x128xi32, #tpu.memory_space<vmem>>
      %dma_wait3A_130 = tpu.memref_squeeze %dma_wait3A_129 : memref<1x128xi32, #tpu.memory_space<vmem>> -> memref<128xi32, #tpu.memory_space<vmem>>
      %dma_wait3A_131 = arith.constant 0 : i32
      %dma_wait3A_132 = arith.constant 0 : i32
      %dma_wait3A_133 = tpu.memref_slice %arg2[%dma_wait3A_131, %dma_wait3A_132] : memref<507904x128xf32, #tpu.memory_space<hbm>> -> memref<507904x128xf32, #tpu.memory_space<hbm>>
      tpu.wait_indirect_dma semaphore(%arg7 : memref<!tpu.dma_semaphore, #tpu.memory_space<semaphore_mem>>) src(%dma_wait3A_133 : memref<507904x128xf32, #tpu.memory_space<hbm>>) dst(%dma_wait3A_127 : memref<128x128xf32, #tpu.memory_space<vmem>>)
      %dma_wait3A_134 = arith.constant 384 : i32
      %dma_wait3A_135 = arith.constant 0 : i32
      %dma_wait3A_136 = tpu.memref_slice %arg6[%dma_wait3A_134, %dma_wait3A_135] : memref<640x128xf32, #tpu.memory_space<vmem>> -> memref<128x128xf32, #tpu.memory_space<vmem>>
      %dma_wait3A_137 = arith.constant 0 : i32
      %dma_wait3A_138 = tpu.memref_slice %arg5[%add3A_74, %dma_wait3A_137] : memref<40x128xi32, #tpu.memory_space<vmem>> -> memref<1x128xi32, #tpu.memory_space<vmem>>
      %dma_wait3A_139 = tpu.memref_squeeze %dma_wait3A_138 : memref<1x128xi32, #tpu.memory_space<vmem>> -> memref<128xi32, #tpu.memory_space<vmem>>
      %dma_wait3A_140 = arith.constant 0 : i32
      %dma_wait3A_141 = arith.constant 0 : i32
      %dma_wait3A_142 = tpu.memref_slice %arg2[%dma_wait3A_140, %dma_wait3A_141] : memref<507904x128xf32, #tpu.memory_space<hbm>> -> memref<507904x128xf32, #tpu.memory_space<hbm>>
      tpu.wait_indirect_dma semaphore(%arg7 : memref<!tpu.dma_semaphore, #tpu.memory_space<semaphore_mem>>) src(%dma_wait3A_142 : memref<507904x128xf32, #tpu.memory_space<hbm>>) dst(%dma_wait3A_136 : memref<128x128xf32, #tpu.memory_space<vmem>>)
      %dma_wait3A_143 = arith.constant 512 : i32
      %dma_wait3A_144 = arith.constant 0 : i32
      %dma_wait3A_145 = tpu.memref_slice %arg6[%dma_wait3A_143, %dma_wait3A_144] : memref<640x128xf32, #tpu.memory_space<vmem>> -> memref<128x128xf32, #tpu.memory_space<vmem>>
      %dma_wait3A_146 = arith.constant 0 : i32
      %dma_wait3A_147 = tpu.memref_slice %arg5[%add3A_87, %dma_wait3A_146] : memref<40x128xi32, #tpu.memory_space<vmem>> -> memref<1x128xi32, #tpu.memory_space<vmem>>
      %dma_wait3A_148 = tpu.memref_squeeze %dma_wait3A_147 : memref<1x128xi32, #tpu.memory_space<vmem>> -> memref<128xi32, #tpu.memory_space<vmem>>
      %dma_wait3A_149 = arith.constant 0 : i32
      %dma_wait3A_150 = arith.constant 0 : i32
      %dma_wait3A_151 = tpu.memref_slice %arg2[%dma_wait3A_149, %dma_wait3A_150] : memref<507904x128xf32, #tpu.memory_space<hbm>> -> memref<507904x128xf32, #tpu.memory_space<hbm>>
      tpu.wait_indirect_dma semaphore(%arg7 : memref<!tpu.dma_semaphore, #tpu.memory_space<semaphore_mem>>) src(%dma_wait3A_151 : memref<507904x128xf32, #tpu.memory_space<hbm>>) dst(%dma_wait3A_145 : memref<128x128xf32, #tpu.memory_space<vmem>>)
      %add3A_152 = arith.constant 256 : i32
      %add3A_153 = arith.addi %add3A_32, %add3A_152 : i32
      %dma_start3A_154 = arith.constant 256 : i32
      %dma_start3A_155 = arith.constant 0 : i32
      %dma_start3A_156 = tpu.memref_slice %arg6[%dma_start3A_154, %dma_start3A_155] : memref<640x128xf32, #tpu.memory_space<vmem>> -> memref<384x128xf32, #tpu.memory_space<vmem>>
      %dma_start3A_157 = arith.constant 0 : i32
      %dma_start3A_158 = tpu.memref_slice %arg4[%add3A_153, %dma_start3A_157] : memref<163840x128xf32, #tpu.memory_space<hbm>> -> memref<384x128xf32, #tpu.memory_space<hbm>>
      %dma_start3A_159 = arith.constant 0 : i32
      %dma_start3A_160 = tpu.memref_slice %arg4[%add3A_153, %dma_start3A_159] : memref<163840x128xf32, #tpu.memory_space<hbm>> -> memref<384x128xf32, #tpu.memory_space<hbm>>
      %dma_start3A_161 = arith.constant 256 : i32
      %dma_start3A_162 = arith.constant 0 : i32
      %dma_start3A_163 = tpu.memref_slice %arg6[%dma_start3A_161, %dma_start3A_162] : memref<640x128xf32, #tpu.memory_space<vmem>> -> memref<384x128xf32, #tpu.memory_space<vmem>>
      tpu.enqueue_dma source(%dma_start3A_163 : memref<384x128xf32, #tpu.memory_space<vmem>>) target(%dma_start3A_160 : memref<384x128xf32, #tpu.memory_space<hbm>>) target_semaphore(%arg8 : memref<!tpu.dma_semaphore, #tpu.memory_space<semaphore_mem>>)
    }
    %scan3A_7 = arith.constant 8 : i32
    %dma_wait3A = arith.constant 0 : i32
    %dma_wait3A_8 = arith.constant 0 : i32
    %dma_wait3A_9 = tpu.memref_slice %arg6[%dma_wait3A, %dma_wait3A_8] : memref<640x128xf32, #tpu.memory_space<vmem>> -> memref<256x128xf32, #tpu.memory_space<vmem>>
    %dma_wait3A_10 = arith.constant 0 : i32
    %dma_wait3A_11 = tpu.memref_slice %arg4[%mul3A_2, %dma_wait3A_10] : memref<163840x128xf32, #tpu.memory_space<hbm>> -> memref<256x128xf32, #tpu.memory_space<hbm>>
    %dma_wait3A_12 = arith.constant 0 : i32
    %dma_wait3A_13 = tpu.memref_slice %arg4[%mul3A_2, %dma_wait3A_12] : memref<163840x128xf32, #tpu.memory_space<hbm>> -> memref<256x128xf32, #tpu.memory_space<hbm>>
    %dma_wait3A_14 = arith.constant 0 : i32
    %dma_wait3A_15 = arith.constant 0 : i32
    %dma_wait3A_16 = tpu.memref_slice %arg6[%dma_wait3A_14, %dma_wait3A_15] : memref<640x128xf32, #tpu.memory_space<vmem>> -> memref<256x128xf32, #tpu.memory_space<vmem>>
    tpu.wait_dma2 semaphore(%arg8 : memref<!tpu.dma_semaphore, #tpu.memory_space<semaphore_mem>>) src(%dma_wait3A_16 : memref<256x128xf32, #tpu.memory_space<vmem>>) dst(%dma_wait3A_13 : memref<256x128xf32, #tpu.memory_space<hbm>>)
    %dma_wait3A_17 = arith.constant 256 : i32
    %dma_wait3A_18 = arith.constant 0 : i32
    %dma_wait3A_19 = tpu.memref_slice %arg6[%dma_wait3A_17, %dma_wait3A_18] : memref<640x128xf32, #tpu.memory_space<vmem>> -> memref<384x128xf32, #tpu.memory_space<vmem>>
    %dma_wait3A_20 = arith.constant 0 : i32
    %dma_wait3A_21 = tpu.memref_slice %arg4[%mul3A_2, %dma_wait3A_20] : memref<163840x128xf32, #tpu.memory_space<hbm>> -> memref<384x128xf32, #tpu.memory_space<hbm>>
    %dma_wait3A_22 = arith.constant 0 : i32
    %dma_wait3A_23 = tpu.memref_slice %arg4[%mul3A_2, %dma_wait3A_22] : memref<163840x128xf32, #tpu.memory_space<hbm>> -> memref<384x128xf32, #tpu.memory_space<hbm>>
    %dma_wait3A_24 = arith.constant 256 : i32
    %dma_wait3A_25 = arith.constant 0 : i32
    %dma_wait3A_26 = tpu.memref_slice %arg6[%dma_wait3A_24, %dma_wait3A_25] : memref<640x128xf32, #tpu.memory_space<vmem>> -> memref<384x128xf32, #tpu.memory_space<vmem>>
    tpu.wait_dma2 semaphore(%arg8 : memref<!tpu.dma_semaphore, #tpu.memory_space<semaphore_mem>>) src(%dma_wait3A_26 : memref<384x128xf32, #tpu.memory_space<vmem>>) dst(%dma_wait3A_23 : memref<384x128xf32, #tpu.memory_space<hbm>>)
    return
  }
}

module attributes {stable_mosaic.version = 14 : i64} {
  func.func @body(%arg0: i32, %arg1: memref<64x8192xf32, #tpu.memory_space<vmem>>, %arg2: memref<64x8192xf32, #tpu.memory_space<vmem>>, %arg3: memref<64x64xf32, #tpu.memory_space<vmem>>, %arg4: memref<1x64xf32, #tpu.memory_space<vmem>>, %arg5: memref<8192x128xf32, #tpu.memory_space<vmem>>) attributes {dimension_semantics = [#tpu.dimension_semantics<arbitrary>], iteration_bounds = array<i64: 62>, scalar_prefetch = 0 : i64, scratch_operands = 0 : i64, tpu.core_type = #tpu.core_type<tc>, window_params = [{transform_indices = @transform_0, window_bounds = array<i64: 64, 8192>}, {transform_indices = @transform_1, window_bounds = array<i64: 64, 8192>}, {pipeline_mode = #tpu.pipeline_mode<synchronous>, transform_indices = @transform_2, window_bounds = array<i64: 64, 64>}, {pipeline_mode = #tpu.pipeline_mode<synchronous>, transform_indices = @transform_3, window_bounds = array<i64: 1, 64>}, {transform_indices = @transform_4, window_bounds = array<i64: 8192, 128>}]} {
    %get3A = arith.constant 0 : index
    %get3A_0 = arith.constant 0 : index
    %get3A_1 = vector.load %arg1[%get3A, %get3A_0] : memref<64x8192xf32, #tpu.memory_space<vmem>>, vector<64x8192xf32>
    %get3A_2 = arith.constant 0 : index
    %get3A_3 = arith.constant 0 : index
    %get3A_4 = vector.load %arg3[%get3A_2, %get3A_3] : memref<64x64xf32, #tpu.memory_space<vmem>>, vector<64x64xf32>
    %dot_general3A = arith.constant dense<0.000000e+00> : vector<8192x64xf32>
    %dot_general3A_5 = tpu.matmul %get3A_1, %get3A_4, %dot_general3A {dimension_numbers = #tpu.dot_dimension_numbers<[0], [0], [1], [1], [0, 1, 1, 1], [], []>, transpose_lhs_hint = false} : vector<64x8192xf32>, vector<64x64xf32>, vector<8192x64xf32> -> vector<8192x64xf32>
    %get3A_6 = arith.constant 0 : index
    %get3A_7 = arith.constant 0 : index
    %get3A_8 = vector.load %arg4[%get3A_6, %get3A_7] : memref<1x64xf32, #tpu.memory_space<vmem>>, vector<1x64xf32>
    %add3A = vector.broadcast %get3A_8 : vector<1x64xf32> to vector<8192x64xf32>
    %add3A_9 = arith.addf %dot_general3A_5, %add3A : vector<8192x64xf32>
    %mul3A = arith.constant 1.61803401 : f32
    %mul3A_10 = vector.broadcast %mul3A : f32 to vector<8192x64xf32>
    %mul3A_11 = arith.mulf %add3A_9, %mul3A_10 : vector<8192x64xf32>
    %swap3A = arith.constant 0 : index
    %swap3A_12 = arith.constant 0 : index
    %swap3A_13 = vector.load %arg5[%swap3A, %swap3A_12] : memref<8192x128xf32, #tpu.memory_space<vmem>>, vector<8192x64xf32>
    tpu.vector_store %arg5[%swap3A, %swap3A_12], %mul3A_11 {strides = array<i32>} : memref<8192x128xf32, #tpu.memory_space<vmem>>, vector<8192x64xf32>,
    %get3A_14 = arith.constant 0 : index
    %get3A_15 = arith.constant 0 : index
    %get3A_16 = vector.load %arg2[%get3A_14, %get3A_15] : memref<64x8192xf32, #tpu.memory_space<vmem>>, vector<64x8192xf32>
    %get3A_17 = arith.constant 0 : index
    %get3A_18 = arith.constant 0 : index
    %get3A_19 = vector.load %arg3[%get3A_17, %get3A_18] : memref<64x64xf32, #tpu.memory_space<vmem>>, vector<64x64xf32>
    %dot_general3A_20 = arith.constant dense<0.000000e+00> : vector<8192x64xf32>
    %dot_general3A_21 = tpu.matmul %get3A_16, %get3A_19, %dot_general3A_20 {dimension_numbers = #tpu.dot_dimension_numbers<[0], [0], [1], [1], [0, 1, 1, 1], [], []>, transpose_lhs_hint = false} : vector<64x8192xf32>, vector<64x64xf32>, vector<8192x64xf32> -> vector<8192x64xf32>
    %get3A_22 = arith.constant 0 : index
    %get3A_23 = arith.constant 0 : index
    %get3A_24 = vector.load %arg4[%get3A_22, %get3A_23] : memref<1x64xf32, #tpu.memory_space<vmem>>, vector<1x64xf32>
    %add3A_25 = vector.broadcast %get3A_24 : vector<1x64xf32> to vector<8192x64xf32>
    %add3A_26 = arith.addf %dot_general3A_21, %add3A_25 : vector<8192x64xf32>
    %mul3A_27 = arith.constant 1.61803401 : f32
    %mul3A_28 = vector.broadcast %mul3A_27 : f32 to vector<8192x64xf32>
    %mul3A_29 = arith.mulf %add3A_26, %mul3A_28 : vector<8192x64xf32>
    %swap3A_30 = arith.constant 0 : index
    %swap3A_31 = arith.constant 64 : index
    %swap3A_32 = vector.load %arg5[%swap3A_30, %swap3A_31] : memref<8192x128xf32, #tpu.memory_space<vmem>>, vector<8192x64xf32>
    tpu.vector_store %arg5[%swap3A_30, %swap3A_31], %mul3A_29 {strides = array<i32>} : memref<8192x128xf32, #tpu.memory_space<vmem>>, vector<8192x64xf32>,
    return
  }
  func.func @transform_0(%arg0: i32) -> (i32, i32) {
    %c0_i32 = arith.constant 0 : i32
    %c0_i32_0 = arith.constant 0 : i32
    return %c0_i32, %arg0 : i32, i32
  }
  func.func @transform_1(%arg0: i32) -> (i32, i32) {
    %add3A = arith.constant 62 : i32
    %add3A_0 = arith.addi %arg0, %add3A : i32
    %min3A = arith.constant 122 : i32
    %min3A_1 = arith.minsi %add3A_0, %min3A : i32
    %c0_i32 = arith.constant 0 : i32
    %c0_i32_2 = arith.constant 0 : i32
    return %c0_i32, %min3A_1 : i32, i32
  }
  func.func @transform_2(%arg0: i32) -> (i32, i32) {
    %c0_i32 = arith.constant 0 : i32
    %c0_i32_0 = arith.constant 0 : i32
    %c0_i32_1 = arith.constant 0 : i32
    return %c0_i32, %c0_i32_0 : i32, i32
  }
  func.func @transform_3(%arg0: i32) -> (i32, i32) {
    %c0_i32 = arith.constant 0 : i32
    %c0_i32_0 = arith.constant 0 : i32
    %c0_i32_1 = arith.constant 0 : i32
    return %c0_i32, %c0_i32_0 : i32, i32
  }
  func.func @transform_4(%arg0: i32) -> (i32, i32) {
    %c0_i32 = arith.constant 0 : i32
    %c0_i32_0 = arith.constant 0 : i32
    return %arg0, %c0_i32 : i32, i32
  }
}

module attributes {stable_mosaic.version = 14 : i64} {
  func.func @body(%arg0: i32, %arg1: i32, %arg2: memref<8192x128xf32, #tpu.memory_space<vmem>>, %arg3: memref<64x64xf32, #tpu.memory_space<vmem>>, %arg4: memref<1x1x8192xf32, #tpu.memory_space<vmem>>, %arg5: memref<1x64x8192xf32, #tpu.memory_space<vmem>>) attributes {dimension_semantics = [#tpu.dimension_semantics<arbitrary>, #tpu.dimension_semantics<arbitrary>], iteration_bounds = array<i64: 10, 2>, scalar_prefetch = 0 : i64, scratch_operands = 0 : i64, tpu.core_type = #tpu.core_type<tc>, window_params = [{transform_indices = @transform_0, window_bounds = array<i64: 8192, 128>}, {pipeline_mode = #tpu.pipeline_mode<synchronous>, transform_indices = @transform_1, window_bounds = array<i64: 64, 64>}, {transform_indices = @transform_2, window_bounds = array<i64: 1, 1, 8192>}, {transform_indices = @transform_3, window_bounds = array<i64: 1, 64, 8192>}]} {
    %get3A = arith.constant 0 : index
    %get3A_0 = arith.constant 0 : index
    %get3A_1 = vector.load %arg2[%get3A, %get3A_0] : memref<8192x128xf32, #tpu.memory_space<vmem>>, vector<8192x128xf32>
    %slice3A = vector.extract_strided_slice %get3A_1 {offsets = [0, 0], sizes = [8192, 64], strides = [1, 1]} : vector<8192x128xf32> to vector<8192x64xf32>
    %get3A_2 = arith.constant 0 : index
    %get3A_3 = arith.constant 0 : index
    %get3A_4 = vector.load %arg3[%get3A_2, %get3A_3] : memref<64x64xf32, #tpu.memory_space<vmem>>, vector<64x64xf32>
    %dot_general3A = arith.constant dense<0.000000e+00> : vector<64x8192xf32>
    %dot_general3A_5 = tpu.matmul %get3A_4, %slice3A, %dot_general3A {dimension_numbers = #tpu.dot_dimension_numbers<[1], [1], [0], [0], [0, 0, 1, 0], [], []>, transpose_lhs_hint = false} : vector<64x64xf32>, vector<8192x64xf32>, vector<64x8192xf32> -> vector<64x8192xf32>
    %slice3A_6 = vector.extract_strided_slice %get3A_1 {offsets = [0, 64], sizes = [8192, 64], strides = [1, 1]} : vector<8192x128xf32> to vector<8192x64xf32>
    %get3A_7 = arith.constant 0 : index
    %get3A_8 = arith.constant 0 : index
    %get3A_9 = vector.load %arg3[%get3A_7, %get3A_8] : memref<64x64xf32, #tpu.memory_space<vmem>>, vector<64x64xf32>
    %dot_general3A_10 = arith.constant dense<0.000000e+00> : vector<64x8192xf32>
    %dot_general3A_11 = tpu.matmul %get3A_9, %slice3A_6, %dot_general3A_10 {dimension_numbers = #tpu.dot_dimension_numbers<[1], [1], [0], [0], [0, 0, 1, 0], [], []>, transpose_lhs_hint = false} : vector<64x64xf32>, vector<8192x64xf32>, vector<64x8192xf32> -> vector<64x8192xf32>
    %get3A_12 = arith.constant 0 : index
    %get3A_13 = arith.constant 0 : index
    %get3A_14 = arith.constant 0 : index
    %get3A_15 = vector.load %arg4[%get3A_12, %get3A_13, %get3A_14] : memref<1x1x8192xf32, #tpu.memory_space<vmem>>, vector<1x1x8192xf32>
    %get3A_16 = vector.shape_cast %get3A_15 : vector<1x1x8192xf32> to vector<1x8192xf32>
    %sub3A = arith.subf %dot_general3A_11, %dot_general3A_5 : vector<64x8192xf32>
    %mul3A = vector.broadcast %get3A_16 : vector<1x8192xf32> to vector<64x8192xf32>
    %mul3A_17 = arith.mulf %sub3A, %mul3A : vector<64x8192xf32>
    %add3A = arith.addf %dot_general3A_5, %mul3A_17 : vector<64x8192xf32>
    %swap3A = arith.constant 0 : index
    %swap3A_18 = arith.constant 0 : index
    %swap3A_19 = arith.constant 0 : index
    %swap3A_20 = vector.load %arg5[%swap3A, %swap3A_18, %swap3A_19] : memref<1x64x8192xf32, #tpu.memory_space<vmem>>, vector<1x64x8192xf32>
    %swap3A_21 = vector.shape_cast %swap3A_20 : vector<1x64x8192xf32> to vector<64x8192xf32>
    %swap3A_22 = vector.shape_cast %add3A : vector<64x8192xf32> to vector<1x64x8192xf32>
    tpu.vector_store %arg5[%swap3A, %swap3A_18, %swap3A_19], %swap3A_22 {strides = array<i32>} : memref<1x64x8192xf32, #tpu.memory_space<vmem>>, vector<1x64x8192xf32>,
    return
  }
  func.func @transform_0(%arg0: i32, %arg1: i32) -> (i32, i32) {
    %mul3A = arith.constant 2 : i32
    %mul3A_0 = arith.muli %arg0, %mul3A : i32
    %add3A = arith.addi %mul3A_0, %arg1 : i32
    %c0_i32 = arith.constant 0 : i32
    %c0_i32_1 = arith.constant 0 : i32
    return %add3A, %c0_i32 : i32, i32
  }
  func.func @transform_1(%arg0: i32, %arg1: i32) -> (i32, i32) {
    %c0_i32 = arith.constant 0 : i32
    %c0_i32_0 = arith.constant 0 : i32
    %c0_i32_1 = arith.constant 0 : i32
    return %c0_i32, %c0_i32_0 : i32, i32
  }
  func.func @transform_2(%arg0: i32, %arg1: i32) -> (i32, i32, i32) {
    %add3A = arith.constant 0 : i32
    %add3A_0 = arith.addi %add3A, %arg0 : i32
    %c0_i32 = arith.constant 0 : i32
    %c0_i32_1 = arith.constant 0 : i32
    return %add3A_0, %c0_i32, %arg1 : i32, i32, i32
  }
  func.func @transform_3(%arg0: i32, %arg1: i32) -> (i32, i32, i32) {
    %add3A = arith.constant 0 : i32
    %add3A_0 = arith.addi %add3A, %arg0 : i32
    %c0_i32 = arith.constant 0 : i32
    %c0_i32_1 = arith.constant 0 : i32
    return %add3A_0, %c0_i32, %arg1 : i32, i32, i32
  }
}

module attributes {stable_mosaic.version = 14 : i64} {
  func.func @body(%arg0: i32, %arg1: i32, %arg2: memref<50x64x16384xf32, #tpu.memory_space<any>>, %arg3: memref<8192x128xf32, #tpu.memory_space<vmem>>, %arg4: memref<64x64xf32, #tpu.memory_space<vmem>>, %arg5: memref<1x1x8192xf32, #tpu.memory_space<vmem>>, %arg6: memref<1x64x8192xf32, #tpu.memory_space<vmem>>) attributes {dimension_semantics = [#tpu.dimension_semantics<arbitrary>, #tpu.dimension_semantics<arbitrary>], iteration_bounds = array<i64: 10, 2>, scalar_prefetch = 0 : i64, scratch_operands = 0 : i64, tpu.core_type = #tpu.core_type<tc>, window_params = [{}, {transform_indices = @transform_1, window_bounds = array<i64: 8192, 128>}, {pipeline_mode = #tpu.pipeline_mode<synchronous>, transform_indices = @transform_2, window_bounds = array<i64: 64, 64>}, {transform_indices = @transform_3, window_bounds = array<i64: 1, 1, 8192>}, {transform_indices = @transform_4, window_bounds = array<i64: 1, 64, 8192>}]} {
    %get3A = arith.constant 0 : index
    %get3A_0 = arith.constant 0 : index
    %get3A_1 = vector.load %arg3[%get3A, %get3A_0] : memref<8192x128xf32, #tpu.memory_space<vmem>>, vector<8192x128xf32>
    %slice3A = vector.extract_strided_slice %get3A_1 {offsets = [0, 0], sizes = [8192, 64], strides = [1, 1]} : vector<8192x128xf32> to vector<8192x64xf32>
    %get3A_2 = arith.constant 0 : index
    %get3A_3 = arith.constant 0 : index
    %get3A_4 = vector.load %arg4[%get3A_2, %get3A_3] : memref<64x64xf32, #tpu.memory_space<vmem>>, vector<64x64xf32>
    %dot_general3A = arith.constant dense<0.000000e+00> : vector<64x8192xf32>
    %dot_general3A_5 = tpu.matmul %get3A_4, %slice3A, %dot_general3A {dimension_numbers = #tpu.dot_dimension_numbers<[1], [1], [0], [0], [0, 0, 1, 0], [], []>, transpose_lhs_hint = false} : vector<64x64xf32>, vector<8192x64xf32>, vector<64x8192xf32> -> vector<64x8192xf32>
    %slice3A_6 = vector.extract_strided_slice %get3A_1 {offsets = [0, 64], sizes = [8192, 64], strides = [1, 1]} : vector<8192x128xf32> to vector<8192x64xf32>
    %get3A_7 = arith.constant 0 : index
    %get3A_8 = arith.constant 0 : index
    %get3A_9 = vector.load %arg4[%get3A_7, %get3A_8] : memref<64x64xf32, #tpu.memory_space<vmem>>, vector<64x64xf32>
    %dot_general3A_10 = arith.constant dense<0.000000e+00> : vector<64x8192xf32>
    %dot_general3A_11 = tpu.matmul %get3A_9, %slice3A_6, %dot_general3A_10 {dimension_numbers = #tpu.dot_dimension_numbers<[1], [1], [0], [0], [0, 0, 1, 0], [], []>, transpose_lhs_hint = false} : vector<64x64xf32>, vector<8192x64xf32>, vector<64x8192xf32> -> vector<64x8192xf32>
    %get3A_12 = arith.constant 0 : index
    %get3A_13 = arith.constant 0 : index
    %get3A_14 = arith.constant 0 : index
    %get3A_15 = vector.load %arg5[%get3A_12, %get3A_13, %get3A_14] : memref<1x1x8192xf32, #tpu.memory_space<vmem>>, vector<1x1x8192xf32>
    %get3A_16 = vector.shape_cast %get3A_15 : vector<1x1x8192xf32> to vector<1x8192xf32>
    %sub3A = arith.subf %dot_general3A_11, %dot_general3A_5 : vector<64x8192xf32>
    %mul3A = vector.broadcast %get3A_16 : vector<1x8192xf32> to vector<64x8192xf32>
    %mul3A_17 = arith.mulf %sub3A, %mul3A : vector<64x8192xf32>
    %add3A = arith.addf %dot_general3A_5, %mul3A_17 : vector<64x8192xf32>
    %swap3A = arith.constant 0 : index
    %swap3A_18 = arith.constant 0 : index
    %swap3A_19 = arith.constant 0 : index
    %swap3A_20 = vector.load %arg6[%swap3A, %swap3A_18, %swap3A_19] : memref<1x64x8192xf32, #tpu.memory_space<vmem>>, vector<1x64x8192xf32>
    %swap3A_21 = vector.shape_cast %swap3A_20 : vector<1x64x8192xf32> to vector<64x8192xf32>
    %swap3A_22 = vector.shape_cast %add3A : vector<64x8192xf32> to vector<1x64x8192xf32>
    tpu.vector_store %arg6[%swap3A, %swap3A_18, %swap3A_19], %swap3A_22 {strides = array<i32>} : memref<1x64x8192xf32, #tpu.memory_space<vmem>>, vector<1x64x8192xf32>,
    return
  }
  func.func @transform_1(%arg0: i32, %arg1: i32) -> (i32, i32) {
    %mul3A = arith.constant 2 : i32
    %mul3A_0 = arith.muli %arg0, %mul3A : i32
    %add3A = arith.addi %mul3A_0, %arg1 : i32
    %c0_i32 = arith.constant 0 : i32
    %c0_i32_1 = arith.constant 0 : i32
    return %add3A, %c0_i32 : i32, i32
  }
  func.func @transform_2(%arg0: i32, %arg1: i32) -> (i32, i32) {
    %c0_i32 = arith.constant 0 : i32
    %c0_i32_0 = arith.constant 0 : i32
    %c0_i32_1 = arith.constant 0 : i32
    return %c0_i32, %c0_i32_0 : i32, i32
  }
  func.func @transform_3(%arg0: i32, %arg1: i32) -> (i32, i32, i32) {
    %add3A = arith.constant 10 : i32
    %add3A_0 = arith.addi %add3A, %arg0 : i32
    %c0_i32 = arith.constant 0 : i32
    %c0_i32_1 = arith.constant 0 : i32
    return %add3A_0, %c0_i32, %arg1 : i32, i32, i32
  }
  func.func @transform_4(%arg0: i32, %arg1: i32) -> (i32, i32, i32) {
    %add3A = arith.constant 10 : i32
    %add3A_0 = arith.addi %add3A, %arg0 : i32
    %c0_i32 = arith.constant 0 : i32
    %c0_i32_1 = arith.constant 0 : i32
    return %add3A_0, %c0_i32, %arg1 : i32, i32, i32
  }
}

module attributes {stable_mosaic.version = 14 : i64} {
  func.func @body(%arg0: i32, %arg1: i32, %arg2: memref<50x64x16384xf32, #tpu.memory_space<any>>, %arg3: memref<8192x128xf32, #tpu.memory_space<vmem>>, %arg4: memref<64x64xf32, #tpu.memory_space<vmem>>, %arg5: memref<1x1x8192xf32, #tpu.memory_space<vmem>>, %arg6: memref<1x64x8192xf32, #tpu.memory_space<vmem>>) attributes {dimension_semantics = [#tpu.dimension_semantics<arbitrary>, #tpu.dimension_semantics<arbitrary>], iteration_bounds = array<i64: 10, 2>, scalar_prefetch = 0 : i64, scratch_operands = 0 : i64, tpu.core_type = #tpu.core_type<tc>, window_params = [{}, {transform_indices = @transform_1, window_bounds = array<i64: 8192, 128>}, {pipeline_mode = #tpu.pipeline_mode<synchronous>, transform_indices = @transform_2, window_bounds = array<i64: 64, 64>}, {transform_indices = @transform_3, window_bounds = array<i64: 1, 1, 8192>}, {transform_indices = @transform_4, window_bounds = array<i64: 1, 64, 8192>}]} {
    %get3A = arith.constant 0 : index
    %get3A_0 = arith.constant 0 : index
    %get3A_1 = vector.load %arg3[%get3A, %get3A_0] : memref<8192x128xf32, #tpu.memory_space<vmem>>, vector<8192x128xf32>
    %slice3A = vector.extract_strided_slice %get3A_1 {offsets = [0, 0], sizes = [8192, 64], strides = [1, 1]} : vector<8192x128xf32> to vector<8192x64xf32>
    %get3A_2 = arith.constant 0 : index
    %get3A_3 = arith.constant 0 : index
    %get3A_4 = vector.load %arg4[%get3A_2, %get3A_3] : memref<64x64xf32, #tpu.memory_space<vmem>>, vector<64x64xf32>
    %dot_general3A = arith.constant dense<0.000000e+00> : vector<64x8192xf32>
    %dot_general3A_5 = tpu.matmul %get3A_4, %slice3A, %dot_general3A {dimension_numbers = #tpu.dot_dimension_numbers<[1], [1], [0], [0], [0, 0, 1, 0], [], []>, transpose_lhs_hint = false} : vector<64x64xf32>, vector<8192x64xf32>, vector<64x8192xf32> -> vector<64x8192xf32>
    %slice3A_6 = vector.extract_strided_slice %get3A_1 {offsets = [0, 64], sizes = [8192, 64], strides = [1, 1]} : vector<8192x128xf32> to vector<8192x64xf32>
    %get3A_7 = arith.constant 0 : index
    %get3A_8 = arith.constant 0 : index
    %get3A_9 = vector.load %arg4[%get3A_7, %get3A_8] : memref<64x64xf32, #tpu.memory_space<vmem>>, vector<64x64xf32>
    %dot_general3A_10 = arith.constant dense<0.000000e+00> : vector<64x8192xf32>
    %dot_general3A_11 = tpu.matmul %get3A_9, %slice3A_6, %dot_general3A_10 {dimension_numbers = #tpu.dot_dimension_numbers<[1], [1], [0], [0], [0, 0, 1, 0], [], []>, transpose_lhs_hint = false} : vector<64x64xf32>, vector<8192x64xf32>, vector<64x8192xf32> -> vector<64x8192xf32>
    %get3A_12 = arith.constant 0 : index
    %get3A_13 = arith.constant 0 : index
    %get3A_14 = arith.constant 0 : index
    %get3A_15 = vector.load %arg5[%get3A_12, %get3A_13, %get3A_14] : memref<1x1x8192xf32, #tpu.memory_space<vmem>>, vector<1x1x8192xf32>
    %get3A_16 = vector.shape_cast %get3A_15 : vector<1x1x8192xf32> to vector<1x8192xf32>
    %sub3A = arith.subf %dot_general3A_11, %dot_general3A_5 : vector<64x8192xf32>
    %mul3A = vector.broadcast %get3A_16 : vector<1x8192xf32> to vector<64x8192xf32>
    %mul3A_17 = arith.mulf %sub3A, %mul3A : vector<64x8192xf32>
    %add3A = arith.addf %dot_general3A_5, %mul3A_17 : vector<64x8192xf32>
    %swap3A = arith.constant 0 : index
    %swap3A_18 = arith.constant 0 : index
    %swap3A_19 = arith.constant 0 : index
    %swap3A_20 = vector.load %arg6[%swap3A, %swap3A_18, %swap3A_19] : memref<1x64x8192xf32, #tpu.memory_space<vmem>>, vector<1x64x8192xf32>
    %swap3A_21 = vector.shape_cast %swap3A_20 : vector<1x64x8192xf32> to vector<64x8192xf32>
    %swap3A_22 = vector.shape_cast %add3A : vector<64x8192xf32> to vector<1x64x8192xf32>
    tpu.vector_store %arg6[%swap3A, %swap3A_18, %swap3A_19], %swap3A_22 {strides = array<i32>} : memref<1x64x8192xf32, #tpu.memory_space<vmem>>, vector<1x64x8192xf32>,
    return
  }
  func.func @transform_1(%arg0: i32, %arg1: i32) -> (i32, i32) {
    %mul3A = arith.constant 2 : i32
    %mul3A_0 = arith.muli %arg0, %mul3A : i32
    %add3A = arith.addi %mul3A_0, %arg1 : i32
    %c0_i32 = arith.constant 0 : i32
    %c0_i32_1 = arith.constant 0 : i32
    return %add3A, %c0_i32 : i32, i32
  }
  func.func @transform_2(%arg0: i32, %arg1: i32) -> (i32, i32) {
    %c0_i32 = arith.constant 0 : i32
    %c0_i32_0 = arith.constant 0 : i32
    %c0_i32_1 = arith.constant 0 : i32
    return %c0_i32, %c0_i32_0 : i32, i32
  }
  func.func @transform_3(%arg0: i32, %arg1: i32) -> (i32, i32, i32) {
    %add3A = arith.constant 20 : i32
    %add3A_0 = arith.addi %add3A, %arg0 : i32
    %c0_i32 = arith.constant 0 : i32
    %c0_i32_1 = arith.constant 0 : i32
    return %add3A_0, %c0_i32, %arg1 : i32, i32, i32
  }
  func.func @transform_4(%arg0: i32, %arg1: i32) -> (i32, i32, i32) {
    %add3A = arith.constant 20 : i32
    %add3A_0 = arith.addi %add3A, %arg0 : i32
    %c0_i32 = arith.constant 0 : i32
    %c0_i32_1 = arith.constant 0 : i32
    return %add3A_0, %c0_i32, %arg1 : i32, i32, i32
  }
}

module attributes {stable_mosaic.version = 14 : i64} {
  func.func @body(%arg0: i32, %arg1: i32, %arg2: memref<50x64x16384xf32, #tpu.memory_space<any>>, %arg3: memref<8192x128xf32, #tpu.memory_space<vmem>>, %arg4: memref<64x64xf32, #tpu.memory_space<vmem>>, %arg5: memref<1x1x8192xf32, #tpu.memory_space<vmem>>, %arg6: memref<1x64x8192xf32, #tpu.memory_space<vmem>>) attributes {dimension_semantics = [#tpu.dimension_semantics<arbitrary>, #tpu.dimension_semantics<arbitrary>], iteration_bounds = array<i64: 10, 2>, scalar_prefetch = 0 : i64, scratch_operands = 0 : i64, tpu.core_type = #tpu.core_type<tc>, window_params = [{}, {transform_indices = @transform_1, window_bounds = array<i64: 8192, 128>}, {pipeline_mode = #tpu.pipeline_mode<synchronous>, transform_indices = @transform_2, window_bounds = array<i64: 64, 64>}, {transform_indices = @transform_3, window_bounds = array<i64: 1, 1, 8192>}, {transform_indices = @transform_4, window_bounds = array<i64: 1, 64, 8192>}]} {
    %get3A = arith.constant 0 : index
    %get3A_0 = arith.constant 0 : index
    %get3A_1 = vector.load %arg3[%get3A, %get3A_0] : memref<8192x128xf32, #tpu.memory_space<vmem>>, vector<8192x128xf32>
    %slice3A = vector.extract_strided_slice %get3A_1 {offsets = [0, 0], sizes = [8192, 64], strides = [1, 1]} : vector<8192x128xf32> to vector<8192x64xf32>
    %get3A_2 = arith.constant 0 : index
    %get3A_3 = arith.constant 0 : index
    %get3A_4 = vector.load %arg4[%get3A_2, %get3A_3] : memref<64x64xf32, #tpu.memory_space<vmem>>, vector<64x64xf32>
    %dot_general3A = arith.constant dense<0.000000e+00> : vector<64x8192xf32>
    %dot_general3A_5 = tpu.matmul %get3A_4, %slice3A, %dot_general3A {dimension_numbers = #tpu.dot_dimension_numbers<[1], [1], [0], [0], [0, 0, 1, 0], [], []>, transpose_lhs_hint = false} : vector<64x64xf32>, vector<8192x64xf32>, vector<64x8192xf32> -> vector<64x8192xf32>
    %slice3A_6 = vector.extract_strided_slice %get3A_1 {offsets = [0, 64], sizes = [8192, 64], strides = [1, 1]} : vector<8192x128xf32> to vector<8192x64xf32>
    %get3A_7 = arith.constant 0 : index
    %get3A_8 = arith.constant 0 : index
    %get3A_9 = vector.load %arg4[%get3A_7, %get3A_8] : memref<64x64xf32, #tpu.memory_space<vmem>>, vector<64x64xf32>
    %dot_general3A_10 = arith.constant dense<0.000000e+00> : vector<64x8192xf32>
    %dot_general3A_11 = tpu.matmul %get3A_9, %slice3A_6, %dot_general3A_10 {dimension_numbers = #tpu.dot_dimension_numbers<[1], [1], [0], [0], [0, 0, 1, 0], [], []>, transpose_lhs_hint = false} : vector<64x64xf32>, vector<8192x64xf32>, vector<64x8192xf32> -> vector<64x8192xf32>
    %get3A_12 = arith.constant 0 : index
    %get3A_13 = arith.constant 0 : index
    %get3A_14 = arith.constant 0 : index
    %get3A_15 = vector.load %arg5[%get3A_12, %get3A_13, %get3A_14] : memref<1x1x8192xf32, #tpu.memory_space<vmem>>, vector<1x1x8192xf32>
    %get3A_16 = vector.shape_cast %get3A_15 : vector<1x1x8192xf32> to vector<1x8192xf32>
    %sub3A = arith.subf %dot_general3A_11, %dot_general3A_5 : vector<64x8192xf32>
    %mul3A = vector.broadcast %get3A_16 : vector<1x8192xf32> to vector<64x8192xf32>
    %mul3A_17 = arith.mulf %sub3A, %mul3A : vector<64x8192xf32>
    %add3A = arith.addf %dot_general3A_5, %mul3A_17 : vector<64x8192xf32>
    %swap3A = arith.constant 0 : index
    %swap3A_18 = arith.constant 0 : index
    %swap3A_19 = arith.constant 0 : index
    %swap3A_20 = vector.load %arg6[%swap3A, %swap3A_18, %swap3A_19] : memref<1x64x8192xf32, #tpu.memory_space<vmem>>, vector<1x64x8192xf32>
    %swap3A_21 = vector.shape_cast %swap3A_20 : vector<1x64x8192xf32> to vector<64x8192xf32>
    %swap3A_22 = vector.shape_cast %add3A : vector<64x8192xf32> to vector<1x64x8192xf32>
    tpu.vector_store %arg6[%swap3A, %swap3A_18, %swap3A_19], %swap3A_22 {strides = array<i32>} : memref<1x64x8192xf32, #tpu.memory_space<vmem>>, vector<1x64x8192xf32>,
    return
  }
  func.func @transform_1(%arg0: i32, %arg1: i32) -> (i32, i32) {
    %mul3A = arith.constant 2 : i32
    %mul3A_0 = arith.muli %arg0, %mul3A : i32
    %add3A = arith.addi %mul3A_0, %arg1 : i32
    %c0_i32 = arith.constant 0 : i32
    %c0_i32_1 = arith.constant 0 : i32
    return %add3A, %c0_i32 : i32, i32
  }
  func.func @transform_2(%arg0: i32, %arg1: i32) -> (i32, i32) {
    %c0_i32 = arith.constant 0 : i32
    %c0_i32_0 = arith.constant 0 : i32
    %c0_i32_1 = arith.constant 0 : i32
    return %c0_i32, %c0_i32_0 : i32, i32
  }
  func.func @transform_3(%arg0: i32, %arg1: i32) -> (i32, i32, i32) {
    %add3A = arith.constant 30 : i32
    %add3A_0 = arith.addi %add3A, %arg0 : i32
    %c0_i32 = arith.constant 0 : i32
    %c0_i32_1 = arith.constant 0 : i32
    return %add3A_0, %c0_i32, %arg1 : i32, i32, i32
  }
  func.func @transform_4(%arg0: i32, %arg1: i32) -> (i32, i32, i32) {
    %add3A = arith.constant 30 : i32
    %add3A_0 = arith.addi %add3A, %arg0 : i32
    %c0_i32 = arith.constant 0 : i32
    %c0_i32_1 = arith.constant 0 : i32
    return %add3A_0, %c0_i32, %arg1 : i32, i32, i32
  }
}

module attributes {stable_mosaic.version = 14 : i64} {
  func.func @body(%arg0: i32, %arg1: i32, %arg2: memref<50x64x16384xf32, #tpu.memory_space<any>>, %arg3: memref<8192x128xf32, #tpu.memory_space<vmem>>, %arg4: memref<64x64xf32, #tpu.memory_space<vmem>>, %arg5: memref<1x1x8192xf32, #tpu.memory_space<vmem>>, %arg6: memref<1x64x8192xf32, #tpu.memory_space<vmem>>) attributes {dimension_semantics = [#tpu.dimension_semantics<arbitrary>, #tpu.dimension_semantics<arbitrary>], iteration_bounds = array<i64: 10, 2>, scalar_prefetch = 0 : i64, scratch_operands = 0 : i64, tpu.core_type = #tpu.core_type<tc>, window_params = [{}, {transform_indices = @transform_1, window_bounds = array<i64: 8192, 128>}, {pipeline_mode = #tpu.pipeline_mode<synchronous>, transform_indices = @transform_2, window_bounds = array<i64: 64, 64>}, {transform_indices = @transform_3, window_bounds = array<i64: 1, 1, 8192>}, {transform_indices = @transform_4, window_bounds = array<i64: 1, 64, 8192>}]} {
    %get3A = arith.constant 0 : index
    %get3A_0 = arith.constant 0 : index
    %get3A_1 = vector.load %arg3[%get3A, %get3A_0] : memref<8192x128xf32, #tpu.memory_space<vmem>>, vector<8192x128xf32>
    %slice3A = vector.extract_strided_slice %get3A_1 {offsets = [0, 0], sizes = [8192, 64], strides = [1, 1]} : vector<8192x128xf32> to vector<8192x64xf32>
    %get3A_2 = arith.constant 0 : index
    %get3A_3 = arith.constant 0 : index
    %get3A_4 = vector.load %arg4[%get3A_2, %get3A_3] : memref<64x64xf32, #tpu.memory_space<vmem>>, vector<64x64xf32>
    %dot_general3A = arith.constant dense<0.000000e+00> : vector<64x8192xf32>
    %dot_general3A_5 = tpu.matmul %get3A_4, %slice3A, %dot_general3A {dimension_numbers = #tpu.dot_dimension_numbers<[1], [1], [0], [0], [0, 0, 1, 0], [], []>, transpose_lhs_hint = false} : vector<64x64xf32>, vector<8192x64xf32>, vector<64x8192xf32> -> vector<64x8192xf32>
    %slice3A_6 = vector.extract_strided_slice %get3A_1 {offsets = [0, 64], sizes = [8192, 64], strides = [1, 1]} : vector<8192x128xf32> to vector<8192x64xf32>
    %get3A_7 = arith.constant 0 : index
    %get3A_8 = arith.constant 0 : index
    %get3A_9 = vector.load %arg4[%get3A_7, %get3A_8] : memref<64x64xf32, #tpu.memory_space<vmem>>, vector<64x64xf32>
    %dot_general3A_10 = arith.constant dense<0.000000e+00> : vector<64x8192xf32>
    %dot_general3A_11 = tpu.matmul %get3A_9, %slice3A_6, %dot_general3A_10 {dimension_numbers = #tpu.dot_dimension_numbers<[1], [1], [0], [0], [0, 0, 1, 0], [], []>, transpose_lhs_hint = false} : vector<64x64xf32>, vector<8192x64xf32>, vector<64x8192xf32> -> vector<64x8192xf32>
    %get3A_12 = arith.constant 0 : index
    %get3A_13 = arith.constant 0 : index
    %get3A_14 = arith.constant 0 : index
    %get3A_15 = vector.load %arg5[%get3A_12, %get3A_13, %get3A_14] : memref<1x1x8192xf32, #tpu.memory_space<vmem>>, vector<1x1x8192xf32>
    %get3A_16 = vector.shape_cast %get3A_15 : vector<1x1x8192xf32> to vector<1x8192xf32>
    %sub3A = arith.subf %dot_general3A_11, %dot_general3A_5 : vector<64x8192xf32>
    %mul3A = vector.broadcast %get3A_16 : vector<1x8192xf32> to vector<64x8192xf32>
    %mul3A_17 = arith.mulf %sub3A, %mul3A : vector<64x8192xf32>
    %add3A = arith.addf %dot_general3A_5, %mul3A_17 : vector<64x8192xf32>
    %swap3A = arith.constant 0 : index
    %swap3A_18 = arith.constant 0 : index
    %swap3A_19 = arith.constant 0 : index
    %swap3A_20 = vector.load %arg6[%swap3A, %swap3A_18, %swap3A_19] : memref<1x64x8192xf32, #tpu.memory_space<vmem>>, vector<1x64x8192xf32>
    %swap3A_21 = vector.shape_cast %swap3A_20 : vector<1x64x8192xf32> to vector<64x8192xf32>
    %swap3A_22 = vector.shape_cast %add3A : vector<64x8192xf32> to vector<1x64x8192xf32>
    tpu.vector_store %arg6[%swap3A, %swap3A_18, %swap3A_19], %swap3A_22 {strides = array<i32>} : memref<1x64x8192xf32, #tpu.memory_space<vmem>>, vector<1x64x8192xf32>,
    return
  }
  func.func @transform_1(%arg0: i32, %arg1: i32) -> (i32, i32) {
    %mul3A = arith.constant 2 : i32
    %mul3A_0 = arith.muli %arg0, %mul3A : i32
    %add3A = arith.addi %mul3A_0, %arg1 : i32
    %c0_i32 = arith.constant 0 : i32
    %c0_i32_1 = arith.constant 0 : i32
    return %add3A, %c0_i32 : i32, i32
  }
  func.func @transform_2(%arg0: i32, %arg1: i32) -> (i32, i32) {
    %c0_i32 = arith.constant 0 : i32
    %c0_i32_0 = arith.constant 0 : i32
    %c0_i32_1 = arith.constant 0 : i32
    return %c0_i32, %c0_i32_0 : i32, i32
  }
  func.func @transform_3(%arg0: i32, %arg1: i32) -> (i32, i32, i32) {
    %add3A = arith.constant 40 : i32
    %add3A_0 = arith.addi %add3A, %arg0 : i32
    %c0_i32 = arith.constant 0 : i32
    %c0_i32_1 = arith.constant 0 : i32
    return %add3A_0, %c0_i32, %arg1 : i32, i32, i32
  }
  func.func @transform_4(%arg0: i32, %arg1: i32) -> (i32, i32, i32) {
    %add3A = arith.constant 40 : i32
    %add3A_0 = arith.addi %add3A, %arg0 : i32
    %c0_i32 = arith.constant 0 : i32
    %c0_i32_1 = arith.constant 0 : i32
    return %add3A_0, %c0_i32, %arg1 : i32, i32, i32
  }
}

</mosaic_0001>

<sc_bundles>
// kernel: kernel.13.cloned.1.call-start
scs
__scs_entry_jumppad:
0x0: {  	(pc) =	sbr.rel $0x88, $3  }
0x1: {  	(tag) =	ssettag $0x0;
	lr =	simm.s32 $0x1  }
0x2: {  	[smem:$0x3F9D] =	sst lr;
	_ =	strace $0xD0000000  }
0x3: {  	_ = 	snop  }
0x4: {  	_ = 	snop  }
0x5: {  	_ = 	snop  }
0x6: {  	_ = 	snop  }
0x7: {  	_ = 	snop  }
__scs_overlays_trampoline_lowered:
0x8: {  	[smem:$0x3FAC] =	sst s0  }
0x9: {  	[smem:$0x3FAD] =	sst s1  }
0xa: {  	[smem:$0x3FAE] =	sst s2  }
0xb: {  	[smem:$0x3FAF] =	sst s3  }
0xc: {  	[smem:$0x3FB0] =	sst s4  }
0xd: {  	[smem:$0x3FB1] =	sst s5  }
0xe: {  	[smem:$0x3FB2] =	sst s6  }
0xf: {  	[smem:$0x3FB3] =	sst s7  }
0x10: {  	[smem:$0x3FB4] =	sst s8  }
0x11: {  	[smem:$0x3FB5] =	sst s9;
	s0 =	simm.s32 @!p0 $0x0  }
0x12: {  	s1 =	sld [smem:$0x3F9B];
	s0 =	simm.s32 @p0 $0x1  }
0x13: {  	[smem:$0x3FB6] =	sst s0;
	s0 =	simm.s32 @!p1 $0x0  }
0x14: {  	s2 =	sld [smem:$0x3F9A];
	s0 =	simm.s32 @p1 $0x1  }
0x15: {  	[smem:$0x3FB7] =	sst s0;
	s0 =	simm.s32 @!p2 $0x0  }
0x16: {  	s3 =	sld [smem:$0x3FDB];
	s0 =	simm.s32 @p2 $0x1  }
0x17: {  	s4 =	simm.s32 $0x1BF5;
	[smem:$0x3FB9] =	sst s0  }
0x18: {  	s0 =	sld [smem:$0x3F9C];
	_ =	swait.ge [sflag:s4], $0x0  }
0x19: {  	s7 =	sld [smem:$0x3F9D]  }
0x1a: {  	s8 =	sadd.s32 $0xFFFFE003, lr  }
0x1b: {  	s9 =	sadd.s32 $0xFFFFFEF7, lr;
	s5 =	simm.s32 $0xFFFFFFFF;
	p2 =	slt.u32 s8, $0xFFFFF086  }
0x1c: {  	p1 =	slt.u32 s9, $0xF7A;
	s5 =	simm.s32 @!p2 $0x0  }
0x1d: {  	s5 =	simm.s32 @p1 $0x1;
	p0 =	seq.s32 s7, s2  }
0x1e: {  	s7 =	smul.u32 @!p0 $0xF7A, s2;
	p2 =	seq.s32 @!p0 s5, $0x0  }
0x1f: {  	s9 =	smul.u32 $0xF7A, s1;
	s8 =	simm.s32 @!p0 $0x1BF5;
	p2 =	por !p2, p0  }
0x20: {  	[sflag:s8] =	ssyncset.s32 @!p0 $0xFFFFF086;
	s6 =	sadd.s32 @!p0 s3, s7;
	s7 =	simm.s32 @!p0 $0x108  }
0x21: {  	s3 =	sadd.s32 s3, s9;
	s6 =	sadd.s32 @!p0 $0x88, s6;
	s7 =	simm.s32 @p2 $0x1082  }
0x22: {  	[simem:s7], [sflag:s8] =	dma.local @!p0 [hbm:s6], $0xF7A  }
0x23: {  	s9 =	sor.u32 $0xD0000000, s2;
	s6 =	simm.s32 $0x108;
	_ =	swait.ge @!p0 [sflag:s8], $0x0  }
0x24: {  	s3 =	sadd.s32 $0x88, s3;
	s6 =	simm.s32 @!p1 $0x1082;
	[sflag:s4] =	ssyncset.s32 $0xFFFFF086  }
0x25: {  	[simem:s6], [sflag:s4] =	dma.local [hbm:s3], $0xF7A  }
0x26: {  	[smem:$0x3F9D] =	sst s1;
	(tag) =	ssettag s2;
	_ =	strace s9  }
0x27: {  	s1 =	sld [smem:$0x3FAD]  }
0x28: {  	s2 =	sld [smem:$0x3FAE]  }
0x29: {  	s4 =	sld [smem:$0x3FB0]  }
0x2a: {  	p0 =	seq.s32 s5, $0x0;
	s5 =	sld [smem:$0x3FB1]  }
0x2b: {  	s6 =	sld [smem:$0x3FB2]  }
0x2c: {  	s7 =	sld [smem:$0x3FB3]  }
0x2d: {  	s3 =	simm.s32 $0x108;
	s8 =	sld [smem:$0x3FB4]  }
0x2e: {  	s3 =	simm.s32 @!p0 $0x1082;
	s9 =	sld [smem:$0x3FB5]  }
0x2f: {  	lr =	sadd.s32 s0, s3;
	s0 =	sld [smem:$0x3FAC]  }
0x30: {  	s3 =	sld [smem:$0x3FAF]  }
0x31: {  	[smem:$0x3FB8] =	sst s10  }
0x32: {  	s10 =	sld [smem:$0x3FB6];
	_ =	sdelay $0x3  }
0x33: {  	p0 =	seq.s32 s10, $0x1;
	s10 =	sld [smem:$0x3FB8];
	_ =	sdelay $0x3  }
0x34: {  	[smem:$0x3FB8] =	sst s10  }
0x35: {  	s10 =	sld [smem:$0x3FB7];
	_ =	sdelay $0x3  }
0x36: {  	p1 =	seq.s32 s10, $0x1;
	s10 =	sld [smem:$0x3FB8];
	_ =	sdelay $0x3  }
0x37: {  	[smem:$0x3FB8] =	sst s10  }
0x38: {  	s10 =	sld [smem:$0x3FB9]  }
0x39: {  	_ = 	snop;
	(pc) =	sbr.ind lr, $3  }
0x3a: {  	_ = 	snop  }
0x3b: {  	_ = 	snop  }
0x3c: {  	p2 =	seq.s32 s10, $0x1;
	s10 =	sld [smem:$0x3FB8]  }
0x3d: {  	_ =	shalt  }
0x3e: {  	_ =	shalt  }
0x3f: {  	_ =	shalt  }
0x40: {  	_ =	shalt  }
0x41: {  	_ =	shalt  }
0x42: {  	_ =	shalt  }
0x43: {  	_ =	shalt  }
0x44: {  	_ =	shalt  }
0x45: {  	_ =	shalt  }
0x46: {  	_ =	shalt  }
0x47: {  	_ =	shalt  }
0x48: {  	_ =	shalt  }
0x49: {  	_ =	shalt  }
0x4a: {  	_ =	shalt  }
0x4b: {  	_ =	shalt  }
0x4c: {  	_ =	shalt  }
0x4d: {  	_ =	shalt  }
0x4e: {  	_ =	shalt  }
0x4f: {  	_ =	shalt  }
0x50: {  	_ =	shalt  }
0x51: {  	_ =	shalt  }
0x52: {  	_ =	shalt  }
0x53: {  	_ =	shalt  }
0x54: {  	_ =	shalt  }
0x55: {  	_ =	shalt  }
0x56: {  	_ =	shalt  }
0x57: {  	_ =	shalt  }
0x58: {  	_ =	shalt  }
0x59: {  	_ =	shalt  }
0x5a: {  	_ =	shalt  }
0x5b: {  	_ =	shalt  }
0x5c: {  	_ =	shalt  }
0x5d: {  	_ =	shalt  }
0x5e: {  	_ =	shalt  }
0x5f: {  	_ =	shalt  }
0x60: {  	_ =	shalt  }
0x61: {  	_ =	shalt  }
0x62: {  	_ =	shalt  }
0x63: {  	_ =	shalt  }
0x64: {  	_ =	shalt  }
0x65: {  	_ =	shalt  }
0x66: {  	_ =	shalt  }
0x67: {  	_ =	shalt  }
0x68: {  	_ =	shalt  }
0x69: {  	_ =	shalt  }
0x6a: {  	_ =	shalt  }
0x6b: {  	_ =	shalt  }
0x6c: {  	_ =	shalt  }
0x6d: {  	_ =	shalt  }
0x6e: {  	_ =	shalt  }
0x6f: {  	_ =	shalt  }
0x70: {  	_ =	shalt  }
0x71: {  	_ =	shalt  }
0x72: {  	_ =	shalt  }
0x73: {  	_ =	shalt  }
0x74: {  	_ =	shalt  }
0x75: {  	_ =	shalt  }
0x76: {  	_ =	shalt  }
0x77: {  	_ =	shalt  }
0x78: {  	_ =	shalt  }
0x79: {  	_ =	shalt  }
0x7a: {  	_ =	shalt  }
0x7b: {  	_ =	shalt  }
0x7c: {  	_ =	shalt  }
0x7d: {  	_ =	shalt  }
0x7e: {  	_ =	shalt  }
0x7f: {  	_ =	shalt  }
0x80: {  	_ =	shalt  }
0x81: {  	_ =	shalt  }
0x82: {  	_ =	shalt  }
0x83: {  	_ =	shalt  }
0x84: {  	_ =	shalt  }
0x85: {  	_ =	shalt  }
0x86: {  	_ =	shalt  }
0x87: {  	_ =	shalt  }
.Lfunc_end0:
.L_simem_size_0:
called_computation_lowered:
.L_overlay_start_0:
0x88: {  	s2 =	sld [smem:$0x3FD9]  }
0x89: {  	s3 =	sld [smem:$0x3FFE];
	_ =	sdelay $0x1  }
0x8a: {  	s1 =	srdreg.scid  }
0x8b: {  	s0 =	sand.u32 $0x1, s1  }
0x8c: {  	s16 =	sshll.u32 s0, $0xA;
	s2 =	sadd.s32 s3, s2  }
0x8d: {  	s2 =	sadd.s32 s2, s16  }
0x8e: {  	[smem:$0x3FC4] =	sst s2  }
0x8f: {  	_ = 	snop  }
0x90: {  	(tm) =	ssettm $0x1  }
0x91: {  	s17 =	sld [smem:$0x3FFB];
	_ =	sdelay $0x3  }
0x92: {  	_ =	strace s17  }
0x93: {  	s2 =	sld [smem:$0x3FFC];
	_ =	sdelay $0x3  }
0x94: {  	_ =	strace s2  }
0x95: {  	s2 =	sld [smem:$0x3FFD];
	_ =	sdelay $0x3  }
0x96: {  	_ =	strace s2  }
0x97: {  	_ =	strace $0x8FFFFFFF  }
0x98: {  	s18 =	sld [smem:$0x3FDB];
	_ =	sdelay $0x1  }
0x99: {  	s19 =	simm.s32 $_scs_section_size  }
0x9a: {  	s4 =	simm.s32 $_size__tile_overlayer_lowered;
	s5 =	simm.s32 $_tile_overlayer_lowered  }
0x9b: {  	s22 =	simm.s32 $0x1BFF;
	s21 =	sshll.u32 s5, $0x1;
	s2 =	sadd.s32 s19, s18  }
0x9c: {  	s6 =	simm.s32 $0x0;
	s20 =	sshll.u32 s4, $0x1;
	s4 =	sadd.s32 s21, s2  }
0x9d: {  	[timem:s6], [sflag:s22] =	dma.local [hbm:s4], s20  }
0x9e: {  	_ =	swait.ge [sflag:s22], s20  }
0x9f: {  	s3 =	ssub.s32 $0x0, s20;
	[sflag:s22] =	ssyncset.done $0x0  }
0xa0: {  	[sflag:s22] =	ssyncadd.s32 s3;
	_ =	sdelay $0x1  }
0xa1: {  	s23 =	simm.s32 $0x1B8B  }
0xa2: {  	_ =	swait.ge [sflag:s23], $0x1  }
0xa3: {  	[sflag:s23] =	ssyncset.done $0x0  }
0xa4: {  	s25 =	simm.s32 $0x1B8E;
	s24 =	sld [smem:$0x3FFE];
	[sflag:s23] =	ssyncadd.s32 $0xFFFFFFFF  }
0xa5: {  	s26 =	simm.s32 $execute0_lowered;
	[smem:$0x3FD2] =	sst s25  }
0xa6: {  	s4 =	sshll.u32 s26, $0x1;
	_ =	strace $0x80000046;
	[dreg:$0x1] =	wrdreg $0xFFFFFFFF  }
0xa7: {  	s28 =	simm.s32 $_size_execute0_lowered;
	s2 =	sadd.s32 s2, s4;
	[dreg:$0x0] =	wrdreg $0x0  }
0xa8: {  	s4 =	sshll.u32 s28, $0x1;
	[dreg:$0x2] =	wrdreg s2  }
0xa9: {  	[dreg:$0x3] =	wrdreg s4  }
0xaa: {  	[dreg:$0x4] =	wrdreg $0xC0  }
0xab: {  	_ =	task [dreg:s6], $0x5FFFF  }
0xac: {  	[dreg:$0x1] =	wrdreg $0xFFFFFFFF  }
0xad: {  	[dreg:$0x0] =	wrdreg $0x60  }
0xae: {  	[dreg:$0x2] =	wrdreg s24  }
0xaf: {  	[dreg:$0x3] =	wrdreg $0x9  }
0xb0: {  	_ =	task.clear_ibuf [dreg:s6], $0x4FFFF;
	_ =	strace $0x90000046  }
0xb1: {  	s29 =	simm.s32 $0x9;
	_ =	strace $0x80000048  }
0xb2: {  	_ =	swait.ge [sflag:s29], $0x1  }
0xb3: {  	[sflag:s29] =	ssyncadd.s32 $0xFFFFFFFF  }
0xb4: {  	_ =	strace $0x90000048  }
0xb5: {  	_ =	sfence  }
0xb6: {  	s30 =	sld [smem:$0x0];
	_ =	sdelay $0x2  }
0xb7: {  	s31 =	sshll.u32 s1, $0xD;
	s1 =	sshrl.u32 s1, $0x2  }
0xb8: {  	s3 =	sand.u32 $0x4000, s31;
	s1 =	sadd.s32 s1, s30  }
0xb9: {  	s0 =	sor.u32 s3, s0;
	s1 =	sshll.u32 s1, $0x11  }
0xba: {  	s0 =	sor.u32 s1, s0  }
0xbb: {  	s0 =	sadd.s32 $0x8F2B, s0  }
0xbc: {  	[sflag:s0] =	ssyncadd.remote.s32 $0x1  }
0xbd: {  	_ =	sfence.sel $0xFFFF  }
0xbe: {  	[dreg:$0x0] =	wrdreg $0xFFFFFFFF;
	(pc) =	sbr.abs _section_cstart, $3  }
0xbf: {  	[dreg:$0x1] =	wrdreg $0xFFFFFFFF  }
0xc0: {  	_ =	task.clear_ibuf [dreg:s6], $0x2FFFF;
	_ =	strace $0x9FFFFFFF  }
0xc1: {  	(tm) =	ssettm $0x7FFFFFFF  }
tec
execute0_lowered:
.L_overlay_start_1:
0x0: {  	(tag) =	ssettag $0x1  }
0x1: {  	s1 =	srdreg.scid;
	s0 =	stileid.u32  }
0x2: {  	s4 =	rddreg [dreg:$0x0];
	s2 =	simm.s32 $0x0;
	s12 =	simm.s32 $0x5400  }
0x3: {  	s13 =	simm.s32 $0x100;
	s14 =	simm.s32 $0x9400;
	s15 =	simm.s32 $0x180  }
0x4: {  	s16 =	simm.s32 $0xD400;
	s17 =	simm.s32 $0x200;
	s18 =	simm.s32 $0x11400  }
0x5: {  	s19 =	simm.s32 $0x1;
	s20 =	simm.s32 $0x2;
	s21 =	simm.s32 $0x0  }
0x6: {  	s5 =	sand.u32 $0x1, s1;
	s3 =	sshll.u32 s0, $0x1;
	s1 =	rddreg [dreg:$0x1]  }
0x7: {  	[smem:$0x7FF] =	sst s2;
	s9 =	smul.u32 $0x28000, s0;
	s10 =	sadd.s32 $0x7C6E00, s4  }
0x8: {  	s6 =	sor.u32 s5, s3;
	_ =	strace $0x80000047;
	s11 =	smul.u32 $0x14000, s5  }
0x9: {  	s3 =	sadd.s32 $0x6E00, s4;
	s8 =	ssub.s32 $0x2, s5;
	s7 =	smul.u32 $0x1400, s6  }
0xa: {  	s6 =	smul.u32 $0x14000, s6;
	s28 =	sshrl.u32 s8, $0x1;
	s30 =	sadd.s32 s9, s10  }
0xb: {  	s9 =	simm.s32 $0x3;
	s29 =	ssub.s32 s8, s28;
	s31 =	sadd.s32 s11, s30  }
0xc: {  	s11 =	simm.s32 $0x1400;
	s7 =	sshrl.u32 s7, $0x3;
	s5 =	smax.u32 s29, $0x1  }
0xd: {  	s6 =	sadd.s32 s10, s6;
	s8 =	sadd.s32 $0x3800, s31;
	s7 =	sadd.s32 s7, s4  }
0xe: {  	s10 =	simm.s32 $0x80;
	s4 =	sadd.s32 $0x1E00, s7;
	s7 =	sadd.s32 $0x1000, s6  }
.LBB2_1:
0xf: {  	[tilespmem:s2], [sflag:$0x3] =	stream.linear.gather [hbm4b:s4+s2], $0x1400, $0x38;
	[tilespmem:$0x15400] =	vst v63  }
0x10: {  	_ =	swait.ge [sflag:s9], $0x1400  }
0x11: {  	[sflag:s9] =	ssyncset.done $0x0  }
0x12: {  	[sflag:s9] =	ssyncadd.s32 $0xFFFFEC00  }
0x13: {  	[tilespmem:s11], [sflag:$0x1] =	stream.indirect.gather [hbm4b:s3+s10], $0x80, s2, s10, $0xb8;
	[tilespmem:$0x15400] =	vst v63  }
0x14: {  	_ = 	snop  }
0x15: {  	[tilespmem:s12], [sflag:$0x1] =	stream.indirect.gather [hbm4b:s3+s10], $0x80, s10, s10, $0xb8;
	[tilespmem:$0x15400] =	vst v63  }
0x16: {  	_ = 	snop  }
0x17: {  	[tilespmem:s14], [sflag:$0x1] =	stream.indirect.gather [hbm4b:s3+s10], $0x80, s13, s10, $0xb8;
	[tilespmem:$0x15400] =	vst v63  }
0x18: {  	_ = 	snop  }
0x19: {  	[tilespmem:s16], [sflag:$0x1] =	stream.indirect.gather [hbm4b:s3+s10], $0x80, s15, s10, $0xb8;
	[tilespmem:$0x15400] =	vst v63  }
0x1a: {  	_ = 	snop  }
0x1b: {  	[tilespmem:s18], [sflag:$0x1] =	stream.indirect.gather [hbm4b:s3+s10], $0x80, s17, s10, $0xb8;
	[tilespmem:$0x15400] =	vst v63  }
0x1c: {  	_ =	swait.ge [sflag:s19], $0x4000  }
0x1d: {  	[sflag:s19] =	ssyncset.done $0x0  }
0x1e: {  	[sflag:s19] =	ssyncadd.s32 $0xFFFFC000  }
0x1f: {  	_ =	swait.ge [sflag:s19], $0x4000  }
0x20: {  	[sflag:s19] =	ssyncset.done $0x0  }
0x21: {  	[sflag:s19] =	ssyncadd.s32 $0xFFFFC000  }
0x22: {  	[hbm4b:s6+s2] =	stream.linear.scatter [tilespmem:s11], [sflag:$0x2], $0x8000, $0x38;
	[tilespmem:$0x15400] =	vst v63  }
0x23: {  	_ =	swait.ge [sflag:s19], $0x4000  }
0x24: {  	[sflag:s19] =	ssyncset.done $0x0  }
0x25: {  	[sflag:s19] =	ssyncadd.s32 $0xFFFFC000  }
0x26: {  	_ =	swait.ge [sflag:s19], $0x4000  }
0x27: {  	[sflag:s19] =	ssyncset.done $0x0  }
0x28: {  	[sflag:s19] =	ssyncadd.s32 $0xFFFFC000  }
0x29: {  	_ =	swait.ge [sflag:s19], $0x4000  }
0x2a: {  	[sflag:s19] =	ssyncset.done $0x0  }
0x2b: {  	[sflag:s19] =	ssyncadd.s32 $0xFFFFC000  }
0x2c: {  	[hbm4b:s7+s2] =	stream.linear.scatter [tilespmem:s14], [sflag:$0x2], $0xC000, $0x38;
	[tilespmem:$0x15400] =	vst v63  }
0x2d: {  	_ =	swait.ge [sflag:s20], $0x8000  }
0x2e: {  	[sflag:s20] =	ssyncset.done $0x0  }
0x2f: {  	[sflag:s20] =	ssyncadd.s32 $0xFFFF8000  }
0x30: {  	_ =	swait.ge [sflag:s20], $0xC000  }
0x31: {  	[sflag:s20] =	ssyncset.done $0x0  }
0x32: {  	s22 =	simm.s32 $0x280;
	[sflag:s20] =	ssyncadd.s32 $0xFFFF4000  }
0x33: {  	[tilespmem:s11], [sflag:$0x1] =	stream.indirect.gather [hbm4b:s3+s10], $0x80, s22, s10, $0xb8;
	[tilespmem:$0x15400] =	vst v63  }
0x34: {  	s26 =	simm.s32 $0x300  }
0x35: {  	[tilespmem:s12], [sflag:$0x1] =	stream.indirect.gather [hbm4b:s3+s10], $0x80, s26, s10, $0xb8;
	[tilespmem:$0x15400] =	vst v63  }
0x36: {  	s28 =	simm.s32 $0x380  }
0x37: {  	[tilespmem:s14], [sflag:$0x1] =	stream.indirect.gather [hbm4b:s3+s10], $0x80, s28, s10, $0xb8;
	[tilespmem:$0x15400] =	vst v63  }
0x38: {  	s29 =	simm.s32 $0x400  }
0x39: {  	[tilespmem:s16], [sflag:$0x1] =	stream.indirect.gather [hbm4b:s3+s10], $0x80, s29, s10, $0xb8;
	[tilespmem:$0x15400] =	vst v63  }
0x3a: {  	s30 =	simm.s32 $0x480  }
0x3b: {  	[tilespmem:s18], [sflag:$0x1] =	stream.indirect.gather [hbm4b:s3+s10], $0x80, s30, s10, $0xb8;
	[tilespmem:$0x15400] =	vst v63  }
0x3c: {  	_ =	swait.ge [sflag:s19], $0x4000  }
0x3d: {  	[sflag:s19] =	ssyncset.done $0x0  }
0x3e: {  	[sflag:s19] =	ssyncadd.s32 $0xFFFFC000  }
0x3f: {  	_ =	swait.ge [sflag:s19], $0x4000  }
0x40: {  	[sflag:s19] =	ssyncset.done $0x0  }
0x41: {  	s31 =	sadd.s32 $0xFFFFF000, s8;
	[sflag:s19] =	ssyncadd.s32 $0xFFFFC000  }
0x42: {  	[hbm4b:s31+s2] =	stream.linear.scatter [tilespmem:s11], [sflag:$0x2], $0x8000, $0x38;
	[tilespmem:$0x15400] =	vst v63  }
0x43: {  	_ =	swait.ge [sflag:s19], $0x4000  }
0x44: {  	[sflag:s19] =	ssyncset.done $0x0  }
0x45: {  	[sflag:s19] =	ssyncadd.s32 $0xFFFFC000  }
0x46: {  	_ =	swait.ge [sflag:s19], $0x4000  }
0x47: {  	[sflag:s19] =	ssyncset.done $0x0  }
0x48: {  	[sflag:s19] =	ssyncadd.s32 $0xFFFFC000  }
0x49: {  	_ =	swait.ge [sflag:s19], $0x4000  }
0x4a: {  	s23 =	sadd.s32 $0x2800, s8;
	[sflag:s19] =	ssyncset.done $0x0  }
0x4b: {  	s24 =	smov.u32 s8;
	s22 =	simm.s32 $0xA00;
	[sflag:s19] =	ssyncadd.s32 $0xFFFFC000  }
.LBB2_2:
0x4c: {  	[hbm4b:s24+s2] =	stream.linear.scatter [tilespmem:s14], [sflag:$0x2], $0xC000, $0x38;
	[tilespmem:$0x15400] =	vst v63  }
0x4d: {  	s25 =	smov.u32 s22;
	s24 =	smov.u32 s23  }
0x4e: {  	p0 =	sne.s32 s22, $0x3C00;
	s22 =	sadd.s32 $0xA00, s22;
	_ =	swait.ge [sflag:s20], $0x8000  }
0x4f: {  	[sflag:s20] =	ssyncset.done $0x0  }
0x50: {  	[sflag:s20] =	ssyncadd.s32 $0xFFFF8000  }
0x51: {  	_ =	swait.ge [sflag:s20], $0xC000  }
0x52: {  	s25 =	sshra.s32 s25, $0x2;
	[sflag:s20] =	ssyncset.done $0x0  }
0x53: {  	s26 =	sadd.s32 $0x280, s25;
	[sflag:s20] =	ssyncadd.s32 $0xFFFF4000  }
0x54: {  	[tilespmem:s11], [sflag:$0x1] =	stream.indirect.gather [hbm4b:s3+s10], $0x80, s26, s10, $0xb8;
	[tilespmem:$0x15400] =	vst v63  }
0x55: {  	s26 =	sadd.s32 $0x300, s25  }
0x56: {  	[tilespmem:s12], [sflag:$0x1] =	stream.indirect.gather [hbm4b:s3+s10], $0x80, s26, s10, $0xb8;
	[tilespmem:$0x15400] =	vst v63  }
0x57: {  	s26 =	sadd.s32 $0x380, s25  }
0x58: {  	[tilespmem:s14], [sflag:$0x1] =	stream.indirect.gather [hbm4b:s3+s10], $0x80, s26, s10, $0xb8;
	[tilespmem:$0x15400] =	vst v63  }
0x59: {  	s26 =	sadd.s32 $0x400, s25  }
0x5a: {  	[tilespmem:s16], [sflag:$0x1] =	stream.indirect.gather [hbm4b:s3+s10], $0x80, s26, s10, $0xb8;
	[tilespmem:$0x15400] =	vst v63  }
0x5b: {  	s25 =	sadd.s32 $0x480, s25  }
0x5c: {  	[tilespmem:s18], [sflag:$0x1] =	stream.indirect.gather [hbm4b:s3+s10], $0x80, s25, s10, $0xb8;
	[tilespmem:$0x15400] =	vst v63  }
0x5d: {  	_ =	swait.ge [sflag:s19], $0x4000  }
0x5e: {  	[sflag:s19] =	ssyncset.done $0x0  }
0x5f: {  	[sflag:s19] =	ssyncadd.s32 $0xFFFFC000  }
0x60: {  	_ =	swait.ge [sflag:s19], $0x4000  }
0x61: {  	[sflag:s19] =	ssyncset.done $0x0  }
0x62: {  	s25 =	sadd.s32 $0xFFFFF000, s23;
	[sflag:s19] =	ssyncadd.s32 $0xFFFFC000  }
0x63: {  	[hbm4b:s25+s2] =	stream.linear.scatter [tilespmem:s11], [sflag:$0x2], $0x8000, $0x38;
	[tilespmem:$0x15400] =	vst v63  }
0x64: {  	_ =	swait.ge [sflag:s19], $0x4000  }
0x65: {  	[sflag:s19] =	ssyncset.done $0x0  }
0x66: {  	[sflag:s19] =	ssyncadd.s32 $0xFFFFC000  }
0x67: {  	_ =	swait.ge [sflag:s19], $0x4000  }
.Ltmp0:
0x68: {  	[sflag:s19] =	ssyncset.done $0x0;
	(pc) =	sbr.rel @p0 .LBB2_2-.Ltmp0, $4  }
0x69: {  	[sflag:s19] =	ssyncadd.s32 $0xFFFFC000  }
0x6a: {  	_ =	swait.ge [sflag:s19], $0x4000  }
0x6b: {  	[sflag:s19] =	ssyncset.done $0x0  }
0x6c: {  	s23 =	sadd.s32 $0x2800, s23;
	[sflag:s19] =	ssyncadd.s32 $0xFFFFC000  }
0x6d: {  	[hbm4b:s24+s2] =	stream.linear.scatter [tilespmem:s14], [sflag:$0x2], $0xC000, $0x38;
	[tilespmem:$0x15400] =	vst v63  }
0x6e: {  	s21 =	sadd.s32 $0x1, s21  }
0x6f: {  	_ =	swait.ge [sflag:s20], $0x8000;
	p0 =	sne.s32 s21, s5  }
.Ltmp1:
0x70: {  	[sflag:s20] =	ssyncset.done $0x0;
	(pc) =	sbr.rel @p0 .LBB2_1-.Ltmp1, $4  }
0x71: {  	[sflag:s20] =	ssyncadd.s32 $0xFFFF8000  }
0x72: {  	_ =	swait.ge [sflag:s20], $0xC000  }
0x73: {  	[sflag:s20] =	ssyncset.done $0x0  }
0x74: {  	[sflag:s20] =	ssyncadd.s32 $0xFFFF4000  }
0x75: {  	_ =	sfence.sel $0x180000  }
0x76: {  	[bflag:$0x0] =	sbarrier.arrive $0xFFFF  }
0x77: {  	p0 =	sne.s32 s0, $0x0;
	_ =	strace $0x90000047  }
0x78: {  	s0 =	sadd.s32 @!p0 $0x100000, s1;
	[bflag:$0x2] =	sbarrier.arrive $0xFFFF  }
0x79: {  	[sflag:s0] =	ssyncadd.tile.s32 @!p0 $0x1;
	_ =	shalt  }
.Lfunc_end2:
_tile_overlayer_lowered:
.L_overlay_start_2:
0x7a: {  	(tag) =	ssettag $0x2  }
0x7b: {  	s0 =	rddreg [dreg:$0x0];
	s2 =	stileid.u32  }
0x7c: {  	s1 =	rddreg [dreg:$0x1];
	p0 =	sne.s32 s2, $0x0  }
0x7d: {  	s3 =	rddreg [dreg:$0x2];
	[bflag:$0x3] =	sbarrier.arrive $0xFFFF;
	s2 =	simm.s32 @!p0 $0x1C03  }
0x7e: {  	[timem:s3], [sflag:s2] =	dma.local @!p0 [hbm:s0], s1  }
0x7f: {  	s0 =	simm.s32 @!p0 $0x3  }
0x80: {  	_ =	swait.ge @!p0 [sflag:s0], s1  }
0x81: {  	s1 =	ssub.s32 @!p0 $0x0, s1;
	[sflag:s0] =	ssyncset.done @!p0 $0x0  }
0x82: {  	[sflag:s0] =	ssyncadd.s32 @!p0 s1  }
0x83: {  	[bflag:$0x3] =	sbarrier.arrive $0xFFFF  }
0x84: {  	_ =	shalt  }

// kernel: kernel.16.cloned.1.call-start
scs
__scs_entry_jumppad:
0x0: {  	(pc) =	sbr.rel $0x88, $3  }
0x1: {  	(tag) =	ssettag $0x0;
	lr =	simm.s32 $0x1  }
0x2: {  	[smem:$0x3F9D] =	sst lr;
	_ =	strace $0xD0000000  }
0x3: {  	_ = 	snop  }
0x4: {  	_ = 	snop  }
0x5: {  	_ = 	snop  }
0x6: {  	_ = 	snop  }
0x7: {  	_ = 	snop  }
__scs_overlays_trampoline_lowered:
0x8: {  	[smem:$0x3FAC] =	sst s0  }
0x9: {  	[smem:$0x3FAD] =	sst s1  }
0xa: {  	[smem:$0x3FAE] =	sst s2  }
0xb: {  	[smem:$0x3FAF] =	sst s3  }
0xc: {  	[smem:$0x3FB0] =	sst s4  }
0xd: {  	[smem:$0x3FB1] =	sst s5  }
0xe: {  	[smem:$0x3FB2] =	sst s6  }
0xf: {  	[smem:$0x3FB3] =	sst s7  }
0x10: {  	[smem:$0x3FB4] =	sst s8  }
0x11: {  	[smem:$0x3FB5] =	sst s9;
	s0 =	simm.s32 @!p0 $0x0  }
0x12: {  	s1 =	sld [smem:$0x3F9B];
	s0 =	simm.s32 @p0 $0x1  }
0x13: {  	[smem:$0x3FB6] =	sst s0;
	s0 =	simm.s32 @!p1 $0x0  }
0x14: {  	s2 =	sld [smem:$0x3F9A];
	s0 =	simm.s32 @p1 $0x1  }
0x15: {  	[smem:$0x3FB7] =	sst s0;
	s0 =	simm.s32 @!p2 $0x0  }
0x16: {  	s3 =	sld [smem:$0x3FDB];
	s0 =	simm.s32 @p2 $0x1  }
0x17: {  	s4 =	simm.s32 $0x1BF5;
	[smem:$0x3FB9] =	sst s0  }
0x18: {  	s0 =	sld [smem:$0x3F9C];
	_ =	swait.ge [sflag:s4], $0x0  }
0x19: {  	s7 =	sld [smem:$0x3F9D]  }
0x1a: {  	s8 =	sadd.s32 $0xFFFFE003, lr  }
0x1b: {  	s9 =	sadd.s32 $0xFFFFFEF7, lr;
	s5 =	simm.s32 $0xFFFFFFFF;
	p2 =	slt.u32 s8, $0xFFFFF086  }
0x1c: {  	p1 =	slt.u32 s9, $0xF7A;
	s5 =	simm.s32 @!p2 $0x0  }
0x1d: {  	s5 =	simm.s32 @p1 $0x1;
	p0 =	seq.s32 s7, s2  }
0x1e: {  	s7 =	smul.u32 @!p0 $0xF7A, s2;
	p2 =	seq.s32 @!p0 s5, $0x0  }
0x1f: {  	s9 =	smul.u32 $0xF7A, s1;
	s8 =	simm.s32 @!p0 $0x1BF5;
	p2 =	por !p2, p0  }
0x20: {  	[sflag:s8] =	ssyncset.s32 @!p0 $0xFFFFF086;
	s6 =	sadd.s32 @!p0 s3, s7;
	s7 =	simm.s32 @!p0 $0x108  }
0x21: {  	s3 =	sadd.s32 s3, s9;
	s6 =	sadd.s32 @!p0 $0x88, s6;
	s7 =	simm.s32 @p2 $0x1082  }
0x22: {  	[simem:s7], [sflag:s8] =	dma.local @!p0 [hbm:s6], $0xF7A  }
0x23: {  	s9 =	sor.u32 $0xD0000000, s2;
	s6 =	simm.s32 $0x108;
	_ =	swait.ge @!p0 [sflag:s8], $0x0  }
0x24: {  	s3 =	sadd.s32 $0x88, s3;
	s6 =	simm.s32 @!p1 $0x1082;
	[sflag:s4] =	ssyncset.s32 $0xFFFFF086  }
0x25: {  	[simem:s6], [sflag:s4] =	dma.local [hbm:s3], $0xF7A  }
0x26: {  	[smem:$0x3F9D] =	sst s1;
	(tag) =	ssettag s2;
	_ =	strace s9  }
0x27: {  	s1 =	sld [smem:$0x3FAD]  }
0x28: {  	s2 =	sld [smem:$0x3FAE]  }
0x29: {  	s4 =	sld [smem:$0x3FB0]  }
0x2a: {  	p0 =	seq.s32 s5, $0x0;
	s5 =	sld [smem:$0x3FB1]  }
0x2b: {  	s6 =	sld [smem:$0x3FB2]  }
0x2c: {  	s7 =	sld [smem:$0x3FB3]  }
0x2d: {  	s3 =	simm.s32 $0x108;
	s8 =	sld [smem:$0x3FB4]  }
0x2e: {  	s3 =	simm.s32 @!p0 $0x1082;
	s9 =	sld [smem:$0x3FB5]  }
0x2f: {  	lr =	sadd.s32 s0, s3;
	s0 =	sld [smem:$0x3FAC]  }
0x30: {  	s3 =	sld [smem:$0x3FAF]  }
0x31: {  	[smem:$0x3FB8] =	sst s10  }
0x32: {  	s10 =	sld [smem:$0x3FB6];
	_ =	sdelay $0x3  }
0x33: {  	p0 =	seq.s32 s10, $0x1;
	s10 =	sld [smem:$0x3FB8];
	_ =	sdelay $0x3  }
0x34: {  	[smem:$0x3FB8] =	sst s10  }
0x35: {  	s10 =	sld [smem:$0x3FB7];
	_ =	sdelay $0x3  }
0x36: {  	p1 =	seq.s32 s10, $0x1;
	s10 =	sld [smem:$0x3FB8];
	_ =	sdelay $0x3  }
0x37: {  	[smem:$0x3FB8] =	sst s10  }
0x38: {  	s10 =	sld [smem:$0x3FB9]  }
0x39: {  	_ = 	snop;
	(pc) =	sbr.ind lr, $3  }
0x3a: {  	_ = 	snop  }
0x3b: {  	_ = 	snop  }
0x3c: {  	p2 =	seq.s32 s10, $0x1;
	s10 =	sld [smem:$0x3FB8]  }
0x3d: {  	_ =	shalt  }
0x3e: {  	_ =	shalt  }
0x3f: {  	_ =	shalt  }
0x40: {  	_ =	shalt  }
0x41: {  	_ =	shalt  }
0x42: {  	_ =	shalt  }
0x43: {  	_ =	shalt  }
0x44: {  	_ =	shalt  }
0x45: {  	_ =	shalt  }
0x46: {  	_ =	shalt  }
0x47: {  	_ =	shalt  }
0x48: {  	_ =	shalt  }
0x49: {  	_ =	shalt  }
0x4a: {  	_ =	shalt  }
0x4b: {  	_ =	shalt  }
0x4c: {  	_ =	shalt  }
0x4d: {  	_ =	shalt  }
0x4e: {  	_ =	shalt  }
0x4f: {  	_ =	shalt  }
0x50: {  	_ =	shalt  }
0x51: {  	_ =	shalt  }
0x52: {  	_ =	shalt  }
0x53: {  	_ =	shalt  }
0x54: {  	_ =	shalt  }
0x55: {  	_ =	shalt  }
0x56: {  	_ =	shalt  }
0x57: {  	_ =	shalt  }
0x58: {  	_ =	shalt  }
0x59: {  	_ =	shalt  }
0x5a: {  	_ =	shalt  }
0x5b: {  	_ =	shalt  }
0x5c: {  	_ =	shalt  }
0x5d: {  	_ =	shalt  }
0x5e: {  	_ =	shalt  }
0x5f: {  	_ =	shalt  }
0x60: {  	_ =	shalt  }
0x61: {  	_ =	shalt  }
0x62: {  	_ =	shalt  }
0x63: {  	_ =	shalt  }
0x64: {  	_ =	shalt  }
0x65: {  	_ =	shalt  }
0x66: {  	_ =	shalt  }
0x67: {  	_ =	shalt  }
0x68: {  	_ =	shalt  }
0x69: {  	_ =	shalt  }
0x6a: {  	_ =	shalt  }
0x6b: {  	_ =	shalt  }
0x6c: {  	_ =	shalt  }
0x6d: {  	_ =	shalt  }
0x6e: {  	_ =	shalt  }
0x6f: {  	_ =	shalt  }
0x70: {  	_ =	shalt  }
0x71: {  	_ =	shalt  }
0x72: {  	_ =	shalt  }
0x73: {  	_ =	shalt  }
0x74: {  	_ =	shalt  }
0x75: {  	_ =	shalt  }
0x76: {  	_ =	shalt  }
0x77: {  	_ =	shalt  }
0x78: {  	_ =	shalt  }
0x79: {  	_ =	shalt  }
0x7a: {  	_ =	shalt  }
0x7b: {  	_ =	shalt  }
0x7c: {  	_ =	shalt  }
0x7d: {  	_ =	shalt  }
0x7e: {  	_ =	shalt  }
0x7f: {  	_ =	shalt  }
0x80: {  	_ =	shalt  }
0x81: {  	_ =	shalt  }
0x82: {  	_ =	shalt  }
0x83: {  	_ =	shalt  }
0x84: {  	_ =	shalt  }
0x85: {  	_ =	shalt  }
0x86: {  	_ =	shalt  }
0x87: {  	_ =	shalt  }
.Lfunc_end0:
.L_simem_size_0:
called_computation.1_lowered:
.L_overlay_start_0:
0x88: {  	s2 =	sld [smem:$0x3FD9]  }
0x89: {  	s3 =	sld [smem:$0x3FFE];
	_ =	sdelay $0x1  }
0x8a: {  	s1 =	srdreg.scid  }
0x8b: {  	s0 =	sand.u32 $0x1, s1  }
0x8c: {  	s17 =	sshll.u32 s0, $0xA;
	s2 =	sadd.s32 s3, s2  }
0x8d: {  	s2 =	sadd.s32 s2, s17  }
0x8e: {  	[smem:$0x3FC4] =	sst s2  }
0x8f: {  	_ = 	snop  }
0x90: {  	(tm) =	ssettm $0x1  }
0x91: {  	s18 =	sld [smem:$0x3FFB];
	_ =	sdelay $0x3  }
0x92: {  	_ =	strace s18  }
0x93: {  	s2 =	sld [smem:$0x3FFC];
	_ =	sdelay $0x3  }
0x94: {  	_ =	strace s2  }
0x95: {  	s2 =	sld [smem:$0x3FFD];
	_ =	sdelay $0x3  }
0x96: {  	_ =	strace s2  }
0x97: {  	_ =	strace $0x8FFFFFFF  }
0x98: {  	s19 =	sld [smem:$0x3FDB];
	_ =	sdelay $0x1  }
0x99: {  	s20 =	simm.s32 $_scs_section_size  }
0x9a: {  	s4 =	simm.s32 $_size__tile_overlayer_lowered;
	s5 =	simm.s32 $_tile_overlayer_lowered  }
0x9b: {  	s6 =	simm.s32 $0x1BFF;
	s21 =	sshll.u32 s5, $0x1;
	s3 =	sadd.s32 s20, s19  }
0x9c: {  	s22 =	simm.s32 $0x0;
	s4 =	sshll.u32 s4, $0x1;
	s5 =	sadd.s32 s21, s3  }
0x9d: {  	[timem:s22], [sflag:s6] =	dma.local [hbm:s5], s4  }
0x9e: {  	_ =	swait.ge [sflag:s6], s4  }
0x9f: {  	s4 =	ssub.s32 $0x0, s4;
	[sflag:s6] =	ssyncset.done $0x0  }
0xa0: {  	[sflag:s6] =	ssyncadd.s32 s4;
	_ =	sdelay $0x1  }
0xa1: {  	s23 =	simm.s32 $0x1B8B  }
0xa2: {  	_ =	swait.ge [sflag:s23], $0x1  }
0xa3: {  	[sflag:s23] =	ssyncset.done $0x0  }
0xa4: {  	[sflag:s23] =	ssyncadd.s32 $0xFFFFFFFF  }
0xa5: {  	s4 =	sld [smem:$0x0]  }
0xa6: {  	s5 =	sand.u32 $0xFFFFFFFE, s1  }
0xa7: {  	p0 =	sne.s32 s1, s5  }
0xa8: {  	s5 =	sshll.u32 @p0 s5, $0xE  }
0xa9: {  	s5 =	sadd.s32 @p0 $0x11B8D, s5;
	s6 =	sshll.u32 @p0 s4, $0x11  }
0xaa: {  	s5 =	sor.u32 @p0 s6, s5  }
0xab: {  	[sflag:s5] =	ssyncadd.remote.s32 @p0 $0x1;
	_ =	sdelay $0x1  }
0xac: {  	s5 =	simm.s32 @p0 $0x1B8D  }
0xad: {  	_ =	swait.eq @p0 [sflag:s5], $0x1  }
0xae: {  	[sflag:s5] =	ssyncadd.s32 @p0 $0xFFFFFFFF  }
0xaf: {  	s6 =	sshll.u32 @!p0 s1, $0xE  }
0xb0: {  	s6 =	sor.u32 @!p0 $0x4000, s6;
	s5 =	simm.s32 @!p0 $0x1B8D  }
0xb1: {  	s4 =	sshll.u32 @!p0 s4, $0x11;
	s6 =	sadd.s32 @!p0 $0x11B8D, s6;
	_ =	swait.eq @!p0 [sflag:s5], $0x1  }
0xb2: {  	s4 =	sor.u32 @!p0 s4, s6;
	[sflag:s5] =	ssyncadd.s32 @!p0 $0xFFFFFFFF  }
0xb3: {  	s25 =	simm.s32 $0x1B8E;
	s24 =	sld [smem:$0x3FFE];
	[sflag:s4] =	ssyncadd.remote.s32 @!p0 $0x1  }
0xb4: {  	s26 =	simm.s32 $execute0_lowered;
	[smem:$0x3FD2] =	sst s25  }
0xb5: {  	s5 =	sshll.u32 s26, $0x1;
	_ =	strace $0x80000049;
	[dreg:$0x1] =	wrdreg $0xFFFFFFFF  }
0xb6: {  	s28 =	simm.s32 $_size_execute0_lowered;
	s3 =	sadd.s32 s3, s5;
	[dreg:$0x0] =	wrdreg $0x0  }
0xb7: {  	s5 =	sshll.u32 s28, $0x1;
	[dreg:$0x2] =	wrdreg s3  }
0xb8: {  	[dreg:$0x3] =	wrdreg s5  }
0xb9: {  	[dreg:$0x4] =	wrdreg $0xC0  }
0xba: {  	_ =	task [dreg:s22], $0x5FFFF  }
0xbb: {  	[dreg:$0x1] =	wrdreg $0xFFFFFFFF  }
0xbc: {  	[dreg:$0x0] =	wrdreg $0x60  }
0xbd: {  	[dreg:$0x2] =	wrdreg s24  }
0xbe: {  	[dreg:$0x3] =	wrdreg $0xA  }
0xbf: {  	_ =	task.clear_ibuf [dreg:s22], $0x4FFFF;
	_ =	strace $0x90000049  }
0xc0: {  	s29 =	simm.s32 $0xA;
	_ =	strace $0x8000004B  }
0xc1: {  	_ =	swait.ge [sflag:s29], $0x1  }
0xc2: {  	[sflag:s29] =	ssyncadd.s32 $0xFFFFFFFF  }
0xc3: {  	_ =	strace $0x9000004B  }
0xc4: {  	_ =	sfence  }
0xc5: {  	s30 =	sld [smem:$0x0];
	_ =	sdelay $0x2  }
0xc6: {  	s31 =	sshll.u32 s1, $0xD;
	s1 =	sshrl.u32 s1, $0x2  }
0xc7: {  	s4 =	sand.u32 $0x4000, s31;
	s1 =	sadd.s32 s1, s30  }
0xc8: {  	s0 =	sor.u32 s4, s0;
	s1 =	sshll.u32 s1, $0x11  }
0xc9: {  	s0 =	sor.u32 s1, s0  }
0xca: {  	s0 =	sadd.s32 $0x8F2B, s0  }
0xcb: {  	[sflag:s0] =	ssyncadd.remote.s32 $0x1  }
0xcc: {  	_ =	sfence.sel $0xFFFF  }
0xcd: {  	[dreg:$0x0] =	wrdreg $0xFFFFFFFF;
	(pc) =	sbr.abs _section_cstart, $3  }
0xce: {  	[dreg:$0x1] =	wrdreg $0xFFFFFFFF  }
0xcf: {  	_ =	task.clear_ibuf [dreg:s22], $0x2FFFF;
	_ =	strace $0x9FFFFFFF  }
0xd0: {  	(tm) =	ssettm $0x7FFFFFFF  }
0xd1: {  	_ =	shalt  }
tec
execute0_lowered:
.L_overlay_start_1:
0x0: {  	(tag) =	ssettag $0x1  }
0x1: {  	s1 =	srdreg.scid;
	s0 =	stileid.u32  }
0x2: {  	s4 =	rddreg [dreg:$0x0];
	s2 =	simm.s32 $0x0;
	s12 =	simm.s32 $0x5400  }
0x3: {  	s13 =	simm.s32 $0x100;
	s14 =	simm.s32 $0x9400;
	s15 =	simm.s32 $0x180  }
0x4: {  	s16 =	simm.s32 $0xD400;
	s17 =	simm.s32 $0x200;
	s18 =	simm.s32 $0x11400  }
0x5: {  	s19 =	simm.s32 $0x1;
	s20 =	simm.s32 $0x2;
	s21 =	simm.s32 $0x0  }
0x6: {  	s5 =	sand.u32 $0x1, s1;
	s3 =	sshll.u32 s0, $0x1;
	s1 =	rddreg [dreg:$0x1]  }
0x7: {  	[smem:$0x7FF] =	sst s2;
	s9 =	smul.u32 $0x28000, s0;
	s10 =	sadd.s32 $0xA5AE00, s4  }
0x8: {  	s6 =	sor.u32 s5, s3;
	_ =	strace $0x8000004A;
	s11 =	smul.u32 $0x14000, s5  }
0x9: {  	s3 =	sadd.s32 $0x6E00, s4;
	s8 =	ssub.s32 $0x2, s5;
	s7 =	smul.u32 $0x1400, s6  }
0xa: {  	s6 =	smul.u32 $0x14000, s6;
	s28 =	sshrl.u32 s8, $0x1;
	s30 =	sadd.s32 s9, s10  }
0xb: {  	s9 =	simm.s32 $0x3;
	s29 =	ssub.s32 s8, s28;
	s31 =	sadd.s32 s11, s30  }
0xc: {  	s11 =	simm.s32 $0x1400;
	s7 =	sshrl.u32 s7, $0x3;
	s5 =	smax.u32 s29, $0x1  }
0xd: {  	s6 =	sadd.s32 s10, s6;
	s8 =	sadd.s32 $0x3800, s31;
	s7 =	sadd.s32 s7, s4  }
0xe: {  	s10 =	simm.s32 $0x80;
	s4 =	sadd.s32 $0xA46E00, s7;
	s7 =	sadd.s32 $0x1000, s6  }
.LBB2_1:
0xf: {  	[tilespmem:s2], [sflag:$0x3] =	stream.linear.gather [hbm4b:s4+s2], $0x1400, $0x38;
	[tilespmem:$0x15400] =	vst v63  }
0x10: {  	_ =	swait.ge [sflag:s9], $0x1400  }
0x11: {  	[sflag:s9] =	ssyncset.done $0x0  }
0x12: {  	[sflag:s9] =	ssyncadd.s32 $0xFFFFEC00  }
0x13: {  	[tilespmem:s11], [sflag:$0x1] =	stream.indirect.gather [hbm4b:s3+s10], $0x80, s2, s10, $0xb8;
	[tilespmem:$0x15400] =	vst v63  }
0x14: {  	_ = 	snop  }
0x15: {  	[tilespmem:s12], [sflag:$0x1] =	stream.indirect.gather [hbm4b:s3+s10], $0x80, s10, s10, $0xb8;
	[tilespmem:$0x15400] =	vst v63  }
0x16: {  	_ = 	snop  }
0x17: {  	[tilespmem:s14], [sflag:$0x1] =	stream.indirect.gather [hbm4b:s3+s10], $0x80, s13, s10, $0xb8;
	[tilespmem:$0x15400] =	vst v63  }
0x18: {  	_ = 	snop  }
0x19: {  	[tilespmem:s16], [sflag:$0x1] =	stream.indirect.gather [hbm4b:s3+s10], $0x80, s15, s10, $0xb8;
	[tilespmem:$0x15400] =	vst v63  }
0x1a: {  	_ = 	snop  }
0x1b: {  	[tilespmem:s18], [sflag:$0x1] =	stream.indirect.gather [hbm4b:s3+s10], $0x80, s17, s10, $0xb8;
	[tilespmem:$0x15400] =	vst v63  }
0x1c: {  	_ =	swait.ge [sflag:s19], $0x4000  }
0x1d: {  	[sflag:s19] =	ssyncset.done $0x0  }
0x1e: {  	[sflag:s19] =	ssyncadd.s32 $0xFFFFC000  }
0x1f: {  	_ =	swait.ge [sflag:s19], $0x4000  }
0x20: {  	[sflag:s19] =	ssyncset.done $0x0  }
0x21: {  	[sflag:s19] =	ssyncadd.s32 $0xFFFFC000  }
0x22: {  	[hbm4b:s6+s2] =	stream.linear.scatter [tilespmem:s11], [sflag:$0x2], $0x8000, $0x38;
	[tilespmem:$0x15400] =	vst v63  }
0x23: {  	_ =	swait.ge [sflag:s19], $0x4000  }
0x24: {  	[sflag:s19] =	ssyncset.done $0x0  }
0x25: {  	[sflag:s19] =	ssyncadd.s32 $0xFFFFC000  }
0x26: {  	_ =	swait.ge [sflag:s19], $0x4000  }
0x27: {  	[sflag:s19] =	ssyncset.done $0x0  }
0x28: {  	[sflag:s19] =	ssyncadd.s32 $0xFFFFC000  }
0x29: {  	_ =	swait.ge [sflag:s19], $0x4000  }
0x2a: {  	[sflag:s19] =	ssyncset.done $0x0  }
0x2b: {  	[sflag:s19] =	ssyncadd.s32 $0xFFFFC000  }
0x2c: {  	[hbm4b:s7+s2] =	stream.linear.scatter [tilespmem:s14], [sflag:$0x2], $0xC000, $0x38;
	[tilespmem:$0x15400] =	vst v63  }
0x2d: {  	_ =	swait.ge [sflag:s20], $0x8000  }
0x2e: {  	[sflag:s20] =	ssyncset.done $0x0  }
0x2f: {  	[sflag:s20] =	ssyncadd.s32 $0xFFFF8000  }
0x30: {  	_ =	swait.ge [sflag:s20], $0xC000  }
0x31: {  	[sflag:s20] =	ssyncset.done $0x0  }
0x32: {  	s22 =	simm.s32 $0x280;
	[sflag:s20] =	ssyncadd.s32 $0xFFFF4000  }
0x33: {  	[tilespmem:s11], [sflag:$0x1] =	stream.indirect.gather [hbm4b:s3+s10], $0x80, s22, s10, $0xb8;
	[tilespmem:$0x15400] =	vst v63  }
0x34: {  	s26 =	simm.s32 $0x300  }
0x35: {  	[tilespmem:s12], [sflag:$0x1] =	stream.indirect.gather [hbm4b:s3+s10], $0x80, s26, s10, $0xb8;
	[tilespmem:$0x15400] =	vst v63  }
0x36: {  	s28 =	simm.s32 $0x380  }
0x37: {  	[tilespmem:s14], [sflag:$0x1] =	stream.indirect.gather [hbm4b:s3+s10], $0x80, s28, s10, $0xb8;
	[tilespmem:$0x15400] =	vst v63  }
0x38: {  	s29 =	simm.s32 $0x400  }
0x39: {  	[tilespmem:s16], [sflag:$0x1] =	stream.indirect.gather [hbm4b:s3+s10], $0x80, s29, s10, $0xb8;
	[tilespmem:$0x15400] =	vst v63  }
0x3a: {  	s30 =	simm.s32 $0x480  }
0x3b: {  	[tilespmem:s18], [sflag:$0x1] =	stream.indirect.gather [hbm4b:s3+s10], $0x80, s30, s10, $0xb8;
	[tilespmem:$0x15400] =	vst v63  }
0x3c: {  	_ =	swait.ge [sflag:s19], $0x4000  }
0x3d: {  	[sflag:s19] =	ssyncset.done $0x0  }
0x3e: {  	[sflag:s19] =	ssyncadd.s32 $0xFFFFC000  }
0x3f: {  	_ =	swait.ge [sflag:s19], $0x4000  }
0x40: {  	[sflag:s19] =	ssyncset.done $0x0  }
0x41: {  	s31 =	sadd.s32 $0xFFFFF000, s8;
	[sflag:s19] =	ssyncadd.s32 $0xFFFFC000  }
0x42: {  	[hbm4b:s31+s2] =	stream.linear.scatter [tilespmem:s11], [sflag:$0x2], $0x8000, $0x38;
	[tilespmem:$0x15400] =	vst v63  }
0x43: {  	_ =	swait.ge [sflag:s19], $0x4000  }
0x44: {  	[sflag:s19] =	ssyncset.done $0x0  }
0x45: {  	[sflag:s19] =	ssyncadd.s32 $0xFFFFC000  }
0x46: {  	_ =	swait.ge [sflag:s19], $0x4000  }
0x47: {  	[sflag:s19] =	ssyncset.done $0x0  }
0x48: {  	[sflag:s19] =	ssyncadd.s32 $0xFFFFC000  }
0x49: {  	_ =	swait.ge [sflag:s19], $0x4000  }
0x4a: {  	s23 =	sadd.s32 $0x2800, s8;
	[sflag:s19] =	ssyncset.done $0x0  }
0x4b: {  	s24 =	smov.u32 s8;
	s22 =	simm.s32 $0xA00;
	[sflag:s19] =	ssyncadd.s32 $0xFFFFC000  }
.LBB2_2:
0x4c: {  	[hbm4b:s24+s2] =	stream.linear.scatter [tilespmem:s14], [sflag:$0x2], $0xC000, $0x38;
	[tilespmem:$0x15400] =	vst v63  }
0x4d: {  	s25 =	smov.u32 s22;
	s24 =	smov.u32 s23  }
0x4e: {  	p0 =	sne.s32 s22, $0x3C00;
	s22 =	sadd.s32 $0xA00, s22;
	_ =	swait.ge [sflag:s20], $0x8000  }
0x4f: {  	[sflag:s20] =	ssyncset.done $0x0  }
0x50: {  	[sflag:s20] =	ssyncadd.s32 $0xFFFF8000  }
0x51: {  	_ =	swait.ge [sflag:s20], $0xC000  }
0x52: {  	s25 =	sshra.s32 s25, $0x2;
	[sflag:s20] =	ssyncset.done $0x0  }
0x53: {  	s26 =	sadd.s32 $0x280, s25;
	[sflag:s20] =	ssyncadd.s32 $0xFFFF4000  }
0x54: {  	[tilespmem:s11], [sflag:$0x1] =	stream.indirect.gather [hbm4b:s3+s10], $0x80, s26, s10, $0xb8;
	[tilespmem:$0x15400] =	vst v63  }
0x55: {  	s26 =	sadd.s32 $0x300, s25  }
0x56: {  	[tilespmem:s12], [sflag:$0x1] =	stream.indirect.gather [hbm4b:s3+s10], $0x80, s26, s10, $0xb8;
	[tilespmem:$0x15400] =	vst v63  }
0x57: {  	s26 =	sadd.s32 $0x380, s25  }
0x58: {  	[tilespmem:s14], [sflag:$0x1] =	stream.indirect.gather [hbm4b:s3+s10], $0x80, s26, s10, $0xb8;
	[tilespmem:$0x15400] =	vst v63  }
0x59: {  	s26 =	sadd.s32 $0x400, s25  }
0x5a: {  	[tilespmem:s16], [sflag:$0x1] =	stream.indirect.gather [hbm4b:s3+s10], $0x80, s26, s10, $0xb8;
	[tilespmem:$0x15400] =	vst v63  }
0x5b: {  	s25 =	sadd.s32 $0x480, s25  }
0x5c: {  	[tilespmem:s18], [sflag:$0x1] =	stream.indirect.gather [hbm4b:s3+s10], $0x80, s25, s10, $0xb8;
	[tilespmem:$0x15400] =	vst v63  }
0x5d: {  	_ =	swait.ge [sflag:s19], $0x4000  }
0x5e: {  	[sflag:s19] =	ssyncset.done $0x0  }
0x5f: {  	[sflag:s19] =	ssyncadd.s32 $0xFFFFC000  }
0x60: {  	_ =	swait.ge [sflag:s19], $0x4000  }
0x61: {  	[sflag:s19] =	ssyncset.done $0x0  }
0x62: {  	s25 =	sadd.s32 $0xFFFFF000, s23;
	[sflag:s19] =	ssyncadd.s32 $0xFFFFC000  }
0x63: {  	[hbm4b:s25+s2] =	stream.linear.scatter [tilespmem:s11], [sflag:$0x2], $0x8000, $0x38;
	[tilespmem:$0x15400] =	vst v63  }
0x64: {  	_ =	swait.ge [sflag:s19], $0x4000  }
0x65: {  	[sflag:s19] =	ssyncset.done $0x0  }
0x66: {  	[sflag:s19] =	ssyncadd.s32 $0xFFFFC000  }
0x67: {  	_ =	swait.ge [sflag:s19], $0x4000  }
.Ltmp0:
0x68: {  	[sflag:s19] =	ssyncset.done $0x0;
	(pc) =	sbr.rel @p0 .LBB2_2-.Ltmp0, $4  }
0x69: {  	[sflag:s19] =	ssyncadd.s32 $0xFFFFC000  }
0x6a: {  	_ =	swait.ge [sflag:s19], $0x4000  }
0x6b: {  	[sflag:s19] =	ssyncset.done $0x0  }
0x6c: {  	s23 =	sadd.s32 $0x2800, s23;
	[sflag:s19] =	ssyncadd.s32 $0xFFFFC000  }
0x6d: {  	[hbm4b:s24+s2] =	stream.linear.scatter [tilespmem:s14], [sflag:$0x2], $0xC000, $0x38;
	[tilespmem:$0x15400] =	vst v63  }
0x6e: {  	s21 =	sadd.s32 $0x1, s21  }
0x6f: {  	_ =	swait.ge [sflag:s20], $0x8000;
	p0 =	sne.s32 s21, s5  }
.Ltmp1:
0x70: {  	[sflag:s20] =	ssyncset.done $0x0;
	(pc) =	sbr.rel @p0 .LBB2_1-.Ltmp1, $4  }
0x71: {  	[sflag:s20] =	ssyncadd.s32 $0xFFFF8000  }
0x72: {  	_ =	swait.ge [sflag:s20], $0xC000  }
0x73: {  	[sflag:s20] =	ssyncset.done $0x0  }
0x74: {  	[sflag:s20] =	ssyncadd.s32 $0xFFFF4000  }
0x75: {  	_ =	sfence.sel $0x180000  }
0x76: {  	[bflag:$0x0] =	sbarrier.arrive $0xFFFF  }
0x77: {  	p0 =	sne.s32 s0, $0x0;
	_ =	strace $0x9000004A  }
0x78: {  	s0 =	sadd.s32 @!p0 $0x100000, s1;
	[bflag:$0x2] =	sbarrier.arrive $0xFFFF  }
0x79: {  	[sflag:s0] =	ssyncadd.tile.s32 @!p0 $0x1;
	_ =	shalt  }
.Lfunc_end2:
_tile_overlayer_lowered:
.L_overlay_start_2:
0x7a: {  	(tag) =	ssettag $0x2  }
0x7b: {  	s0 =	rddreg [dreg:$0x0];
	s2 =	stileid.u32  }
0x7c: {  	s1 =	rddreg [dreg:$0x1];
	p0 =	sne.s32 s2, $0x0  }
0x7d: {  	s3 =	rddreg [dreg:$0x2];
	[bflag:$0x3] =	sbarrier.arrive $0xFFFF;
	s2 =	simm.s32 @!p0 $0x1C03  }
0x7e: {  	[timem:s3], [sflag:s2] =	dma.local @!p0 [hbm:s0], s1  }
0x7f: {  	s0 =	simm.s32 @!p0 $0x3  }
0x80: {  	_ =	swait.ge @!p0 [sflag:s0], s1  }
0x81: {  	s1 =	ssub.s32 @!p0 $0x0, s1;
	[sflag:s0] =	ssyncset.done @!p0 $0x0  }
0x82: {  	[sflag:s0] =	ssyncadd.s32 @!p0 s1  }
0x83: {  	[bflag:$0x3] =	sbarrier.arrive $0xFFFF  }
0x84: {  	_ =	shalt  }

// kernel: kernel.19.cloned.1.call-start
scs
__scs_entry_jumppad:
0x0: {  	(pc) =	sbr.rel $0x88, $3  }
0x1: {  	(tag) =	ssettag $0x0;
	lr =	simm.s32 $0x1  }
0x2: {  	[smem:$0x3F9D] =	sst lr;
	_ =	strace $0xD0000000  }
0x3: {  	_ = 	snop  }
0x4: {  	_ = 	snop  }
0x5: {  	_ = 	snop  }
0x6: {  	_ = 	snop  }
0x7: {  	_ = 	snop  }
__scs_overlays_trampoline_lowered:
0x8: {  	[smem:$0x3FAC] =	sst s0  }
0x9: {  	[smem:$0x3FAD] =	sst s1  }
0xa: {  	[smem:$0x3FAE] =	sst s2  }
0xb: {  	[smem:$0x3FAF] =	sst s3  }
0xc: {  	[smem:$0x3FB0] =	sst s4  }
0xd: {  	[smem:$0x3FB1] =	sst s5  }
0xe: {  	[smem:$0x3FB2] =	sst s6  }
0xf: {  	[smem:$0x3FB3] =	sst s7  }
0x10: {  	[smem:$0x3FB4] =	sst s8  }
0x11: {  	[smem:$0x3FB5] =	sst s9;
	s0 =	simm.s32 @!p0 $0x0  }
0x12: {  	s1 =	sld [smem:$0x3F9B];
	s0 =	simm.s32 @p0 $0x1  }
0x13: {  	[smem:$0x3FB6] =	sst s0;
	s0 =	simm.s32 @!p1 $0x0  }
0x14: {  	s2 =	sld [smem:$0x3F9A];
	s0 =	simm.s32 @p1 $0x1  }
0x15: {  	[smem:$0x3FB7] =	sst s0;
	s0 =	simm.s32 @!p2 $0x0  }
0x16: {  	s3 =	sld [smem:$0x3FDB];
	s0 =	simm.s32 @p2 $0x1  }
0x17: {  	s4 =	simm.s32 $0x1BF5;
	[smem:$0x3FB9] =	sst s0  }
0x18: {  	s0 =	sld [smem:$0x3F9C];
	_ =	swait.ge [sflag:s4], $0x0  }
0x19: {  	s7 =	sld [smem:$0x3F9D]  }
0x1a: {  	s8 =	sadd.s32 $0xFFFFE003, lr  }
0x1b: {  	s9 =	sadd.s32 $0xFFFFFEF7, lr;
	s5 =	simm.s32 $0xFFFFFFFF;
	p2 =	slt.u32 s8, $0xFFFFF086  }
0x1c: {  	p1 =	slt.u32 s9, $0xF7A;
	s5 =	simm.s32 @!p2 $0x0  }
0x1d: {  	s5 =	simm.s32 @p1 $0x1;
	p0 =	seq.s32 s7, s2  }
0x1e: {  	s7 =	smul.u32 @!p0 $0xF7A, s2;
	p2 =	seq.s32 @!p0 s5, $0x0  }
0x1f: {  	s9 =	smul.u32 $0xF7A, s1;
	s8 =	simm.s32 @!p0 $0x1BF5;
	p2 =	por !p2, p0  }
0x20: {  	[sflag:s8] =	ssyncset.s32 @!p0 $0xFFFFF086;
	s6 =	sadd.s32 @!p0 s3, s7;
	s7 =	simm.s32 @!p0 $0x108  }
0x21: {  	s3 =	sadd.s32 s3, s9;
	s6 =	sadd.s32 @!p0 $0x88, s6;
	s7 =	simm.s32 @p2 $0x1082  }
0x22: {  	[simem:s7], [sflag:s8] =	dma.local @!p0 [hbm:s6], $0xF7A  }
0x23: {  	s9 =	sor.u32 $0xD0000000, s2;
	s6 =	simm.s32 $0x108;
	_ =	swait.ge @!p0 [sflag:s8], $0x0  }
0x24: {  	s3 =	sadd.s32 $0x88, s3;
	s6 =	simm.s32 @!p1 $0x1082;
	[sflag:s4] =	ssyncset.s32 $0xFFFFF086  }
0x25: {  	[simem:s6], [sflag:s4] =	dma.local [hbm:s3], $0xF7A  }
0x26: {  	[smem:$0x3F9D] =	sst s1;
	(tag) =	ssettag s2;
	_ =	strace s9  }
0x27: {  	s1 =	sld [smem:$0x3FAD]  }
0x28: {  	s2 =	sld [smem:$0x3FAE]  }
0x29: {  	s4 =	sld [smem:$0x3FB0]  }
0x2a: {  	p0 =	seq.s32 s5, $0x0;
	s5 =	sld [smem:$0x3FB1]  }
0x2b: {  	s6 =	sld [smem:$0x3FB2]  }
0x2c: {  	s7 =	sld [smem:$0x3FB3]  }
0x2d: {  	s3 =	simm.s32 $0x108;
	s8 =	sld [smem:$0x3FB4]  }
0x2e: {  	s3 =	simm.s32 @!p0 $0x1082;
	s9 =	sld [smem:$0x3FB5]  }
0x2f: {  	lr =	sadd.s32 s0, s3;
	s0 =	sld [smem:$0x3FAC]  }
0x30: {  	s3 =	sld [smem:$0x3FAF]  }
0x31: {  	[smem:$0x3FB8] =	sst s10  }
0x32: {  	s10 =	sld [smem:$0x3FB6];
	_ =	sdelay $0x3  }
0x33: {  	p0 =	seq.s32 s10, $0x1;
	s10 =	sld [smem:$0x3FB8];
	_ =	sdelay $0x3  }
0x34: {  	[smem:$0x3FB8] =	sst s10  }
0x35: {  	s10 =	sld [smem:$0x3FB7];
	_ =	sdelay $0x3  }
0x36: {  	p1 =	seq.s32 s10, $0x1;
	s10 =	sld [smem:$0x3FB8];
	_ =	sdelay $0x3  }
0x37: {  	[smem:$0x3FB8] =	sst s10  }
0x38: {  	s10 =	sld [smem:$0x3FB9]  }
0x39: {  	_ = 	snop;
	(pc) =	sbr.ind lr, $3  }
0x3a: {  	_ = 	snop  }
0x3b: {  	_ = 	snop  }
0x3c: {  	p2 =	seq.s32 s10, $0x1;
	s10 =	sld [smem:$0x3FB8]  }
0x3d: {  	_ =	shalt  }
0x3e: {  	_ =	shalt  }
0x3f: {  	_ =	shalt  }
0x40: {  	_ =	shalt  }
0x41: {  	_ =	shalt  }
0x42: {  	_ =	shalt  }
0x43: {  	_ =	shalt  }
0x44: {  	_ =	shalt  }
0x45: {  	_ =	shalt  }
0x46: {  	_ =	shalt  }
0x47: {  	_ =	shalt  }
0x48: {  	_ =	shalt  }
0x49: {  	_ =	shalt  }
0x4a: {  	_ =	shalt  }
0x4b: {  	_ =	shalt  }
0x4c: {  	_ =	shalt  }
0x4d: {  	_ =	shalt  }
0x4e: {  	_ =	shalt  }
0x4f: {  	_ =	shalt  }
0x50: {  	_ =	shalt  }
0x51: {  	_ =	shalt  }
0x52: {  	_ =	shalt  }
0x53: {  	_ =	shalt  }
0x54: {  	_ =	shalt  }
0x55: {  	_ =	shalt  }
0x56: {  	_ =	shalt  }
0x57: {  	_ =	shalt  }
0x58: {  	_ =	shalt  }
0x59: {  	_ =	shalt  }
0x5a: {  	_ =	shalt  }
0x5b: {  	_ =	shalt  }
0x5c: {  	_ =	shalt  }
0x5d: {  	_ =	shalt  }
0x5e: {  	_ =	shalt  }
0x5f: {  	_ =	shalt  }
0x60: {  	_ =	shalt  }
0x61: {  	_ =	shalt  }
0x62: {  	_ =	shalt  }
0x63: {  	_ =	shalt  }
0x64: {  	_ =	shalt  }
0x65: {  	_ =	shalt  }
0x66: {  	_ =	shalt  }
0x67: {  	_ =	shalt  }
0x68: {  	_ =	shalt  }
0x69: {  	_ =	shalt  }
0x6a: {  	_ =	shalt  }
0x6b: {  	_ =	shalt  }
0x6c: {  	_ =	shalt  }
0x6d: {  	_ =	shalt  }
0x6e: {  	_ =	shalt  }
0x6f: {  	_ =	shalt  }
0x70: {  	_ =	shalt  }
0x71: {  	_ =	shalt  }
0x72: {  	_ =	shalt  }
0x73: {  	_ =	shalt  }
0x74: {  	_ =	shalt  }
0x75: {  	_ =	shalt  }
0x76: {  	_ =	shalt  }
0x77: {  	_ =	shalt  }
0x78: {  	_ =	shalt  }
0x79: {  	_ =	shalt  }
0x7a: {  	_ =	shalt  }
0x7b: {  	_ =	shalt  }
0x7c: {  	_ =	shalt  }
0x7d: {  	_ =	shalt  }
0x7e: {  	_ =	shalt  }
0x7f: {  	_ =	shalt  }
0x80: {  	_ =	shalt  }
0x81: {  	_ =	shalt  }
0x82: {  	_ =	shalt  }
0x83: {  	_ =	shalt  }
0x84: {  	_ =	shalt  }
0x85: {  	_ =	shalt  }
0x86: {  	_ =	shalt  }
0x87: {  	_ =	shalt  }
.Lfunc_end0:
.L_simem_size_0:
called_computation.2_lowered:
.L_overlay_start_0:
0x88: {  	s2 =	sld [smem:$0x3FD9]  }
0x89: {  	s3 =	sld [smem:$0x3FFE];
	_ =	sdelay $0x1  }
0x8a: {  	s1 =	srdreg.scid  }
0x8b: {  	s0 =	sand.u32 $0x1, s1  }
0x8c: {  	s17 =	sshll.u32 s0, $0xA;
	s2 =	sadd.s32 s3, s2  }
0x8d: {  	s2 =	sadd.s32 s2, s17  }
0x8e: {  	[smem:$0x3FC4] =	sst s2  }
0x8f: {  	_ = 	snop  }
0x90: {  	(tm) =	ssettm $0x1  }
0x91: {  	s18 =	sld [smem:$0x3FFB];
	_ =	sdelay $0x3  }
0x92: {  	_ =	strace s18  }
0x93: {  	s2 =	sld [smem:$0x3FFC];
	_ =	sdelay $0x3  }
0x94: {  	_ =	strace s2  }
0x95: {  	s2 =	sld [smem:$0x3FFD];
	_ =	sdelay $0x3  }
0x96: {  	_ =	strace s2  }
0x97: {  	_ =	strace $0x8FFFFFFF  }
0x98: {  	s19 =	sld [smem:$0x3FDB];
	_ =	sdelay $0x1  }
0x99: {  	s20 =	simm.s32 $_scs_section_size  }
0x9a: {  	s4 =	simm.s32 $_size__tile_overlayer_lowered;
	s5 =	simm.s32 $_tile_overlayer_lowered  }
0x9b: {  	s6 =	simm.s32 $0x1BFF;
	s21 =	sshll.u32 s5, $0x1;
	s3 =	sadd.s32 s20, s19  }
0x9c: {  	s22 =	simm.s32 $0x0;
	s4 =	sshll.u32 s4, $0x1;
	s5 =	sadd.s32 s21, s3  }
0x9d: {  	[timem:s22], [sflag:s6] =	dma.local [hbm:s5], s4  }
0x9e: {  	_ =	swait.ge [sflag:s6], s4  }
0x9f: {  	s4 =	ssub.s32 $0x0, s4;
	[sflag:s6] =	ssyncset.done $0x0  }
0xa0: {  	[sflag:s6] =	ssyncadd.s32 s4;
	_ =	sdelay $0x1  }
0xa1: {  	s23 =	simm.s32 $0x1B8B  }
0xa2: {  	_ =	swait.ge [sflag:s23], $0x1  }
0xa3: {  	[sflag:s23] =	ssyncset.done $0x0  }
0xa4: {  	[sflag:s23] =	ssyncadd.s32 $0xFFFFFFFF  }
0xa5: {  	s4 =	sld [smem:$0x0]  }
0xa6: {  	s5 =	sand.u32 $0xFFFFFFFE, s1  }
0xa7: {  	p0 =	sne.s32 s1, s5  }
0xa8: {  	s5 =	sshll.u32 @p0 s5, $0xE  }
0xa9: {  	s5 =	sadd.s32 @p0 $0x11B8D, s5;
	s6 =	sshll.u32 @p0 s4, $0x11  }
0xaa: {  	s5 =	sor.u32 @p0 s6, s5  }
0xab: {  	[sflag:s5] =	ssyncadd.remote.s32 @p0 $0x1;
	_ =	sdelay $0x1  }
0xac: {  	s5 =	simm.s32 @p0 $0x1B8D  }
0xad: {  	_ =	swait.eq @p0 [sflag:s5], $0x1  }
0xae: {  	[sflag:s5] =	ssyncadd.s32 @p0 $0xFFFFFFFF  }
0xaf: {  	s6 =	sshll.u32 @!p0 s1, $0xE  }
0xb0: {  	s6 =	sor.u32 @!p0 $0x4000, s6;
	s5 =	simm.s32 @!p0 $0x1B8D  }
0xb1: {  	s4 =	sshll.u32 @!p0 s4, $0x11;
	s6 =	sadd.s32 @!p0 $0x11B8D, s6;
	_ =	swait.eq @!p0 [sflag:s5], $0x1  }
0xb2: {  	s4 =	sor.u32 @!p0 s4, s6;
	[sflag:s5] =	ssyncadd.s32 @!p0 $0xFFFFFFFF  }
0xb3: {  	s25 =	simm.s32 $0x1B8E;
	s24 =	sld [smem:$0x3FFE];
	[sflag:s4] =	ssyncadd.remote.s32 @!p0 $0x1  }
0xb4: {  	s26 =	simm.s32 $execute0_lowered;
	[smem:$0x3FD2] =	sst s25  }
0xb5: {  	s5 =	sshll.u32 s26, $0x1;
	_ =	strace $0x8000004C;
	[dreg:$0x1] =	wrdreg $0xFFFFFFFF  }
0xb6: {  	s28 =	simm.s32 $_size_execute0_lowered;
	s3 =	sadd.s32 s3, s5;
	[dreg:$0x0] =	wrdreg $0x0  }
0xb7: {  	s5 =	sshll.u32 s28, $0x1;
	[dreg:$0x2] =	wrdreg s3  }
0xb8: {  	[dreg:$0x3] =	wrdreg s5  }
0xb9: {  	[dreg:$0x4] =	wrdreg $0xC0  }
0xba: {  	_ =	task [dreg:s22], $0x5FFFF  }
0xbb: {  	[dreg:$0x1] =	wrdreg $0xFFFFFFFF  }
0xbc: {  	[dreg:$0x0] =	wrdreg $0x60  }
0xbd: {  	[dreg:$0x2] =	wrdreg s24  }
0xbe: {  	[dreg:$0x3] =	wrdreg $0xB  }
0xbf: {  	_ =	task.clear_ibuf [dreg:s22], $0x4FFFF;
	_ =	strace $0x9000004C  }
0xc0: {  	s29 =	simm.s32 $0xB;
	_ =	strace $0x8000004E  }
0xc1: {  	_ =	swait.ge [sflag:s29], $0x1  }
0xc2: {  	[sflag:s29] =	ssyncadd.s32 $0xFFFFFFFF  }
0xc3: {  	_ =	strace $0x9000004E  }
0xc4: {  	_ =	sfence  }
0xc5: {  	s30 =	sld [smem:$0x0];
	_ =	sdelay $0x2  }
0xc6: {  	s31 =	sshll.u32 s1, $0xD;
	s1 =	sshrl.u32 s1, $0x2  }
0xc7: {  	s4 =	sand.u32 $0x4000, s31;
	s1 =	sadd.s32 s1, s30  }
0xc8: {  	s0 =	sor.u32 s4, s0;
	s1 =	sshll.u32 s1, $0x11  }
0xc9: {  	s0 =	sor.u32 s1, s0  }
0xca: {  	s0 =	sadd.s32 $0x8F2B, s0  }
0xcb: {  	[sflag:s0] =	ssyncadd.remote.s32 $0x1  }
0xcc: {  	_ =	sfence.sel $0xFFFF  }
0xcd: {  	[dreg:$0x0] =	wrdreg $0xFFFFFFFF;
	(pc) =	sbr.abs _section_cstart, $3  }
0xce: {  	[dreg:$0x1] =	wrdreg $0xFFFFFFFF  }
0xcf: {  	_ =	task.clear_ibuf [dreg:s22], $0x2FFFF;
	_ =	strace $0x9FFFFFFF  }
0xd0: {  	(tm) =	ssettm $0x7FFFFFFF  }
0xd1: {  	_ =	shalt  }
tec
execute0_lowered:
.L_overlay_start_1:
0x0: {  	(tag) =	ssettag $0x1  }
0x1: {  	s1 =	srdreg.scid;
	s0 =	stileid.u32  }
0x2: {  	s4 =	rddreg [dreg:$0x0];
	s2 =	simm.s32 $0x0;
	s12 =	simm.s32 $0x5400  }
0x3: {  	s13 =	simm.s32 $0x100;
	s14 =	simm.s32 $0x9400;
	s15 =	simm.s32 $0x180  }
0x4: {  	s16 =	simm.s32 $0xD400;
	s17 =	simm.s32 $0x200;
	s18 =	simm.s32 $0x11400  }
0x5: {  	s19 =	simm.s32 $0x1;
	s20 =	simm.s32 $0x2;
	s21 =	simm.s32 $0x0  }
0x6: {  	s5 =	sand.u32 $0x1, s1;
	s3 =	sshll.u32 s0, $0x1;
	s1 =	rddreg [dreg:$0x1]  }
0x7: {  	[smem:$0x7FF] =	sst s2;
	s9 =	smul.u32 $0x28000, s0;
	s10 =	sadd.s32 $0xCDAE00, s4  }
0x8: {  	s6 =	sor.u32 s5, s3;
	_ =	strace $0x8000004D;
	s11 =	smul.u32 $0x14000, s5  }
0x9: {  	s3 =	sadd.s32 $0x6E00, s4;
	s8 =	ssub.s32 $0x2, s5;
	s7 =	smul.u32 $0x1400, s6  }
0xa: {  	s6 =	smul.u32 $0x14000, s6;
	s28 =	sshrl.u32 s8, $0x1;
	s30 =	sadd.s32 s9, s10  }
0xb: {  	s9 =	simm.s32 $0x3;
	s29 =	ssub.s32 s8, s28;
	s31 =	sadd.s32 s11, s30  }
0xc: {  	s11 =	simm.s32 $0x1400;
	s7 =	sshrl.u32 s7, $0x3;
	s5 =	smax.u32 s29, $0x1  }
0xd: {  	s6 =	sadd.s32 s10, s6;
	s8 =	sadd.s32 $0x3800, s31;
	s7 =	sadd.s32 s7, s4  }
0xe: {  	s10 =	simm.s32 $0x80;
	s4 =	sadd.s32 $0xA4BE00, s7;
	s7 =	sadd.s32 $0x1000, s6  }
.LBB2_1:
0xf: {  	[tilespmem:s2], [sflag:$0x3] =	stream.linear.gather [hbm4b:s4+s2], $0x1400, $0x38;
	[tilespmem:$0x15400] =	vst v63  }
0x10: {  	_ =	swait.ge [sflag:s9], $0x1400  }
0x11: {  	[sflag:s9] =	ssyncset.done $0x0  }
0x12: {  	[sflag:s9] =	ssyncadd.s32 $0xFFFFEC00  }
0x13: {  	[tilespmem:s11], [sflag:$0x1] =	stream.indirect.gather [hbm4b:s3+s10], $0x80, s2, s10, $0xb8;
	[tilespmem:$0x15400] =	vst v63  }
0x14: {  	_ = 	snop  }
0x15: {  	[tilespmem:s12], [sflag:$0x1] =	stream.indirect.gather [hbm4b:s3+s10], $0x80, s10, s10, $0xb8;
	[tilespmem:$0x15400] =	vst v63  }
0x16: {  	_ = 	snop  }
0x17: {  	[tilespmem:s14], [sflag:$0x1] =	stream.indirect.gather [hbm4b:s3+s10], $0x80, s13, s10, $0xb8;
	[tilespmem:$0x15400] =	vst v63  }
0x18: {  	_ = 	snop  }
0x19: {  	[tilespmem:s16], [sflag:$0x1] =	stream.indirect.gather [hbm4b:s3+s10], $0x80, s15, s10, $0xb8;
	[tilespmem:$0x15400] =	vst v63  }
0x1a: {  	_ = 	snop  }
0x1b: {  	[tilespmem:s18], [sflag:$0x1] =	stream.indirect.gather [hbm4b:s3+s10], $0x80, s17, s10, $0xb8;
	[tilespmem:$0x15400] =	vst v63  }
0x1c: {  	_ =	swait.ge [sflag:s19], $0x4000  }
0x1d: {  	[sflag:s19] =	ssyncset.done $0x0  }
0x1e: {  	[sflag:s19] =	ssyncadd.s32 $0xFFFFC000  }
0x1f: {  	_ =	swait.ge [sflag:s19], $0x4000  }
0x20: {  	[sflag:s19] =	ssyncset.done $0x0  }
0x21: {  	[sflag:s19] =	ssyncadd.s32 $0xFFFFC000  }
0x22: {  	[hbm4b:s6+s2] =	stream.linear.scatter [tilespmem:s11], [sflag:$0x2], $0x8000, $0x38;
	[tilespmem:$0x15400] =	vst v63  }
0x23: {  	_ =	swait.ge [sflag:s19], $0x4000  }
0x24: {  	[sflag:s19] =	ssyncset.done $0x0  }
0x25: {  	[sflag:s19] =	ssyncadd.s32 $0xFFFFC000  }
0x26: {  	_ =	swait.ge [sflag:s19], $0x4000  }
0x27: {  	[sflag:s19] =	ssyncset.done $0x0  }
0x28: {  	[sflag:s19] =	ssyncadd.s32 $0xFFFFC000  }
0x29: {  	_ =	swait.ge [sflag:s19], $0x4000  }
0x2a: {  	[sflag:s19] =	ssyncset.done $0x0  }
0x2b: {  	[sflag:s19] =	ssyncadd.s32 $0xFFFFC000  }
0x2c: {  	[hbm4b:s7+s2] =	stream.linear.scatter [tilespmem:s14], [sflag:$0x2], $0xC000, $0x38;
	[tilespmem:$0x15400] =	vst v63  }
0x2d: {  	_ =	swait.ge [sflag:s20], $0x8000  }
0x2e: {  	[sflag:s20] =	ssyncset.done $0x0  }
0x2f: {  	[sflag:s20] =	ssyncadd.s32 $0xFFFF8000  }
0x30: {  	_ =	swait.ge [sflag:s20], $0xC000  }
0x31: {  	[sflag:s20] =	ssyncset.done $0x0  }
0x32: {  	s22 =	simm.s32 $0x280;
	[sflag:s20] =	ssyncadd.s32 $0xFFFF4000  }
0x33: {  	[tilespmem:s11], [sflag:$0x1] =	stream.indirect.gather [hbm4b:s3+s10], $0x80, s22, s10, $0xb8;
	[tilespmem:$0x15400] =	vst v63  }
0x34: {  	s26 =	simm.s32 $0x300  }
0x35: {  	[tilespmem:s12], [sflag:$0x1] =	stream.indirect.gather [hbm4b:s3+s10], $0x80, s26, s10, $0xb8;
	[tilespmem:$0x15400] =	vst v63  }
0x36: {  	s28 =	simm.s32 $0x380  }
0x37: {  	[tilespmem:s14], [sflag:$0x1] =	stream.indirect.gather [hbm4b:s3+s10], $0x80, s28, s10, $0xb8;
	[tilespmem:$0x15400] =	vst v63  }
0x38: {  	s29 =	simm.s32 $0x400  }
0x39: {  	[tilespmem:s16], [sflag:$0x1] =	stream.indirect.gather [hbm4b:s3+s10], $0x80, s29, s10, $0xb8;
	[tilespmem:$0x15400] =	vst v63  }
0x3a: {  	s30 =	simm.s32 $0x480  }
0x3b: {  	[tilespmem:s18], [sflag:$0x1] =	stream.indirect.gather [hbm4b:s3+s10], $0x80, s30, s10, $0xb8;
	[tilespmem:$0x15400] =	vst v63  }
0x3c: {  	_ =	swait.ge [sflag:s19], $0x4000  }
0x3d: {  	[sflag:s19] =	ssyncset.done $0x0  }
0x3e: {  	[sflag:s19] =	ssyncadd.s32 $0xFFFFC000  }
0x3f: {  	_ =	swait.ge [sflag:s19], $0x4000  }
0x40: {  	[sflag:s19] =	ssyncset.done $0x0  }
0x41: {  	s31 =	sadd.s32 $0xFFFFF000, s8;
	[sflag:s19] =	ssyncadd.s32 $0xFFFFC000  }
0x42: {  	[hbm4b:s31+s2] =	stream.linear.scatter [tilespmem:s11], [sflag:$0x2], $0x8000, $0x38;
	[tilespmem:$0x15400] =	vst v63  }
0x43: {  	_ =	swait.ge [sflag:s19], $0x4000  }
0x44: {  	[sflag:s19] =	ssyncset.done $0x0  }
0x45: {  	[sflag:s19] =	ssyncadd.s32 $0xFFFFC000  }
0x46: {  	_ =	swait.ge [sflag:s19], $0x4000  }
0x47: {  	[sflag:s19] =	ssyncset.done $0x0  }
0x48: {  	[sflag:s19] =	ssyncadd.s32 $0xFFFFC000  }
0x49: {  	_ =	swait.ge [sflag:s19], $0x4000  }
0x4a: {  	s23 =	sadd.s32 $0x2800, s8;
	[sflag:s19] =	ssyncset.done $0x0  }
0x4b: {  	s24 =	smov.u32 s8;
	s22 =	simm.s32 $0xA00;
	[sflag:s19] =	ssyncadd.s32 $0xFFFFC000  }
.LBB2_2:
0x4c: {  	[hbm4b:s24+s2] =	stream.linear.scatter [tilespmem:s14], [sflag:$0x2], $0xC000, $0x38;
	[tilespmem:$0x15400] =	vst v63  }
0x4d: {  	s25 =	smov.u32 s22;
	s24 =	smov.u32 s23  }
0x4e: {  	p0 =	sne.s32 s22, $0x3C00;
	s22 =	sadd.s32 $0xA00, s22;
	_ =	swait.ge [sflag:s20], $0x8000  }
0x4f: {  	[sflag:s20] =	ssyncset.done $0x0  }
0x50: {  	[sflag:s20] =	ssyncadd.s32 $0xFFFF8000  }
0x51: {  	_ =	swait.ge [sflag:s20], $0xC000  }
0x52: {  	s25 =	sshra.s32 s25, $0x2;
	[sflag:s20] =	ssyncset.done $0x0  }
0x53: {  	s26 =	sadd.s32 $0x280, s25;
	[sflag:s20] =	ssyncadd.s32 $0xFFFF4000  }
0x54: {  	[tilespmem:s11], [sflag:$0x1] =	stream.indirect.gather [hbm4b:s3+s10], $0x80, s26, s10, $0xb8;
	[tilespmem:$0x15400] =	vst v63  }
0x55: {  	s26 =	sadd.s32 $0x300, s25  }
0x56: {  	[tilespmem:s12], [sflag:$0x1] =	stream.indirect.gather [hbm4b:s3+s10], $0x80, s26, s10, $0xb8;
	[tilespmem:$0x15400] =	vst v63  }
0x57: {  	s26 =	sadd.s32 $0x380, s25  }
0x58: {  	[tilespmem:s14], [sflag:$0x1] =	stream.indirect.gather [hbm4b:s3+s10], $0x80, s26, s10, $0xb8;
	[tilespmem:$0x15400] =	vst v63  }
0x59: {  	s26 =	sadd.s32 $0x400, s25  }
0x5a: {  	[tilespmem:s16], [sflag:$0x1] =	stream.indirect.gather [hbm4b:s3+s10], $0x80, s26, s10, $0xb8;
	[tilespmem:$0x15400] =	vst v63  }
0x5b: {  	s25 =	sadd.s32 $0x480, s25  }
0x5c: {  	[tilespmem:s18], [sflag:$0x1] =	stream.indirect.gather [hbm4b:s3+s10], $0x80, s25, s10, $0xb8;
	[tilespmem:$0x15400] =	vst v63  }
0x5d: {  	_ =	swait.ge [sflag:s19], $0x4000  }
0x5e: {  	[sflag:s19] =	ssyncset.done $0x0  }
0x5f: {  	[sflag:s19] =	ssyncadd.s32 $0xFFFFC000  }
0x60: {  	_ =	swait.ge [sflag:s19], $0x4000  }
0x61: {  	[sflag:s19] =	ssyncset.done $0x0  }
0x62: {  	s25 =	sadd.s32 $0xFFFFF000, s23;
	[sflag:s19] =	ssyncadd.s32 $0xFFFFC000  }
0x63: {  	[hbm4b:s25+s2] =	stream.linear.scatter [tilespmem:s11], [sflag:$0x2], $0x8000, $0x38;
	[tilespmem:$0x15400] =	vst v63  }
0x64: {  	_ =	swait.ge [sflag:s19], $0x4000  }
0x65: {  	[sflag:s19] =	ssyncset.done $0x0  }
0x66: {  	[sflag:s19] =	ssyncadd.s32 $0xFFFFC000  }
0x67: {  	_ =	swait.ge [sflag:s19], $0x4000  }
.Ltmp0:
0x68: {  	[sflag:s19] =	ssyncset.done $0x0;
	(pc) =	sbr.rel @p0 .LBB2_2-.Ltmp0, $4  }
0x69: {  	[sflag:s19] =	ssyncadd.s32 $0xFFFFC000  }
0x6a: {  	_ =	swait.ge [sflag:s19], $0x4000  }
0x6b: {  	[sflag:s19] =	ssyncset.done $0x0  }
0x6c: {  	s23 =	sadd.s32 $0x2800, s23;
	[sflag:s19] =	ssyncadd.s32 $0xFFFFC000  }
0x6d: {  	[hbm4b:s24+s2] =	stream.linear.scatter [tilespmem:s14], [sflag:$0x2], $0xC000, $0x38;
	[tilespmem:$0x15400] =	vst v63  }
0x6e: {  	s21 =	sadd.s32 $0x1, s21  }
0x6f: {  	_ =	swait.ge [sflag:s20], $0x8000;
	p0 =	sne.s32 s21, s5  }
.Ltmp1:
0x70: {  	[sflag:s20] =	ssyncset.done $0x0;
	(pc) =	sbr.rel @p0 .LBB2_1-.Ltmp1, $4  }
0x71: {  	[sflag:s20] =	ssyncadd.s32 $0xFFFF8000  }
0x72: {  	_ =	swait.ge [sflag:s20], $0xC000  }
0x73: {  	[sflag:s20] =	ssyncset.done $0x0  }
0x74: {  	[sflag:s20] =	ssyncadd.s32 $0xFFFF4000  }
0x75: {  	_ =	sfence.sel $0x180000  }
0x76: {  	[bflag:$0x0] =	sbarrier.arrive $0xFFFF  }
0x77: {  	p0 =	sne.s32 s0, $0x0;
	_ =	strace $0x9000004D  }
0x78: {  	s0 =	sadd.s32 @!p0 $0x100000, s1;
	[bflag:$0x2] =	sbarrier.arrive $0xFFFF  }
0x79: {  	[sflag:s0] =	ssyncadd.tile.s32 @!p0 $0x1;
	_ =	shalt  }
.Lfunc_end2:
_tile_overlayer_lowered:
.L_overlay_start_2:
0x7a: {  	(tag) =	ssettag $0x2  }
0x7b: {  	s0 =	rddreg [dreg:$0x0];
	s2 =	stileid.u32  }
0x7c: {  	s1 =	rddreg [dreg:$0x1];
	p0 =	sne.s32 s2, $0x0  }
0x7d: {  	s3 =	rddreg [dreg:$0x2];
	[bflag:$0x3] =	sbarrier.arrive $0xFFFF;
	s2 =	simm.s32 @!p0 $0x1C03  }
0x7e: {  	[timem:s3], [sflag:s2] =	dma.local @!p0 [hbm:s0], s1  }
0x7f: {  	s0 =	simm.s32 @!p0 $0x3  }
0x80: {  	_ =	swait.ge @!p0 [sflag:s0], s1  }
0x81: {  	s1 =	ssub.s32 @!p0 $0x0, s1;
	[sflag:s0] =	ssyncset.done @!p0 $0x0  }
0x82: {  	[sflag:s0] =	ssyncadd.s32 @!p0 s1  }
0x83: {  	[bflag:$0x3] =	sbarrier.arrive $0xFFFF  }
0x84: {  	_ =	shalt  }

// kernel: kernel.22.cloned.1.call-start
scs
__scs_entry_jumppad:
0x0: {  	(pc) =	sbr.rel $0x88, $3  }
0x1: {  	(tag) =	ssettag $0x0;
	lr =	simm.s32 $0x1  }
0x2: {  	[smem:$0x3F9D] =	sst lr;
	_ =	strace $0xD0000000  }
0x3: {  	_ = 	snop  }
0x4: {  	_ = 	snop  }
0x5: {  	_ = 	snop  }
0x6: {  	_ = 	snop  }
0x7: {  	_ = 	snop  }
__scs_overlays_trampoline_lowered:
0x8: {  	[smem:$0x3FAC] =	sst s0  }
0x9: {  	[smem:$0x3FAD] =	sst s1  }
0xa: {  	[smem:$0x3FAE] =	sst s2  }
0xb: {  	[smem:$0x3FAF] =	sst s3  }
0xc: {  	[smem:$0x3FB0] =	sst s4  }
0xd: {  	[smem:$0x3FB1] =	sst s5  }
0xe: {  	[smem:$0x3FB2] =	sst s6  }
0xf: {  	[smem:$0x3FB3] =	sst s7  }
0x10: {  	[smem:$0x3FB4] =	sst s8  }
0x11: {  	[smem:$0x3FB5] =	sst s9;
	s0 =	simm.s32 @!p0 $0x0  }
0x12: {  	s1 =	sld [smem:$0x3F9B];
	s0 =	simm.s32 @p0 $0x1  }
0x13: {  	[smem:$0x3FB6] =	sst s0;
	s0 =	simm.s32 @!p1 $0x0  }
0x14: {  	s2 =	sld [smem:$0x3F9A];
	s0 =	simm.s32 @p1 $0x1  }
0x15: {  	[smem:$0x3FB7] =	sst s0;
	s0 =	simm.s32 @!p2 $0x0  }
0x16: {  	s3 =	sld [smem:$0x3FDB];
	s0 =	simm.s32 @p2 $0x1  }
0x17: {  	s4 =	simm.s32 $0x1BF5;
	[smem:$0x3FB9] =	sst s0  }
0x18: {  	s0 =	sld [smem:$0x3F9C];
	_ =	swait.ge [sflag:s4], $0x0  }
0x19: {  	s7 =	sld [smem:$0x3F9D]  }
0x1a: {  	s8 =	sadd.s32 $0xFFFFE003, lr  }
0x1b: {  	s9 =	sadd.s32 $0xFFFFFEF7, lr;
	s5 =	simm.s32 $0xFFFFFFFF;
	p2 =	slt.u32 s8, $0xFFFFF086  }
0x1c: {  	p1 =	slt.u32 s9, $0xF7A;
	s5 =	simm.s32 @!p2 $0x0  }
0x1d: {  	s5 =	simm.s32 @p1 $0x1;
	p0 =	seq.s32 s7, s2  }
0x1e: {  	s7 =	smul.u32 @!p0 $0xF7A, s2;
	p2 =	seq.s32 @!p0 s5, $0x0  }
0x1f: {  	s9 =	smul.u32 $0xF7A, s1;
	s8 =	simm.s32 @!p0 $0x1BF5;
	p2 =	por !p2, p0  }
0x20: {  	[sflag:s8] =	ssyncset.s32 @!p0 $0xFFFFF086;
	s6 =	sadd.s32 @!p0 s3, s7;
	s7 =	simm.s32 @!p0 $0x108  }
0x21: {  	s3 =	sadd.s32 s3, s9;
	s6 =	sadd.s32 @!p0 $0x88, s6;
	s7 =	simm.s32 @p2 $0x1082  }
0x22: {  	[simem:s7], [sflag:s8] =	dma.local @!p0 [hbm:s6], $0xF7A  }
0x23: {  	s9 =	sor.u32 $0xD0000000, s2;
	s6 =	simm.s32 $0x108;
	_ =	swait.ge @!p0 [sflag:s8], $0x0  }
0x24: {  	s3 =	sadd.s32 $0x88, s3;
	s6 =	simm.s32 @!p1 $0x1082;
	[sflag:s4] =	ssyncset.s32 $0xFFFFF086  }
0x25: {  	[simem:s6], [sflag:s4] =	dma.local [hbm:s3], $0xF7A  }
0x26: {  	[smem:$0x3F9D] =	sst s1;
	(tag) =	ssettag s2;
	_ =	strace s9  }
0x27: {  	s1 =	sld [smem:$0x3FAD]  }
0x28: {  	s2 =	sld [smem:$0x3FAE]  }
0x29: {  	s4 =	sld [smem:$0x3FB0]  }
0x2a: {  	p0 =	seq.s32 s5, $0x0;
	s5 =	sld [smem:$0x3FB1]  }
0x2b: {  	s6 =	sld [smem:$0x3FB2]  }
0x2c: {  	s7 =	sld [smem:$0x3FB3]  }
0x2d: {  	s3 =	simm.s32 $0x108;
	s8 =	sld [smem:$0x3FB4]  }
0x2e: {  	s3 =	simm.s32 @!p0 $0x1082;
	s9 =	sld [smem:$0x3FB5]  }
0x2f: {  	lr =	sadd.s32 s0, s3;
	s0 =	sld [smem:$0x3FAC]  }
0x30: {  	s3 =	sld [smem:$0x3FAF]  }
0x31: {  	[smem:$0x3FB8] =	sst s10  }
0x32: {  	s10 =	sld [smem:$0x3FB6];
	_ =	sdelay $0x3  }
0x33: {  	p0 =	seq.s32 s10, $0x1;
	s10 =	sld [smem:$0x3FB8];
	_ =	sdelay $0x3  }
0x34: {  	[smem:$0x3FB8] =	sst s10  }
0x35: {  	s10 =	sld [smem:$0x3FB7];
	_ =	sdelay $0x3  }
0x36: {  	p1 =	seq.s32 s10, $0x1;
	s10 =	sld [smem:$0x3FB8];
	_ =	sdelay $0x3  }
0x37: {  	[smem:$0x3FB8] =	sst s10  }
0x38: {  	s10 =	sld [smem:$0x3FB9]  }
0x39: {  	_ = 	snop;
	(pc) =	sbr.ind lr, $3  }
0x3a: {  	_ = 	snop  }
0x3b: {  	_ = 	snop  }
0x3c: {  	p2 =	seq.s32 s10, $0x1;
	s10 =	sld [smem:$0x3FB8]  }
0x3d: {  	_ =	shalt  }
0x3e: {  	_ =	shalt  }
0x3f: {  	_ =	shalt  }
0x40: {  	_ =	shalt  }
0x41: {  	_ =	shalt  }
0x42: {  	_ =	shalt  }
0x43: {  	_ =	shalt  }
0x44: {  	_ =	shalt  }
0x45: {  	_ =	shalt  }
0x46: {  	_ =	shalt  }
0x47: {  	_ =	shalt  }
0x48: {  	_ =	shalt  }
0x49: {  	_ =	shalt  }
0x4a: {  	_ =	shalt  }
0x4b: {  	_ =	shalt  }
0x4c: {  	_ =	shalt  }
0x4d: {  	_ =	shalt  }
0x4e: {  	_ =	shalt  }
0x4f: {  	_ =	shalt  }
0x50: {  	_ =	shalt  }
0x51: {  	_ =	shalt  }
0x52: {  	_ =	shalt  }
0x53: {  	_ =	shalt  }
0x54: {  	_ =	shalt  }
0x55: {  	_ =	shalt  }
0x56: {  	_ =	shalt  }
0x57: {  	_ =	shalt  }
0x58: {  	_ =	shalt  }
0x59: {  	_ =	shalt  }
0x5a: {  	_ =	shalt  }
0x5b: {  	_ =	shalt  }
0x5c: {  	_ =	shalt  }
0x5d: {  	_ =	shalt  }
0x5e: {  	_ =	shalt  }
0x5f: {  	_ =	shalt  }
0x60: {  	_ =	shalt  }
0x61: {  	_ =	shalt  }
0x62: {  	_ =	shalt  }
0x63: {  	_ =	shalt  }
0x64: {  	_ =	shalt  }
0x65: {  	_ =	shalt  }
0x66: {  	_ =	shalt  }
0x67: {  	_ =	shalt  }
0x68: {  	_ =	shalt  }
0x69: {  	_ =	shalt  }
0x6a: {  	_ =	shalt  }
0x6b: {  	_ =	shalt  }
0x6c: {  	_ =	shalt  }
0x6d: {  	_ =	shalt  }
0x6e: {  	_ =	shalt  }
0x6f: {  	_ =	shalt  }
0x70: {  	_ =	shalt  }
0x71: {  	_ =	shalt  }
0x72: {  	_ =	shalt  }
0x73: {  	_ =	shalt  }
0x74: {  	_ =	shalt  }
0x75: {  	_ =	shalt  }
0x76: {  	_ =	shalt  }
0x77: {  	_ =	shalt  }
0x78: {  	_ =	shalt  }
0x79: {  	_ =	shalt  }
0x7a: {  	_ =	shalt  }
0x7b: {  	_ =	shalt  }
0x7c: {  	_ =	shalt  }
0x7d: {  	_ =	shalt  }
0x7e: {  	_ =	shalt  }
0x7f: {  	_ =	shalt  }
0x80: {  	_ =	shalt  }
0x81: {  	_ =	shalt  }
0x82: {  	_ =	shalt  }
0x83: {  	_ =	shalt  }
0x84: {  	_ =	shalt  }
0x85: {  	_ =	shalt  }
0x86: {  	_ =	shalt  }
0x87: {  	_ =	shalt  }
.Lfunc_end0:
.L_simem_size_0:
called_computation.3_lowered:
.L_overlay_start_0:
0x88: {  	s2 =	sld [smem:$0x3FD9]  }
0x89: {  	s3 =	sld [smem:$0x3FFE];
	_ =	sdelay $0x1  }
0x8a: {  	s1 =	srdreg.scid  }
0x8b: {  	s0 =	sand.u32 $0x1, s1  }
0x8c: {  	s17 =	sshll.u32 s0, $0xA;
	s2 =	sadd.s32 s3, s2  }
0x8d: {  	s2 =	sadd.s32 s2, s17  }
0x8e: {  	[smem:$0x3FC4] =	sst s2  }
0x8f: {  	_ = 	snop  }
0x90: {  	(tm) =	ssettm $0x1  }
0x91: {  	s18 =	sld [smem:$0x3FFB];
	_ =	sdelay $0x3  }
0x92: {  	_ =	strace s18  }
0x93: {  	s2 =	sld [smem:$0x3FFC];
	_ =	sdelay $0x3  }
0x94: {  	_ =	strace s2  }
0x95: {  	s2 =	sld [smem:$0x3FFD];
	_ =	sdelay $0x3  }
0x96: {  	_ =	strace s2  }
0x97: {  	_ =	strace $0x8FFFFFFF  }
0x98: {  	s19 =	sld [smem:$0x3FDB];
	_ =	sdelay $0x1  }
0x99: {  	s20 =	simm.s32 $_scs_section_size  }
0x9a: {  	s4 =	simm.s32 $_size__tile_overlayer_lowered;
	s5 =	simm.s32 $_tile_overlayer_lowered  }
0x9b: {  	s6 =	simm.s32 $0x1BFF;
	s21 =	sshll.u32 s5, $0x1;
	s3 =	sadd.s32 s20, s19  }
0x9c: {  	s22 =	simm.s32 $0x0;
	s4 =	sshll.u32 s4, $0x1;
	s5 =	sadd.s32 s21, s3  }
0x9d: {  	[timem:s22], [sflag:s6] =	dma.local [hbm:s5], s4  }
0x9e: {  	_ =	swait.ge [sflag:s6], s4  }
0x9f: {  	s4 =	ssub.s32 $0x0, s4;
	[sflag:s6] =	ssyncset.done $0x0  }
0xa0: {  	[sflag:s6] =	ssyncadd.s32 s4;
	_ =	sdelay $0x1  }
0xa1: {  	s23 =	simm.s32 $0x1B8B  }
0xa2: {  	_ =	swait.ge [sflag:s23], $0x1  }
0xa3: {  	[sflag:s23] =	ssyncset.done $0x0  }
0xa4: {  	[sflag:s23] =	ssyncadd.s32 $0xFFFFFFFF  }
0xa5: {  	s4 =	sld [smem:$0x0]  }
0xa6: {  	s5 =	sand.u32 $0xFFFFFFFE, s1  }
0xa7: {  	p0 =	sne.s32 s1, s5  }
0xa8: {  	s5 =	sshll.u32 @p0 s5, $0xE  }
0xa9: {  	s5 =	sadd.s32 @p0 $0x11B8D, s5;
	s6 =	sshll.u32 @p0 s4, $0x11  }
0xaa: {  	s5 =	sor.u32 @p0 s6, s5  }
0xab: {  	[sflag:s5] =	ssyncadd.remote.s32 @p0 $0x1;
	_ =	sdelay $0x1  }
0xac: {  	s5 =	simm.s32 @p0 $0x1B8D  }
0xad: {  	_ =	swait.eq @p0 [sflag:s5], $0x1  }
0xae: {  	[sflag:s5] =	ssyncadd.s32 @p0 $0xFFFFFFFF  }
0xaf: {  	s6 =	sshll.u32 @!p0 s1, $0xE  }
0xb0: {  	s6 =	sor.u32 @!p0 $0x4000, s6;
	s5 =	simm.s32 @!p0 $0x1B8D  }
0xb1: {  	s4 =	sshll.u32 @!p0 s4, $0x11;
	s6 =	sadd.s32 @!p0 $0x11B8D, s6;
	_ =	swait.eq @!p0 [sflag:s5], $0x1  }
0xb2: {  	s4 =	sor.u32 @!p0 s4, s6;
	[sflag:s5] =	ssyncadd.s32 @!p0 $0xFFFFFFFF  }
0xb3: {  	s25 =	simm.s32 $0x1B8E;
	s24 =	sld [smem:$0x3FFE];
	[sflag:s4] =	ssyncadd.remote.s32 @!p0 $0x1  }
0xb4: {  	s26 =	simm.s32 $execute0_lowered;
	[smem:$0x3FD2] =	sst s25  }
0xb5: {  	s5 =	sshll.u32 s26, $0x1;
	_ =	strace $0x8000004F;
	[dreg:$0x1] =	wrdreg $0xFFFFFFFF  }
0xb6: {  	s28 =	simm.s32 $_size_execute0_lowered;
	s3 =	sadd.s32 s3, s5;
	[dreg:$0x0] =	wrdreg $0x0  }
0xb7: {  	s5 =	sshll.u32 s28, $0x1;
	[dreg:$0x2] =	wrdreg s3  }
0xb8: {  	[dreg:$0x3] =	wrdreg s5  }
0xb9: {  	[dreg:$0x4] =	wrdreg $0xC0  }
0xba: {  	_ =	task [dreg:s22], $0x5FFFF  }
0xbb: {  	[dreg:$0x1] =	wrdreg $0xFFFFFFFF  }
0xbc: {  	[dreg:$0x0] =	wrdreg $0x60  }
0xbd: {  	[dreg:$0x2] =	wrdreg s24  }
0xbe: {  	[dreg:$0x3] =	wrdreg $0xC  }
0xbf: {  	_ =	task.clear_ibuf [dreg:s22], $0x4FFFF;
	_ =	strace $0x9000004F  }
0xc0: {  	s29 =	simm.s32 $0xC;
	_ =	strace $0x80000051  }
0xc1: {  	_ =	swait.ge [sflag:s29], $0x1  }
0xc2: {  	[sflag:s29] =	ssyncadd.s32 $0xFFFFFFFF  }
0xc3: {  	_ =	strace $0x90000051  }
0xc4: {  	_ =	sfence  }
0xc5: {  	s30 =	sld [smem:$0x0];
	_ =	sdelay $0x2  }
0xc6: {  	s31 =	sshll.u32 s1, $0xD;
	s1 =	sshrl.u32 s1, $0x2  }
0xc7: {  	s4 =	sand.u32 $0x4000, s31;
	s1 =	sadd.s32 s1, s30  }
0xc8: {  	s0 =	sor.u32 s4, s0;
	s1 =	sshll.u32 s1, $0x11  }
0xc9: {  	s0 =	sor.u32 s1, s0  }
0xca: {  	s0 =	sadd.s32 $0x8F2B, s0  }
0xcb: {  	[sflag:s0] =	ssyncadd.remote.s32 $0x1  }
0xcc: {  	_ =	sfence.sel $0xFFFF  }
0xcd: {  	[dreg:$0x0] =	wrdreg $0xFFFFFFFF;
	(pc) =	sbr.abs _section_cstart, $3  }
0xce: {  	[dreg:$0x1] =	wrdreg $0xFFFFFFFF  }
0xcf: {  	_ =	task.clear_ibuf [dreg:s22], $0x2FFFF;
	_ =	strace $0x9FFFFFFF  }
0xd0: {  	(tm) =	ssettm $0x7FFFFFFF  }
0xd1: {  	_ =	shalt  }
tec
execute0_lowered:
.L_overlay_start_1:
0x0: {  	(tag) =	ssettag $0x1  }
0x1: {  	s1 =	srdreg.scid;
	s0 =	stileid.u32  }
0x2: {  	s4 =	rddreg [dreg:$0x0];
	s2 =	simm.s32 $0x0;
	s12 =	simm.s32 $0x5400  }
0x3: {  	s13 =	simm.s32 $0x100;
	s14 =	simm.s32 $0x9400;
	s15 =	simm.s32 $0x180  }
0x4: {  	s16 =	simm.s32 $0xD400;
	s17 =	simm.s32 $0x200;
	s18 =	simm.s32 $0x11400  }
0x5: {  	s19 =	simm.s32 $0x1;
	s20 =	simm.s32 $0x2;
	s21 =	simm.s32 $0x0  }
0x6: {  	s5 =	sand.u32 $0x1, s1;
	s3 =	sshll.u32 s0, $0x1;
	s1 =	rddreg [dreg:$0x1]  }
0x7: {  	[smem:$0x7FF] =	sst s2;
	s9 =	smul.u32 $0x28000, s0;
	s10 =	sadd.s32 $0xF5AE00, s4  }
0x8: {  	s6 =	sor.u32 s5, s3;
	_ =	strace $0x80000050;
	s11 =	smul.u32 $0x14000, s5  }
0x9: {  	s3 =	sadd.s32 $0x6E00, s4;
	s8 =	ssub.s32 $0x2, s5;
	s7 =	smul.u32 $0x1400, s6  }
0xa: {  	s6 =	smul.u32 $0x14000, s6;
	s28 =	sshrl.u32 s8, $0x1;
	s30 =	sadd.s32 s9, s10  }
0xb: {  	s9 =	simm.s32 $0x3;
	s29 =	ssub.s32 s8, s28;
	s31 =	sadd.s32 s11, s30  }
0xc: {  	s11 =	simm.s32 $0x1400;
	s7 =	sshrl.u32 s7, $0x3;
	s5 =	smax.u32 s29, $0x1  }
0xd: {  	s6 =	sadd.s32 s10, s6;
	s8 =	sadd.s32 $0x3800, s31;
	s7 =	sadd.s32 s7, s4  }
0xe: {  	s10 =	simm.s32 $0x80;
	s4 =	sadd.s32 $0xA50E00, s7;
	s7 =	sadd.s32 $0x1000, s6  }
.LBB2_1:
0xf: {  	[tilespmem:s2], [sflag:$0x3] =	stream.linear.gather [hbm4b:s4+s2], $0x1400, $0x38;
	[tilespmem:$0x15400] =	vst v63  }
0x10: {  	_ =	swait.ge [sflag:s9], $0x1400  }
0x11: {  	[sflag:s9] =	ssyncset.done $0x0  }
0x12: {  	[sflag:s9] =	ssyncadd.s32 $0xFFFFEC00  }
0x13: {  	[tilespmem:s11], [sflag:$0x1] =	stream.indirect.gather [hbm4b:s3+s10], $0x80, s2, s10, $0xb8;
	[tilespmem:$0x15400] =	vst v63  }
0x14: {  	_ = 	snop  }
0x15: {  	[tilespmem:s12], [sflag:$0x1] =	stream.indirect.gather [hbm4b:s3+s10], $0x80, s10, s10, $0xb8;
	[tilespmem:$0x15400] =	vst v63  }
0x16: {  	_ = 	snop  }
0x17: {  	[tilespmem:s14], [sflag:$0x1] =	stream.indirect.gather [hbm4b:s3+s10], $0x80, s13, s10, $0xb8;
	[tilespmem:$0x15400] =	vst v63  }
0x18: {  	_ = 	snop  }
0x19: {  	[tilespmem:s16], [sflag:$0x1] =	stream.indirect.gather [hbm4b:s3+s10], $0x80, s15, s10, $0xb8;
	[tilespmem:$0x15400] =	vst v63  }
0x1a: {  	_ = 	snop  }
0x1b: {  	[tilespmem:s18], [sflag:$0x1] =	stream.indirect.gather [hbm4b:s3+s10], $0x80, s17, s10, $0xb8;
	[tilespmem:$0x15400] =	vst v63  }
0x1c: {  	_ =	swait.ge [sflag:s19], $0x4000  }
0x1d: {  	[sflag:s19] =	ssyncset.done $0x0  }
0x1e: {  	[sflag:s19] =	ssyncadd.s32 $0xFFFFC000  }
0x1f: {  	_ =	swait.ge [sflag:s19], $0x4000  }
0x20: {  	[sflag:s19] =	ssyncset.done $0x0  }
0x21: {  	[sflag:s19] =	ssyncadd.s32 $0xFFFFC000  }
0x22: {  	[hbm4b:s6+s2] =	stream.linear.scatter [tilespmem:s11], [sflag:$0x2], $0x8000, $0x38;
	[tilespmem:$0x15400] =	vst v63  }
0x23: {  	_ =	swait.ge [sflag:s19], $0x4000  }
0x24: {  	[sflag:s19] =	ssyncset.done $0x0  }
0x25: {  	[sflag:s19] =	ssyncadd.s32 $0xFFFFC000  }
0x26: {  	_ =	swait.ge [sflag:s19], $0x4000  }
0x27: {  	[sflag:s19] =	ssyncset.done $0x0  }
0x28: {  	[sflag:s19] =	ssyncadd.s32 $0xFFFFC000  }
0x29: {  	_ =	swait.ge [sflag:s19], $0x4000  }
0x2a: {  	[sflag:s19] =	ssyncset.done $0x0  }
0x2b: {  	[sflag:s19] =	ssyncadd.s32 $0xFFFFC000  }
0x2c: {  	[hbm4b:s7+s2] =	stream.linear.scatter [tilespmem:s14], [sflag:$0x2], $0xC000, $0x38;
	[tilespmem:$0x15400] =	vst v63  }
0x2d: {  	_ =	swait.ge [sflag:s20], $0x8000  }
0x2e: {  	[sflag:s20] =	ssyncset.done $0x0  }
0x2f: {  	[sflag:s20] =	ssyncadd.s32 $0xFFFF8000  }
0x30: {  	_ =	swait.ge [sflag:s20], $0xC000  }
0x31: {  	[sflag:s20] =	ssyncset.done $0x0  }
0x32: {  	s22 =	simm.s32 $0x280;
	[sflag:s20] =	ssyncadd.s32 $0xFFFF4000  }
0x33: {  	[tilespmem:s11], [sflag:$0x1] =	stream.indirect.gather [hbm4b:s3+s10], $0x80, s22, s10, $0xb8;
	[tilespmem:$0x15400] =	vst v63  }
0x34: {  	s26 =	simm.s32 $0x300  }
0x35: {  	[tilespmem:s12], [sflag:$0x1] =	stream.indirect.gather [hbm4b:s3+s10], $0x80, s26, s10, $0xb8;
	[tilespmem:$0x15400] =	vst v63  }
0x36: {  	s28 =	simm.s32 $0x380  }
0x37: {  	[tilespmem:s14], [sflag:$0x1] =	stream.indirect.gather [hbm4b:s3+s10], $0x80, s28, s10, $0xb8;
	[tilespmem:$0x15400] =	vst v63  }
0x38: {  	s29 =	simm.s32 $0x400  }
0x39: {  	[tilespmem:s16], [sflag:$0x1] =	stream.indirect.gather [hbm4b:s3+s10], $0x80, s29, s10, $0xb8;
	[tilespmem:$0x15400] =	vst v63  }
0x3a: {  	s30 =	simm.s32 $0x480  }
0x3b: {  	[tilespmem:s18], [sflag:$0x1] =	stream.indirect.gather [hbm4b:s3+s10], $0x80, s30, s10, $0xb8;
	[tilespmem:$0x15400] =	vst v63  }
0x3c: {  	_ =	swait.ge [sflag:s19], $0x4000  }
0x3d: {  	[sflag:s19] =	ssyncset.done $0x0  }
0x3e: {  	[sflag:s19] =	ssyncadd.s32 $0xFFFFC000  }
0x3f: {  	_ =	swait.ge [sflag:s19], $0x4000  }
0x40: {  	[sflag:s19] =	ssyncset.done $0x0  }
0x41: {  	s31 =	sadd.s32 $0xFFFFF000, s8;
	[sflag:s19] =	ssyncadd.s32 $0xFFFFC000  }
0x42: {  	[hbm4b:s31+s2] =	stream.linear.scatter [tilespmem:s11], [sflag:$0x2], $0x8000, $0x38;
	[tilespmem:$0x15400] =	vst v63  }
0x43: {  	_ =	swait.ge [sflag:s19], $0x4000  }
0x44: {  	[sflag:s19] =	ssyncset.done $0x0  }
0x45: {  	[sflag:s19] =	ssyncadd.s32 $0xFFFFC000  }
0x46: {  	_ =	swait.ge [sflag:s19], $0x4000  }
0x47: {  	[sflag:s19] =	ssyncset.done $0x0  }
0x48: {  	[sflag:s19] =	ssyncadd.s32 $0xFFFFC000  }
0x49: {  	_ =	swait.ge [sflag:s19], $0x4000  }
0x4a: {  	s23 =	sadd.s32 $0x2800, s8;
	[sflag:s19] =	ssyncset.done $0x0  }
0x4b: {  	s24 =	smov.u32 s8;
	s22 =	simm.s32 $0xA00;
	[sflag:s19] =	ssyncadd.s32 $0xFFFFC000  }
.LBB2_2:
0x4c: {  	[hbm4b:s24+s2] =	stream.linear.scatter [tilespmem:s14], [sflag:$0x2], $0xC000, $0x38;
	[tilespmem:$0x15400] =	vst v63  }
0x4d: {  	s25 =	smov.u32 s22;
	s24 =	smov.u32 s23  }
0x4e: {  	p0 =	sne.s32 s22, $0x3C00;
	s22 =	sadd.s32 $0xA00, s22;
	_ =	swait.ge [sflag:s20], $0x8000  }
0x4f: {  	[sflag:s20] =	ssyncset.done $0x0  }
0x50: {  	[sflag:s20] =	ssyncadd.s32 $0xFFFF8000  }
0x51: {  	_ =	swait.ge [sflag:s20], $0xC000  }
0x52: {  	s25 =	sshra.s32 s25, $0x2;
	[sflag:s20] =	ssyncset.done $0x0  }
0x53: {  	s26 =	sadd.s32 $0x280, s25;
	[sflag:s20] =	ssyncadd.s32 $0xFFFF4000  }
0x54: {  	[tilespmem:s11], [sflag:$0x1] =	stream.indirect.gather [hbm4b:s3+s10], $0x80, s26, s10, $0xb8;
	[tilespmem:$0x15400] =	vst v63  }
0x55: {  	s26 =	sadd.s32 $0x300, s25  }
0x56: {  	[tilespmem:s12], [sflag:$0x1] =	stream.indirect.gather [hbm4b:s3+s10], $0x80, s26, s10, $0xb8;
	[tilespmem:$0x15400] =	vst v63  }
0x57: {  	s26 =	sadd.s32 $0x380, s25  }
0x58: {  	[tilespmem:s14], [sflag:$0x1] =	stream.indirect.gather [hbm4b:s3+s10], $0x80, s26, s10, $0xb8;
	[tilespmem:$0x15400] =	vst v63  }
0x59: {  	s26 =	sadd.s32 $0x400, s25  }
0x5a: {  	[tilespmem:s16], [sflag:$0x1] =	stream.indirect.gather [hbm4b:s3+s10], $0x80, s26, s10, $0xb8;
	[tilespmem:$0x15400] =	vst v63  }
0x5b: {  	s25 =	sadd.s32 $0x480, s25  }
0x5c: {  	[tilespmem:s18], [sflag:$0x1] =	stream.indirect.gather [hbm4b:s3+s10], $0x80, s25, s10, $0xb8;
	[tilespmem:$0x15400] =	vst v63  }
0x5d: {  	_ =	swait.ge [sflag:s19], $0x4000  }
0x5e: {  	[sflag:s19] =	ssyncset.done $0x0  }
0x5f: {  	[sflag:s19] =	ssyncadd.s32 $0xFFFFC000  }
0x60: {  	_ =	swait.ge [sflag:s19], $0x4000  }
0x61: {  	[sflag:s19] =	ssyncset.done $0x0  }
0x62: {  	s25 =	sadd.s32 $0xFFFFF000, s23;
	[sflag:s19] =	ssyncadd.s32 $0xFFFFC000  }
0x63: {  	[hbm4b:s25+s2] =	stream.linear.scatter [tilespmem:s11], [sflag:$0x2], $0x8000, $0x38;
	[tilespmem:$0x15400] =	vst v63  }
0x64: {  	_ =	swait.ge [sflag:s19], $0x4000  }
0x65: {  	[sflag:s19] =	ssyncset.done $0x0  }
0x66: {  	[sflag:s19] =	ssyncadd.s32 $0xFFFFC000  }
0x67: {  	_ =	swait.ge [sflag:s19], $0x4000  }
.Ltmp0:
0x68: {  	[sflag:s19] =	ssyncset.done $0x0;
	(pc) =	sbr.rel @p0 .LBB2_2-.Ltmp0, $4  }
0x69: {  	[sflag:s19] =	ssyncadd.s32 $0xFFFFC000  }
0x6a: {  	_ =	swait.ge [sflag:s19], $0x4000  }
0x6b: {  	[sflag:s19] =	ssyncset.done $0x0  }
0x6c: {  	s23 =	sadd.s32 $0x2800, s23;
	[sflag:s19] =	ssyncadd.s32 $0xFFFFC000  }
0x6d: {  	[hbm4b:s24+s2] =	stream.linear.scatter [tilespmem:s14], [sflag:$0x2], $0xC000, $0x38;
	[tilespmem:$0x15400] =	vst v63  }
0x6e: {  	s21 =	sadd.s32 $0x1, s21  }
0x6f: {  	_ =	swait.ge [sflag:s20], $0x8000;
	p0 =	sne.s32 s21, s5  }
.Ltmp1:
0x70: {  	[sflag:s20] =	ssyncset.done $0x0;
	(pc) =	sbr.rel @p0 .LBB2_1-.Ltmp1, $4  }
0x71: {  	[sflag:s20] =	ssyncadd.s32 $0xFFFF8000  }
0x72: {  	_ =	swait.ge [sflag:s20], $0xC000  }
0x73: {  	[sflag:s20] =	ssyncset.done $0x0  }
0x74: {  	[sflag:s20] =	ssyncadd.s32 $0xFFFF4000  }
0x75: {  	_ =	sfence.sel $0x180000  }
0x76: {  	[bflag:$0x0] =	sbarrier.arrive $0xFFFF  }
0x77: {  	p0 =	sne.s32 s0, $0x0;
	_ =	strace $0x90000050  }
0x78: {  	s0 =	sadd.s32 @!p0 $0x100000, s1;
	[bflag:$0x2] =	sbarrier.arrive $0xFFFF  }
0x79: {  	[sflag:s0] =	ssyncadd.tile.s32 @!p0 $0x1;
	_ =	shalt  }
.Lfunc_end2:
_tile_overlayer_lowered:
.L_overlay_start_2:
0x7a: {  	(tag) =	ssettag $0x2  }
0x7b: {  	s0 =	rddreg [dreg:$0x0];
	s2 =	stileid.u32  }
0x7c: {  	s1 =	rddreg [dreg:$0x1];
	p0 =	sne.s32 s2, $0x0  }
0x7d: {  	s3 =	rddreg [dreg:$0x2];
	[bflag:$0x3] =	sbarrier.arrive $0xFFFF;
	s2 =	simm.s32 @!p0 $0x1C03  }
0x7e: {  	[timem:s3], [sflag:s2] =	dma.local @!p0 [hbm:s0], s1  }
0x7f: {  	s0 =	simm.s32 @!p0 $0x3  }
0x80: {  	_ =	swait.ge @!p0 [sflag:s0], s1  }
0x81: {  	s1 =	ssub.s32 @!p0 $0x0, s1;
	[sflag:s0] =	ssyncset.done @!p0 $0x0  }
0x82: {  	[sflag:s0] =	ssyncadd.s32 @!p0 s1  }
0x83: {  	[bflag:$0x3] =	sbarrier.arrive $0xFFFF  }
0x84: {  	_ =	shalt  }

// kernel: kernel.25.cloned.1.call-start
scs
__scs_entry_jumppad:
0x0: {  	(pc) =	sbr.rel $0x88, $3  }
0x1: {  	(tag) =	ssettag $0x0;
	lr =	simm.s32 $0x1  }
0x2: {  	[smem:$0x3F9D] =	sst lr;
	_ =	strace $0xD0000000  }
0x3: {  	_ = 	snop  }
0x4: {  	_ = 	snop  }
0x5: {  	_ = 	snop  }
0x6: {  	_ = 	snop  }
0x7: {  	_ = 	snop  }
__scs_overlays_trampoline_lowered:
0x8: {  	[smem:$0x3FAC] =	sst s0  }
0x9: {  	[smem:$0x3FAD] =	sst s1  }
0xa: {  	[smem:$0x3FAE] =	sst s2  }
0xb: {  	[smem:$0x3FAF] =	sst s3  }
0xc: {  	[smem:$0x3FB0] =	sst s4  }
0xd: {  	[smem:$0x3FB1] =	sst s5  }
0xe: {  	[smem:$0x3FB2] =	sst s6  }
0xf: {  	[smem:$0x3FB3] =	sst s7  }
0x10: {  	[smem:$0x3FB4] =	sst s8  }
0x11: {  	[smem:$0x3FB5] =	sst s9;
	s0 =	simm.s32 @!p0 $0x0  }
0x12: {  	s1 =	sld [smem:$0x3F9B];
	s0 =	simm.s32 @p0 $0x1  }
0x13: {  	[smem:$0x3FB6] =	sst s0;
	s0 =	simm.s32 @!p1 $0x0  }
0x14: {  	s2 =	sld [smem:$0x3F9A];
	s0 =	simm.s32 @p1 $0x1  }
0x15: {  	[smem:$0x3FB7] =	sst s0;
	s0 =	simm.s32 @!p2 $0x0  }
0x16: {  	s3 =	sld [smem:$0x3FDB];
	s0 =	simm.s32 @p2 $0x1  }
0x17: {  	s4 =	simm.s32 $0x1BF5;
	[smem:$0x3FB9] =	sst s0  }
0x18: {  	s0 =	sld [smem:$0x3F9C];
	_ =	swait.ge [sflag:s4], $0x0  }
0x19: {  	s7 =	sld [smem:$0x3F9D]  }
0x1a: {  	s8 =	sadd.s32 $0xFFFFE003, lr  }
0x1b: {  	s9 =	sadd.s32 $0xFFFFFEF7, lr;
	s5 =	simm.s32 $0xFFFFFFFF;
	p2 =	slt.u32 s8, $0xFFFFF086  }
0x1c: {  	p1 =	slt.u32 s9, $0xF7A;
	s5 =	simm.s32 @!p2 $0x0  }
0x1d: {  	s5 =	simm.s32 @p1 $0x1;
	p0 =	seq.s32 s7, s2  }
0x1e: {  	s7 =	smul.u32 @!p0 $0xF7A, s2;
	p2 =	seq.s32 @!p0 s5, $0x0  }
0x1f: {  	s9 =	smul.u32 $0xF7A, s1;
	s8 =	simm.s32 @!p0 $0x1BF5;
	p2 =	por !p2, p0  }
0x20: {  	[sflag:s8] =	ssyncset.s32 @!p0 $0xFFFFF086;
	s6 =	sadd.s32 @!p0 s3, s7;
	s7 =	simm.s32 @!p0 $0x108  }
0x21: {  	s3 =	sadd.s32 s3, s9;
	s6 =	sadd.s32 @!p0 $0x88, s6;
	s7 =	simm.s32 @p2 $0x1082  }
0x22: {  	[simem:s7], [sflag:s8] =	dma.local @!p0 [hbm:s6], $0xF7A  }
0x23: {  	s9 =	sor.u32 $0xD0000000, s2;
	s6 =	simm.s32 $0x108;
	_ =	swait.ge @!p0 [sflag:s8], $0x0  }
0x24: {  	s3 =	sadd.s32 $0x88, s3;
	s6 =	simm.s32 @!p1 $0x1082;
	[sflag:s4] =	ssyncset.s32 $0xFFFFF086  }
0x25: {  	[simem:s6], [sflag:s4] =	dma.local [hbm:s3], $0xF7A  }
0x26: {  	[smem:$0x3F9D] =	sst s1;
	(tag) =	ssettag s2;
	_ =	strace s9  }
0x27: {  	s1 =	sld [smem:$0x3FAD]  }
0x28: {  	s2 =	sld [smem:$0x3FAE]  }
0x29: {  	s4 =	sld [smem:$0x3FB0]  }
0x2a: {  	p0 =	seq.s32 s5, $0x0;
	s5 =	sld [smem:$0x3FB1]  }
0x2b: {  	s6 =	sld [smem:$0x3FB2]  }
0x2c: {  	s7 =	sld [smem:$0x3FB3]  }
0x2d: {  	s3 =	simm.s32 $0x108;
	s8 =	sld [smem:$0x3FB4]  }
0x2e: {  	s3 =	simm.s32 @!p0 $0x1082;
	s9 =	sld [smem:$0x3FB5]  }
0x2f: {  	lr =	sadd.s32 s0, s3;
	s0 =	sld [smem:$0x3FAC]  }
0x30: {  	s3 =	sld [smem:$0x3FAF]  }
0x31: {  	[smem:$0x3FB8] =	sst s10  }
0x32: {  	s10 =	sld [smem:$0x3FB6];
	_ =	sdelay $0x3  }
0x33: {  	p0 =	seq.s32 s10, $0x1;
	s10 =	sld [smem:$0x3FB8];
	_ =	sdelay $0x3  }
0x34: {  	[smem:$0x3FB8] =	sst s10  }
0x35: {  	s10 =	sld [smem:$0x3FB7];
	_ =	sdelay $0x3  }
0x36: {  	p1 =	seq.s32 s10, $0x1;
	s10 =	sld [smem:$0x3FB8];
	_ =	sdelay $0x3  }
0x37: {  	[smem:$0x3FB8] =	sst s10  }
0x38: {  	s10 =	sld [smem:$0x3FB9]  }
0x39: {  	_ = 	snop;
	(pc) =	sbr.ind lr, $3  }
0x3a: {  	_ = 	snop  }
0x3b: {  	_ = 	snop  }
0x3c: {  	p2 =	seq.s32 s10, $0x1;
	s10 =	sld [smem:$0x3FB8]  }
0x3d: {  	_ =	shalt  }
0x3e: {  	_ =	shalt  }
0x3f: {  	_ =	shalt  }
0x40: {  	_ =	shalt  }
0x41: {  	_ =	shalt  }
0x42: {  	_ =	shalt  }
0x43: {  	_ =	shalt  }
0x44: {  	_ =	shalt  }
0x45: {  	_ =	shalt  }
0x46: {  	_ =	shalt  }
0x47: {  	_ =	shalt  }
0x48: {  	_ =	shalt  }
0x49: {  	_ =	shalt  }
0x4a: {  	_ =	shalt  }
0x4b: {  	_ =	shalt  }
0x4c: {  	_ =	shalt  }
0x4d: {  	_ =	shalt  }
0x4e: {  	_ =	shalt  }
0x4f: {  	_ =	shalt  }
0x50: {  	_ =	shalt  }
0x51: {  	_ =	shalt  }
0x52: {  	_ =	shalt  }
0x53: {  	_ =	shalt  }
0x54: {  	_ =	shalt  }
0x55: {  	_ =	shalt  }
0x56: {  	_ =	shalt  }
0x57: {  	_ =	shalt  }
0x58: {  	_ =	shalt  }
0x59: {  	_ =	shalt  }
0x5a: {  	_ =	shalt  }
0x5b: {  	_ =	shalt  }
0x5c: {  	_ =	shalt  }
0x5d: {  	_ =	shalt  }
0x5e: {  	_ =	shalt  }
0x5f: {  	_ =	shalt  }
0x60: {  	_ =	shalt  }
0x61: {  	_ =	shalt  }
0x62: {  	_ =	shalt  }
0x63: {  	_ =	shalt  }
0x64: {  	_ =	shalt  }
0x65: {  	_ =	shalt  }
0x66: {  	_ =	shalt  }
0x67: {  	_ =	shalt  }
0x68: {  	_ =	shalt  }
0x69: {  	_ =	shalt  }
0x6a: {  	_ =	shalt  }
0x6b: {  	_ =	shalt  }
0x6c: {  	_ =	shalt  }
0x6d: {  	_ =	shalt  }
0x6e: {  	_ =	shalt  }
0x6f: {  	_ =	shalt  }
0x70: {  	_ =	shalt  }
0x71: {  	_ =	shalt  }
0x72: {  	_ =	shalt  }
0x73: {  	_ =	shalt  }
0x74: {  	_ =	shalt  }
0x75: {  	_ =	shalt  }
0x76: {  	_ =	shalt  }
0x77: {  	_ =	shalt  }
0x78: {  	_ =	shalt  }
0x79: {  	_ =	shalt  }
0x7a: {  	_ =	shalt  }
0x7b: {  	_ =	shalt  }
0x7c: {  	_ =	shalt  }
0x7d: {  	_ =	shalt  }
0x7e: {  	_ =	shalt  }
0x7f: {  	_ =	shalt  }
0x80: {  	_ =	shalt  }
0x81: {  	_ =	shalt  }
0x82: {  	_ =	shalt  }
0x83: {  	_ =	shalt  }
0x84: {  	_ =	shalt  }
0x85: {  	_ =	shalt  }
0x86: {  	_ =	shalt  }
0x87: {  	_ =	shalt  }
.Lfunc_end0:
.L_simem_size_0:
called_computation.4_lowered:
.L_overlay_start_0:
0x88: {  	s2 =	sld [smem:$0x3FD9]  }
0x89: {  	s3 =	sld [smem:$0x3FFE];
	_ =	sdelay $0x1  }
0x8a: {  	s1 =	srdreg.scid  }
0x8b: {  	s0 =	sand.u32 $0x1, s1  }
0x8c: {  	s17 =	sshll.u32 s0, $0xA;
	s2 =	sadd.s32 s3, s2  }
0x8d: {  	s2 =	sadd.s32 s2, s17  }
0x8e: {  	[smem:$0x3FC4] =	sst s2  }
0x8f: {  	_ = 	snop  }
0x90: {  	(tm) =	ssettm $0x1  }
0x91: {  	s18 =	sld [smem:$0x3FFB];
	_ =	sdelay $0x3  }
0x92: {  	_ =	strace s18  }
0x93: {  	s2 =	sld [smem:$0x3FFC];
	_ =	sdelay $0x3  }
0x94: {  	_ =	strace s2  }
0x95: {  	s2 =	sld [smem:$0x3FFD];
	_ =	sdelay $0x3  }
0x96: {  	_ =	strace s2  }
0x97: {  	_ =	strace $0x8FFFFFFF  }
0x98: {  	s19 =	sld [smem:$0x3FDB];
	_ =	sdelay $0x1  }
0x99: {  	s20 =	simm.s32 $_scs_section_size  }
0x9a: {  	s4 =	simm.s32 $_size__tile_overlayer_lowered;
	s5 =	simm.s32 $_tile_overlayer_lowered  }
0x9b: {  	s6 =	simm.s32 $0x1BFF;
	s21 =	sshll.u32 s5, $0x1;
	s3 =	sadd.s32 s20, s19  }
0x9c: {  	s22 =	simm.s32 $0x0;
	s4 =	sshll.u32 s4, $0x1;
	s5 =	sadd.s32 s21, s3  }
0x9d: {  	[timem:s22], [sflag:s6] =	dma.local [hbm:s5], s4  }
0x9e: {  	_ =	swait.ge [sflag:s6], s4  }
0x9f: {  	s4 =	ssub.s32 $0x0, s4;
	[sflag:s6] =	ssyncset.done $0x0  }
0xa0: {  	[sflag:s6] =	ssyncadd.s32 s4;
	_ =	sdelay $0x1  }
0xa1: {  	s23 =	simm.s32 $0x1B8B  }
0xa2: {  	_ =	swait.ge [sflag:s23], $0x1  }
0xa3: {  	[sflag:s23] =	ssyncset.done $0x0  }
0xa4: {  	[sflag:s23] =	ssyncadd.s32 $0xFFFFFFFF  }
0xa5: {  	s4 =	sld [smem:$0x0]  }
0xa6: {  	s5 =	sand.u32 $0xFFFFFFFE, s1  }
0xa7: {  	p0 =	sne.s32 s1, s5  }
0xa8: {  	s5 =	sshll.u32 @p0 s5, $0xE  }
0xa9: {  	s5 =	sadd.s32 @p0 $0x11B8D, s5;
	s6 =	sshll.u32 @p0 s4, $0x11  }
0xaa: {  	s5 =	sor.u32 @p0 s6, s5  }
0xab: {  	[sflag:s5] =	ssyncadd.remote.s32 @p0 $0x1;
	_ =	sdelay $0x1  }
0xac: {  	s5 =	simm.s32 @p0 $0x1B8D  }
0xad: {  	_ =	swait.eq @p0 [sflag:s5], $0x1  }
0xae: {  	[sflag:s5] =	ssyncadd.s32 @p0 $0xFFFFFFFF  }
0xaf: {  	s6 =	sshll.u32 @!p0 s1, $0xE  }
0xb0: {  	s6 =	sor.u32 @!p0 $0x4000, s6;
	s5 =	simm.s32 @!p0 $0x1B8D  }
0xb1: {  	s4 =	sshll.u32 @!p0 s4, $0x11;
	s6 =	sadd.s32 @!p0 $0x11B8D, s6;
	_ =	swait.eq @!p0 [sflag:s5], $0x1  }
0xb2: {  	s4 =	sor.u32 @!p0 s4, s6;
	[sflag:s5] =	ssyncadd.s32 @!p0 $0xFFFFFFFF  }
0xb3: {  	s25 =	simm.s32 $0x1B8E;
	s24 =	sld [smem:$0x3FFE];
	[sflag:s4] =	ssyncadd.remote.s32 @!p0 $0x1  }
0xb4: {  	s26 =	simm.s32 $execute0_lowered;
	[smem:$0x3FD2] =	sst s25  }
0xb5: {  	s5 =	sshll.u32 s26, $0x1;
	_ =	strace $0x80000052;
	[dreg:$0x1] =	wrdreg $0xFFFFFFFF  }
0xb6: {  	s28 =	simm.s32 $_size_execute0_lowered;
	s3 =	sadd.s32 s3, s5;
	[dreg:$0x0] =	wrdreg $0x0  }
0xb7: {  	s5 =	sshll.u32 s28, $0x1;
	[dreg:$0x2] =	wrdreg s3  }
0xb8: {  	[dreg:$0x3] =	wrdreg s5  }
0xb9: {  	[dreg:$0x4] =	wrdreg $0xC0  }
0xba: {  	_ =	task [dreg:s22], $0x5FFFF  }
0xbb: {  	[dreg:$0x1] =	wrdreg $0xFFFFFFFF  }
0xbc: {  	[dreg:$0x0] =	wrdreg $0x60  }
0xbd: {  	[dreg:$0x2] =	wrdreg s24  }
0xbe: {  	[dreg:$0x3] =	wrdreg $0xD  }
0xbf: {  	_ =	task.clear_ibuf [dreg:s22], $0x4FFFF;
	_ =	strace $0x90000052  }
0xc0: {  	s29 =	simm.s32 $0xD;
	_ =	strace $0x80000054  }
0xc1: {  	_ =	swait.ge [sflag:s29], $0x1  }
0xc2: {  	[sflag:s29] =	ssyncadd.s32 $0xFFFFFFFF  }
0xc3: {  	_ =	strace $0x90000054  }
0xc4: {  	_ =	sfence  }
0xc5: {  	s30 =	sld [smem:$0x0];
	_ =	sdelay $0x2  }
0xc6: {  	s31 =	sshll.u32 s1, $0xD;
	s1 =	sshrl.u32 s1, $0x2  }
0xc7: {  	s4 =	sand.u32 $0x4000, s31;
	s1 =	sadd.s32 s1, s30  }
0xc8: {  	s0 =	sor.u32 s4, s0;
	s1 =	sshll.u32 s1, $0x11  }
0xc9: {  	s0 =	sor.u32 s1, s0  }
0xca: {  	s0 =	sadd.s32 $0x8F2B, s0  }
0xcb: {  	[sflag:s0] =	ssyncadd.remote.s32 $0x1  }
0xcc: {  	_ =	sfence.sel $0xFFFF  }
0xcd: {  	[dreg:$0x0] =	wrdreg $0xFFFFFFFF;
	(pc) =	sbr.abs _section_cstart, $3  }
0xce: {  	[dreg:$0x1] =	wrdreg $0xFFFFFFFF  }
0xcf: {  	_ =	task.clear_ibuf [dreg:s22], $0x2FFFF;
	_ =	strace $0x9FFFFFFF  }
0xd0: {  	(tm) =	ssettm $0x7FFFFFFF  }
0xd1: {  	_ =	shalt  }
tec
execute0_lowered:
.L_overlay_start_1:
0x0: {  	(tag) =	ssettag $0x1  }
0x1: {  	s1 =	srdreg.scid;
	s0 =	stileid.u32  }
0x2: {  	s4 =	rddreg [dreg:$0x0];
	s2 =	simm.s32 $0x0;
	s12 =	simm.s32 $0x5400  }
0x3: {  	s13 =	simm.s32 $0x100;
	s14 =	simm.s32 $0x9400;
	s15 =	simm.s32 $0x180  }
0x4: {  	s16 =	simm.s32 $0xD400;
	s17 =	simm.s32 $0x200;
	s18 =	simm.s32 $0x11400  }
0x5: {  	s19 =	simm.s32 $0x1;
	s20 =	simm.s32 $0x2;
	s21 =	simm.s32 $0x0  }
0x6: {  	s5 =	sand.u32 $0x1, s1;
	s3 =	sshll.u32 s0, $0x1;
	s1 =	rddreg [dreg:$0x1]  }
0x7: {  	[smem:$0x7FF] =	sst s2;
	s9 =	smul.u32 $0x28000, s0;
	s10 =	sadd.s32 $0x11DAE00, s4  }
0x8: {  	s6 =	sor.u32 s5, s3;
	_ =	strace $0x80000053;
	s11 =	smul.u32 $0x14000, s5  }
0x9: {  	s3 =	sadd.s32 $0x6E00, s4;
	s8 =	ssub.s32 $0x2, s5;
	s7 =	smul.u32 $0x1400, s6  }
0xa: {  	s6 =	smul.u32 $0x14000, s6;
	s28 =	sshrl.u32 s8, $0x1;
	s30 =	sadd.s32 s9, s10  }
0xb: {  	s9 =	simm.s32 $0x3;
	s29 =	ssub.s32 s8, s28;
	s31 =	sadd.s32 s11, s30  }
0xc: {  	s11 =	simm.s32 $0x1400;
	s7 =	sshrl.u32 s7, $0x3;
	s5 =	smax.u32 s29, $0x1  }
0xd: {  	s6 =	sadd.s32 s10, s6;
	s8 =	sadd.s32 $0x3800, s31;
	s7 =	sadd.s32 s7, s4  }
0xe: {  	s10 =	simm.s32 $0x80;
	s4 =	sadd.s32 $0xA55E00, s7;
	s7 =	sadd.s32 $0x1000, s6  }
.LBB2_1:
0xf: {  	[tilespmem:s2], [sflag:$0x3] =	stream.linear.gather [hbm4b:s4+s2], $0x1400, $0x38;
	[tilespmem:$0x15400] =	vst v63  }
0x10: {  	_ =	swait.ge [sflag:s9], $0x1400  }
0x11: {  	[sflag:s9] =	ssyncset.done $0x0  }
0x12: {  	[sflag:s9] =	ssyncadd.s32 $0xFFFFEC00  }
0x13: {  	[tilespmem:s11], [sflag:$0x1] =	stream.indirect.gather [hbm4b:s3+s10], $0x80, s2, s10, $0xb8;
	[tilespmem:$0x15400] =	vst v63  }
0x14: {  	_ = 	snop  }
0x15: {  	[tilespmem:s12], [sflag:$0x1] =	stream.indirect.gather [hbm4b:s3+s10], $0x80, s10, s10, $0xb8;
	[tilespmem:$0x15400] =	vst v63  }
0x16: {  	_ = 	snop  }
0x17: {  	[tilespmem:s14], [sflag:$0x1] =	stream.indirect.gather [hbm4b:s3+s10], $0x80, s13, s10, $0xb8;
	[tilespmem:$0x15400] =	vst v63  }
0x18: {  	_ = 	snop  }
0x19: {  	[tilespmem:s16], [sflag:$0x1] =	stream.indirect.gather [hbm4b:s3+s10], $0x80, s15, s10, $0xb8;
	[tilespmem:$0x15400] =	vst v63  }
0x1a: {  	_ = 	snop  }
0x1b: {  	[tilespmem:s18], [sflag:$0x1] =	stream.indirect.gather [hbm4b:s3+s10], $0x80, s17, s10, $0xb8;
	[tilespmem:$0x15400] =	vst v63  }
0x1c: {  	_ =	swait.ge [sflag:s19], $0x4000  }
0x1d: {  	[sflag:s19] =	ssyncset.done $0x0  }
0x1e: {  	[sflag:s19] =	ssyncadd.s32 $0xFFFFC000  }
0x1f: {  	_ =	swait.ge [sflag:s19], $0x4000  }
0x20: {  	[sflag:s19] =	ssyncset.done $0x0  }
0x21: {  	[sflag:s19] =	ssyncadd.s32 $0xFFFFC000  }
0x22: {  	[hbm4b:s6+s2] =	stream.linear.scatter [tilespmem:s11], [sflag:$0x2], $0x8000, $0x38;
	[tilespmem:$0x15400] =	vst v63  }
0x23: {  	_ =	swait.ge [sflag:s19], $0x4000  }
0x24: {  	[sflag:s19] =	ssyncset.done $0x0  }
0x25: {  	[sflag:s19] =	ssyncadd.s32 $0xFFFFC000  }
0x26: {  	_ =	swait.ge [sflag:s19], $0x4000  }
0x27: {  	[sflag:s19] =	ssyncset.done $0x0  }
0x28: {  	[sflag:s19] =	ssyncadd.s32 $0xFFFFC000  }
0x29: {  	_ =	swait.ge [sflag:s19], $0x4000  }
0x2a: {  	[sflag:s19] =	ssyncset.done $0x0  }
0x2b: {  	[sflag:s19] =	ssyncadd.s32 $0xFFFFC000  }
0x2c: {  	[hbm4b:s7+s2] =	stream.linear.scatter [tilespmem:s14], [sflag:$0x2], $0xC000, $0x38;
	[tilespmem:$0x15400] =	vst v63  }
0x2d: {  	_ =	swait.ge [sflag:s20], $0x8000  }
0x2e: {  	[sflag:s20] =	ssyncset.done $0x0  }
0x2f: {  	[sflag:s20] =	ssyncadd.s32 $0xFFFF8000  }
0x30: {  	_ =	swait.ge [sflag:s20], $0xC000  }
0x31: {  	[sflag:s20] =	ssyncset.done $0x0  }
0x32: {  	s22 =	simm.s32 $0x280;
	[sflag:s20] =	ssyncadd.s32 $0xFFFF4000  }
0x33: {  	[tilespmem:s11], [sflag:$0x1] =	stream.indirect.gather [hbm4b:s3+s10], $0x80, s22, s10, $0xb8;
	[tilespmem:$0x15400] =	vst v63  }
0x34: {  	s26 =	simm.s32 $0x300  }
0x35: {  	[tilespmem:s12], [sflag:$0x1] =	stream.indirect.gather [hbm4b:s3+s10], $0x80, s26, s10, $0xb8;
	[tilespmem:$0x15400] =	vst v63  }
0x36: {  	s28 =	simm.s32 $0x380  }
0x37: {  	[tilespmem:s14], [sflag:$0x1] =	stream.indirect.gather [hbm4b:s3+s10], $0x80, s28, s10, $0xb8;
	[tilespmem:$0x15400] =	vst v63  }
0x38: {  	s29 =	simm.s32 $0x400  }
0x39: {  	[tilespmem:s16], [sflag:$0x1] =	stream.indirect.gather [hbm4b:s3+s10], $0x80, s29, s10, $0xb8;
	[tilespmem:$0x15400] =	vst v63  }
0x3a: {  	s30 =	simm.s32 $0x480  }
0x3b: {  	[tilespmem:s18], [sflag:$0x1] =	stream.indirect.gather [hbm4b:s3+s10], $0x80, s30, s10, $0xb8;
	[tilespmem:$0x15400] =	vst v63  }
0x3c: {  	_ =	swait.ge [sflag:s19], $0x4000  }
0x3d: {  	[sflag:s19] =	ssyncset.done $0x0  }
0x3e: {  	[sflag:s19] =	ssyncadd.s32 $0xFFFFC000  }
0x3f: {  	_ =	swait.ge [sflag:s19], $0x4000  }
0x40: {  	[sflag:s19] =	ssyncset.done $0x0  }
0x41: {  	s31 =	sadd.s32 $0xFFFFF000, s8;
	[sflag:s19] =	ssyncadd.s32 $0xFFFFC000  }
0x42: {  	[hbm4b:s31+s2] =	stream.linear.scatter [tilespmem:s11], [sflag:$0x2], $0x8000, $0x38;
	[tilespmem:$0x15400] =	vst v63  }
0x43: {  	_ =	swait.ge [sflag:s19], $0x4000  }
0x44: {  	[sflag:s19] =	ssyncset.done $0x0  }
0x45: {  	[sflag:s19] =	ssyncadd.s32 $0xFFFFC000  }
0x46: {  	_ =	swait.ge [sflag:s19], $0x4000  }
0x47: {  	[sflag:s19] =	ssyncset.done $0x0  }
0x48: {  	[sflag:s19] =	ssyncadd.s32 $0xFFFFC000  }
0x49: {  	_ =	swait.ge [sflag:s19], $0x4000  }
0x4a: {  	s23 =	sadd.s32 $0x2800, s8;
	[sflag:s19] =	ssyncset.done $0x0  }
0x4b: {  	s24 =	smov.u32 s8;
	s22 =	simm.s32 $0xA00;
	[sflag:s19] =	ssyncadd.s32 $0xFFFFC000  }
.LBB2_2:
0x4c: {  	[hbm4b:s24+s2] =	stream.linear.scatter [tilespmem:s14], [sflag:$0x2], $0xC000, $0x38;
	[tilespmem:$0x15400] =	vst v63  }
0x4d: {  	s25 =	smov.u32 s22;
	s24 =	smov.u32 s23  }
0x4e: {  	p0 =	sne.s32 s22, $0x3C00;
	s22 =	sadd.s32 $0xA00, s22;
	_ =	swait.ge [sflag:s20], $0x8000  }
0x4f: {  	[sflag:s20] =	ssyncset.done $0x0  }
0x50: {  	[sflag:s20] =	ssyncadd.s32 $0xFFFF8000  }
0x51: {  	_ =	swait.ge [sflag:s20], $0xC000  }
0x52: {  	s25 =	sshra.s32 s25, $0x2;
	[sflag:s20] =	ssyncset.done $0x0  }
0x53: {  	s26 =	sadd.s32 $0x280, s25;
	[sflag:s20] =	ssyncadd.s32 $0xFFFF4000  }
0x54: {  	[tilespmem:s11], [sflag:$0x1] =	stream.indirect.gather [hbm4b:s3+s10], $0x80, s26, s10, $0xb8;
	[tilespmem:$0x15400] =	vst v63  }
0x55: {  	s26 =	sadd.s32 $0x300, s25  }
0x56: {  	[tilespmem:s12], [sflag:$0x1] =	stream.indirect.gather [hbm4b:s3+s10], $0x80, s26, s10, $0xb8;
	[tilespmem:$0x15400] =	vst v63  }
0x57: {  	s26 =	sadd.s32 $0x380, s25  }
0x58: {  	[tilespmem:s14], [sflag:$0x1] =	stream.indirect.gather [hbm4b:s3+s10], $0x80, s26, s10, $0xb8;
	[tilespmem:$0x15400] =	vst v63  }
0x59: {  	s26 =	sadd.s32 $0x400, s25  }
0x5a: {  	[tilespmem:s16], [sflag:$0x1] =	stream.indirect.gather [hbm4b:s3+s10], $0x80, s26, s10, $0xb8;
	[tilespmem:$0x15400] =	vst v63  }
0x5b: {  	s25 =	sadd.s32 $0x480, s25  }
0x5c: {  	[tilespmem:s18], [sflag:$0x1] =	stream.indirect.gather [hbm4b:s3+s10], $0x80, s25, s10, $0xb8;
	[tilespmem:$0x15400] =	vst v63  }
0x5d: {  	_ =	swait.ge [sflag:s19], $0x4000  }
0x5e: {  	[sflag:s19] =	ssyncset.done $0x0  }
0x5f: {  	[sflag:s19] =	ssyncadd.s32 $0xFFFFC000  }
0x60: {  	_ =	swait.ge [sflag:s19], $0x4000  }
0x61: {  	[sflag:s19] =	ssyncset.done $0x0  }
0x62: {  	s25 =	sadd.s32 $0xFFFFF000, s23;
	[sflag:s19] =	ssyncadd.s32 $0xFFFFC000  }
0x63: {  	[hbm4b:s25+s2] =	stream.linear.scatter [tilespmem:s11], [sflag:$0x2], $0x8000, $0x38;
	[tilespmem:$0x15400] =	vst v63  }
0x64: {  	_ =	swait.ge [sflag:s19], $0x4000  }
0x65: {  	[sflag:s19] =	ssyncset.done $0x0  }
0x66: {  	[sflag:s19] =	ssyncadd.s32 $0xFFFFC000  }
0x67: {  	_ =	swait.ge [sflag:s19], $0x4000  }
.Ltmp0:
0x68: {  	[sflag:s19] =	ssyncset.done $0x0;
	(pc) =	sbr.rel @p0 .LBB2_2-.Ltmp0, $4  }
0x69: {  	[sflag:s19] =	ssyncadd.s32 $0xFFFFC000  }
0x6a: {  	_ =	swait.ge [sflag:s19], $0x4000  }
0x6b: {  	[sflag:s19] =	ssyncset.done $0x0  }
0x6c: {  	s23 =	sadd.s32 $0x2800, s23;
	[sflag:s19] =	ssyncadd.s32 $0xFFFFC000  }
0x6d: {  	[hbm4b:s24+s2] =	stream.linear.scatter [tilespmem:s14], [sflag:$0x2], $0xC000, $0x38;
	[tilespmem:$0x15400] =	vst v63  }
0x6e: {  	s21 =	sadd.s32 $0x1, s21  }
0x6f: {  	_ =	swait.ge [sflag:s20], $0x8000;
	p0 =	sne.s32 s21, s5  }
.Ltmp1:
0x70: {  	[sflag:s20] =	ssyncset.done $0x0;
	(pc) =	sbr.rel @p0 .LBB2_1-.Ltmp1, $4  }
0x71: {  	[sflag:s20] =	ssyncadd.s32 $0xFFFF8000  }
0x72: {  	_ =	swait.ge [sflag:s20], $0xC000  }
0x73: {  	[sflag:s20] =	ssyncset.done $0x0  }
0x74: {  	[sflag:s20] =	ssyncadd.s32 $0xFFFF4000  }
0x75: {  	_ =	sfence.sel $0x180000  }
0x76: {  	[bflag:$0x0] =	sbarrier.arrive $0xFFFF  }
0x77: {  	p0 =	sne.s32 s0, $0x0;
	_ =	strace $0x90000053  }
0x78: {  	s0 =	sadd.s32 @!p0 $0x100000, s1;
	[bflag:$0x2] =	sbarrier.arrive $0xFFFF  }
0x79: {  	[sflag:s0] =	ssyncadd.tile.s32 @!p0 $0x1;
	_ =	shalt  }
.Lfunc_end2:
_tile_overlayer_lowered:
.L_overlay_start_2:
0x7a: {  	(tag) =	ssettag $0x2  }
0x7b: {  	s0 =	rddreg [dreg:$0x0];
	s2 =	stileid.u32  }
0x7c: {  	s1 =	rddreg [dreg:$0x1];
	p0 =	sne.s32 s2, $0x0  }
0x7d: {  	s3 =	rddreg [dreg:$0x2];
	[bflag:$0x3] =	sbarrier.arrive $0xFFFF;
	s2 =	simm.s32 @!p0 $0x1C03  }
0x7e: {  	[timem:s3], [sflag:s2] =	dma.local @!p0 [hbm:s0], s1  }
0x7f: {  	s0 =	simm.s32 @!p0 $0x3  }
0x80: {  	_ =	swait.ge @!p0 [sflag:s0], s1  }
0x81: {  	s1 =	ssub.s32 @!p0 $0x0, s1;
	[sflag:s0] =	ssyncset.done @!p0 $0x0  }
0x82: {  	[sflag:s0] =	ssyncadd.s32 @!p0 s1  }
0x83: {  	[bflag:$0x3] =	sbarrier.arrive $0xFFFF  }
0x84: {  	_ =	shalt  }

</sc_bundles>
